<compile_context>
chip_gen: v7x
topology: tpu7x:2x2x1
jax: 0.10.2.dev20260603
libtpu: 0.0.44.dev20260713+nightly
codegen_flags: <defaults>
</compile_context>

<pallas_src>
import jax
import jax.numpy as jnp
from jax import lax
from jax.experimental import pallas as pl
from jax.experimental.pallas import tpu as pltpu
from jax.experimental.pallas import tpu_sc as plsc

B, T, N, C = 16, 12, 2048, 4
H = 80
TODC = 24
DHC = 8
ADPC = 40
OUTC = 152
STEPS = 288
CH = 128
NCH = N // CH
NW = 32
COMBOS = T * NCH
PER_W = COMBOS // NW
NK = PER_W * B
XSZ = CH * C


def _body(x3, w, b, todf, dhf, adp, out, w_v, b_v, tod_v, dh_v,
          x_v, hb, adp_v, sem_in, sem_out, sem_ain):
    cc = lax.axis_index("c")
    ss = lax.axis_index("s")
    wid = ss * 2 + cc

    pltpu.sync_copy(w, w_v)
    pltpu.sync_copy(b, b_v)
    pltpu.sync_copy(todf, tod_v)
    pltpu.sync_copy(dhf, dh_v)

    lane = lax.iota(jnp.int32, 16)
    cidx = [jnp.full((16,), i, jnp.int32) for i in range(8)]
    ws = [[w_v[d, pl.ds(j * 16, 16)] for j in range(5)] for d in range(4)]
    bs = [b_v[pl.ds(j * 16, 16)] for j in range(5)]

    def chunk_coords(k):
        ci = k // B
        bb = k % B
        cid = wid * PER_W + ci
        t = cid // NCH
        n0 = pl.multiple_of((cid % NCH) * CH, CH)
        return ci, bb, t, n0

    def in_descs(k):
        ci, bb, t, n0 = chunk_coords(k)
        slot = k % 2
        xs = pl.multiple_of(slot * XSZ, XSZ)
        rs = pl.multiple_of(slot * CH, CH)
        return [
            pltpu.make_async_copy(
                x3.at[bb, t, pl.ds(pl.multiple_of(n0 * C, XSZ), XSZ)],
                x_v.at[pl.ds(xs, XSZ)], sem_in.at[slot]),
            pltpu.make_async_copy(
                adp.at[t, pl.ds(n0, CH), :],
                adp_v.at[pl.ds(rs, CH), :], sem_ain.at[slot]),
        ]

    def issue_in(k):
        for d in in_descs(k):
            d.start()

    def out_desc(k):
        ci, bb, t, n0 = chunk_coords(k)
        slot = k % 2
        rs = pl.multiple_of(slot * CH, CH)
        return pltpu.make_async_copy(hb.at[pl.ds(rs, CH), :],
                                     out.at[bb, t, pl.ds(n0, CH), :],
                                     sem_out.at[slot])

    issue_in(0)

    def chunk_body(k, carry):
        ci, bb, t, n0 = chunk_coords(k)
        slot = k % 2

        xd, ad = in_descs(k)
        xd.wait()
        ad.wait()

        @pl.when(k + 1 < NK)
        def _():
            issue_in(k + 1)

        @pl.when(k >= 2)
        def _():
            out_desc(k - 2).wait()

        xbase = slot * XSZ
        rbase = slot * CH

        def h_body(p2):
            xx = x_v[pl.ds(pl.multiple_of(xbase + p2 * 8, 8), 16)]
            for pt in range(2):
                p = p2 * 2 + pt
                r = rbase + p
                bc = [jnp.take_along_axis(xx, cidx[pt * 4 + d], axis=0)
                      for d in range(4)]
                for j in range(5):
                    acc = bs[j] + bc[0] * ws[0][j]
                    acc = acc + bc[1] * ws[1][j]
                    acc = acc + bc[2] * ws[2][j]
                    acc = acc + bc[3] * ws[3][j]
                    hb[r, pl.ds(j * 16, 16)] = acc
                hb[r, pl.ds(112, 16)] = adp_v[r, pl.ds(0, 16)]
                hb[r, pl.ds(128, 16)] = adp_v[r, pl.ds(16, 16)]
                hb[r, pl.ds(136, 16)] = adp_v[r, pl.ds(24, 16)]
        plsc.parallel_loop(0, CH // 2, 1, unroll=2)(h_body)

        def g_body(g):
            rows = g * 16 + lane
            xoff = xbase + rows * C
            tod_f = plsc.load_gather(x_v, [xoff + 1])
            dow_f = plsc.load_gather(x_v, [xoff + 2])
            hol_f = plsc.load_gather(x_v, [xoff + 3])
            tod_i = jnp.clip((tod_f * float(STEPS)).astype(jnp.int32),
                             0, STEPS - 1)
            toff = tod_i * TODC
            dh_i = (jnp.clip(dow_f.astype(jnp.int32), 0, 1) * 2
                    + jnp.clip(hol_f.astype(jnp.int32), 0, 1))
            dhoff = dh_i * DHC
            hrows = rbase + rows
            for ch in range(TODC):
                v = plsc.load_gather(tod_v, [toff + ch])
                plsc.store_scatter(
                    hb, [hrows, jnp.full((16,), H + ch, jnp.int32)], v)
            for ch in range(DHC):
                v = plsc.load_gather(dh_v, [dhoff + ch])
                plsc.store_scatter(
                    hb, [hrows, jnp.full((16,), H + TODC + ch, jnp.int32)],
                    v)
        plsc.parallel_loop(0, CH // 16, 1, unroll=1)(g_body)

        out_desc(k).start()
        return carry

    lax.fori_loop(0, NK, chunk_body, 0)

    out_desc(NK - 2).wait()
    out_desc(NK - 1).wait()


def kernel(x, W_in, b_in, tod_table, dow_table, hol_table, adaptive_emb):
    x3 = x.reshape(B, T, N * C)
    todf = tod_table.reshape(-1)
    dhf = jnp.concatenate(
        [jnp.repeat(dow_table, 2, axis=0), jnp.tile(hol_table, (2, 1))],
        axis=1).reshape(-1)

    mesh = plsc.VectorSubcoreMesh(core_axis_name="c", subcore_axis_name="s")
    run = pl.kernel(
        _body,
        out_type=jax.ShapeDtypeStruct((B, T, N, OUTC), jnp.float32),
        mesh=mesh,
        compiler_params=pltpu.CompilerParams(use_tc_tiling_on_sc=True,
                                             needs_layout_passes=False),
        scratch_types=[
            pltpu.VMEM((C, H), jnp.float32),
            pltpu.VMEM((H,), jnp.float32),
            pltpu.VMEM((STEPS * TODC,), jnp.float32),
            pltpu.VMEM((4 * DHC,), jnp.float32),
            pltpu.VMEM((2 * XSZ,), jnp.float32),
            pltpu.VMEM((2 * CH, OUTC), jnp.float32),
            pltpu.VMEM((2 * CH, ADPC), jnp.float32),
            pltpu.SemaphoreType.DMA((2,)),
            pltpu.SemaphoreType.DMA((2,)),
            pltpu.SemaphoreType.DMA((2,)),
        ],
    )
    return run(x3, W_in, b_in, todf, dhf, adaptive_emb)

# --- scband reference (transcript-rebuilt; emitter-appended) ---
"""Pipeline reference for scband-encoder-77584289234972 (READ-ONLY COPY).

The authoritative reference and input builder live on the scoring server;
editing this copy changes nothing except your own understanding.
"""

import jax, jax.numpy as jnp
import numpy as np

STEPS_PER_DAY = 288


def setup_inputs(seed: int = 0) -> dict:
    key = jax.random.key(seed)
    ks = jax.random.split(key, 8)
    B, T, N, D_IN = 16, 12, 2048, 4
    INPUT_EMB, TOD_EMB = 80, 24
    DOW_EMB = 8 * 3 // 4  # 6
    HOL_EMB = 8 // 4      # 2
    ADP_EMB = 152 - 80 - 24 - 8 - 0  # 40
    # x: channel 0 = value, channel 1 = time-of-day fraction in [0,1),
    # channel 2 = day-of-week flag in {0,1}-ish, channel 3 = holiday flag.
    # uniform [0,1) keeps (tod*288).long() in [0,287] and dow/hol .long() == 0 (in-range for size-2 tables).
    x = jax.random.uniform(ks[0], (B, T, N, D_IN), dtype=jnp.float32)
    def xavier(k, shape):
        fan_in, fan_out = shape[-2] if len(shape) > 1 else shape[0], shape[-1]
        limit = float(np.sqrt(6.0 / (fan_in + fan_out)))
        return jax.random.uniform(k, shape, jnp.float32, -limit, limit)
    W_in = xavier(ks[1], (D_IN, INPUT_EMB))
    b_in = jnp.zeros((INPUT_EMB,), jnp.float32)
    tod_table = jax.random.normal(ks[2], (STEPS_PER_DAY, TOD_EMB), jnp.float32)
    dow_table = jax.random.normal(ks[3], (2, DOW_EMB), jnp.float32)
    hol_table = jax.random.normal(ks[4], (2, HOL_EMB), jnp.float32)
    adaptive_emb = xavier(ks[5], (T, N, ADP_EMB))
    return {
        "x": x,
        "W_in": W_in,
        "b_in": b_in,
        "tod_table": tod_table,
        "dow_table": dow_table,
        "hol_table": hol_table,
        "adaptive_emb": adaptive_emb,
    }


def reference(x, W_in, b_in, tod_table, dow_table, hol_table, adaptive_emb):
    batch_size = x.shape[0]
    input_dim = 4
    tod = x[..., 1]
    dow = x[..., 2]
    hol = x[..., 3]
    xi = x[..., :input_dim]
    h = jnp.einsum('btnd,de->btne', xi, W_in) + b_in
    features = [h]
    tod_idx = (tod * STEPS_PER_DAY).astype(jnp.int32)
    tod_emb = jnp.take(tod_table, tod_idx, axis=0)
    features.append(tod_emb)
    dow_emb = jnp.take(dow_table, dow.astype(jnp.int32), axis=0)
    features.append(dow_emb)
    hol_emb = jnp.take(hol_table, hol.astype(jnp.int32), axis=0)
    features.append(hol_emb)
    # spatial_embedding_dim == 0 -> node_emb branch skipped
    adp = jnp.broadcast_to(adaptive_emb, (batch_size,) + adaptive_emb.shape)
    features.append(adp)
    return jnp.concatenate(features, axis=-1)

if __name__ == "__main__":
    import jax
    _d = setup_inputs()
    print(jax.jit(kernel)(*tuple(_d.values())))

</pallas_src>

<mosaic_0001>
#map = affine_map<(d0, d1) -> (0, 0, 0)>
#map1 = affine_map<(d0, d1) -> (0, 0)>
#map2 = affine_map<(d0, d1) -> (0)>
#map3 = affine_map<(d0, d1) -> (0, 0, 0, 0)>
module attributes {stable_mosaic.version = 14 : i64} {
  func.func @_body(%arg0: i32, %arg1: i32, %arg2: memref<16x12x8192xf32, #tpu.memory_space<hbm>>, %arg3: memref<4x80xf32, #tpu.memory_space<hbm>>, %arg4: memref<80xf32, #tpu.memory_space<hbm>>, %arg5: memref<6912xf32, #tpu.memory_space<hbm>>, %arg6: memref<32xf32, #tpu.memory_space<hbm>>, %arg7: memref<12x2048x40xf32, #tpu.memory_space<hbm>>, %arg8: memref<16x12x2048x152xf32, #tpu.memory_space<hbm>>, %arg9: memref<4x80xf32, #tpu.memory_space<vmem>>, %arg10: memref<80xf32, #tpu.memory_space<vmem>>, %arg11: memref<6912xf32, #tpu.memory_space<vmem>>, %arg12: memref<32xf32, #tpu.memory_space<vmem>>, %arg13: memref<1024xf32, #tpu.memory_space<vmem>>, %arg14: memref<256x152xf32, #tpu.memory_space<vmem>>, %arg15: memref<256x40xf32, #tpu.memory_space<vmem>>, %arg16: memref<2x!tpu.dma_semaphore, #tpu.memory_space<semaphore_mem>>, %arg17: memref<2x!tpu.dma_semaphore, #tpu.memory_space<semaphore_mem>>, %arg18: memref<2x!tpu.dma_semaphore, #tpu.memory_space<semaphore_mem>>) attributes {dimension_semantics = [#tpu.dimension_semantics<core_parallel>, #tpu.dimension_semantics<subcore_parallel>], iteration_bounds = array<i64: 2, 16>, scalar_prefetch = 0 : i64, scratch_operands = 10 : i64, tpu.core_type = #tpu.core_type<sc_vector_subcore>, window_params = [{transform_indices = #map}, {transform_indices = #map1}, {transform_indices = #map2}, {transform_indices = #map2}, {transform_indices = #map2}, {transform_indices = #map}, {transform_indices = #map3}]} {
    %mul3A = arith.constant 2 : i32
    %mul3A_0 = arith.muli %arg1, %mul3A : i32
    %add3A = arith.addi %mul3A_0, %arg0 : i32
    "tpu.region"() ({
      %run_scoped3A = tpu.sem_alloc : memref<!tpu.dma_semaphore, #tpu.memory_space<semaphore_mem>>
      tpu.enqueue_dma source(%arg3 : memref<4x80xf32, #tpu.memory_space<hbm>>) target(%arg9 : memref<4x80xf32, #tpu.memory_space<vmem>>) target_semaphore(%run_scoped3A : memref<!tpu.dma_semaphore, #tpu.memory_space<semaphore_mem>>)
      tpu.wait_dma2 semaphore(%run_scoped3A : memref<!tpu.dma_semaphore, #tpu.memory_space<semaphore_mem>>) src(%arg3 : memref<4x80xf32, #tpu.memory_space<hbm>>) dst(%arg9 : memref<4x80xf32, #tpu.memory_space<vmem>>)
      tpu.yield
    }) : () -> ()
    "tpu.region"() ({
      %run_scoped3A = tpu.sem_alloc : memref<!tpu.dma_semaphore, #tpu.memory_space<semaphore_mem>>
      tpu.enqueue_dma source(%arg4 : memref<80xf32, #tpu.memory_space<hbm>>) target(%arg10 : memref<80xf32, #tpu.memory_space<vmem>>) target_semaphore(%run_scoped3A : memref<!tpu.dma_semaphore, #tpu.memory_space<semaphore_mem>>)
      tpu.wait_dma2 semaphore(%run_scoped3A : memref<!tpu.dma_semaphore, #tpu.memory_space<semaphore_mem>>) src(%arg4 : memref<80xf32, #tpu.memory_space<hbm>>) dst(%arg10 : memref<80xf32, #tpu.memory_space<vmem>>)
      tpu.yield
    }) : () -> ()
    "tpu.region"() ({
      %run_scoped3A = tpu.sem_alloc : memref<!tpu.dma_semaphore, #tpu.memory_space<semaphore_mem>>
      tpu.enqueue_dma source(%arg5 : memref<6912xf32, #tpu.memory_space<hbm>>) target(%arg11 : memref<6912xf32, #tpu.memory_space<vmem>>) target_semaphore(%run_scoped3A : memref<!tpu.dma_semaphore, #tpu.memory_space<semaphore_mem>>)
      tpu.wait_dma2 semaphore(%run_scoped3A : memref<!tpu.dma_semaphore, #tpu.memory_space<semaphore_mem>>) src(%arg5 : memref<6912xf32, #tpu.memory_space<hbm>>) dst(%arg11 : memref<6912xf32, #tpu.memory_space<vmem>>)
      tpu.yield
    }) : () -> ()
    "tpu.region"() ({
      %run_scoped3A = tpu.sem_alloc : memref<!tpu.dma_semaphore, #tpu.memory_space<semaphore_mem>>
      tpu.enqueue_dma source(%arg6 : memref<32xf32, #tpu.memory_space<hbm>>) target(%arg12 : memref<32xf32, #tpu.memory_space<vmem>>) target_semaphore(%run_scoped3A : memref<!tpu.dma_semaphore, #tpu.memory_space<semaphore_mem>>)
      tpu.wait_dma2 semaphore(%run_scoped3A : memref<!tpu.dma_semaphore, #tpu.memory_space<semaphore_mem>>) src(%arg6 : memref<32xf32, #tpu.memory_space<hbm>>) dst(%arg12 : memref<32xf32, #tpu.memory_space<vmem>>)
      tpu.yield
    }) : () -> ()
    %iota3A = tpu.iota {dimensions = array<i32: 0>} : vector<16xi32>
    %broadcast_in_dim3A = arith.constant 0 : i32
    %broadcast_in_dim3A_1 = vector.broadcast %broadcast_in_dim3A : i32 to vector<16xi32>
    %broadcast_in_dim3A_2 = arith.constant 1 : i32
    %broadcast_in_dim3A_3 = vector.broadcast %broadcast_in_dim3A_2 : i32 to vector<16xi32>
    %broadcast_in_dim3A_4 = arith.constant 2 : i32
    %broadcast_in_dim3A_5 = vector.broadcast %broadcast_in_dim3A_4 : i32 to vector<16xi32>
    %broadcast_in_dim3A_6 = arith.constant 3 : i32
    %broadcast_in_dim3A_7 = vector.broadcast %broadcast_in_dim3A_6 : i32 to vector<16xi32>
    %broadcast_in_dim3A_8 = arith.constant 4 : i32
    %broadcast_in_dim3A_9 = vector.broadcast %broadcast_in_dim3A_8 : i32 to vector<16xi32>
    %broadcast_in_dim3A_10 = arith.constant 5 : i32
    %broadcast_in_dim3A_11 = vector.broadcast %broadcast_in_dim3A_10 : i32 to vector<16xi32>
    %broadcast_in_dim3A_12 = arith.constant 6 : i32
    %broadcast_in_dim3A_13 = vector.broadcast %broadcast_in_dim3A_12 : i32 to vector<16xi32>
    %broadcast_in_dim3A_14 = arith.constant 7 : i32
    %broadcast_in_dim3A_15 = vector.broadcast %broadcast_in_dim3A_14 : i32 to vector<16xi32>
    %get3A = arith.constant 0 : i32
    %get3A_16 = arith.index_cast %get3A : i32 to index
    %get3A_17 = arith.constant 0 : index
    %get3A_18 = tpu.vector_load %arg9[%get3A_16, %get3A_17] {strides = array<i32>} : memref<4x80xf32, #tpu.memory_space<vmem>>, vector<16xf32>,
    %get3A_19 = arith.constant 0 : i32
    %get3A_20 = arith.index_cast %get3A_19 : i32 to index
    %get3A_21 = arith.constant 16 : index
    %get3A_22 = tpu.vector_load %arg9[%get3A_20, %get3A_21] {strides = array<i32>} : memref<4x80xf32, #tpu.memory_space<vmem>>, vector<16xf32>,
    %get3A_23 = arith.constant 0 : i32
    %get3A_24 = arith.index_cast %get3A_23 : i32 to index
    %get3A_25 = arith.constant 32 : index
    %get3A_26 = tpu.vector_load %arg9[%get3A_24, %get3A_25] {strides = array<i32>} : memref<4x80xf32, #tpu.memory_space<vmem>>, vector<16xf32>,
    %get3A_27 = arith.constant 0 : i32
    %get3A_28 = arith.index_cast %get3A_27 : i32 to index
    %get3A_29 = arith.constant 48 : index
    %get3A_30 = tpu.vector_load %arg9[%get3A_28, %get3A_29] {strides = array<i32>} : memref<4x80xf32, #tpu.memory_space<vmem>>, vector<16xf32>,
    %get3A_31 = arith.constant 0 : i32
    %get3A_32 = arith.index_cast %get3A_31 : i32 to index
    %get3A_33 = arith.constant 64 : index
    %get3A_34 = tpu.vector_load %arg9[%get3A_32, %get3A_33] {strides = array<i32>} : memref<4x80xf32, #tpu.memory_space<vmem>>, vector<16xf32>,
    %get3A_35 = arith.constant 1 : i32
    %get3A_36 = arith.index_cast %get3A_35 : i32 to index
    %get3A_37 = arith.constant 0 : index
    %get3A_38 = tpu.vector_load %arg9[%get3A_36, %get3A_37] {strides = array<i32>} : memref<4x80xf32, #tpu.memory_space<vmem>>, vector<16xf32>,
    %get3A_39 = arith.constant 1 : i32
    %get3A_40 = arith.index_cast %get3A_39 : i32 to index
    %get3A_41 = arith.constant 16 : index
    %get3A_42 = tpu.vector_load %arg9[%get3A_40, %get3A_41] {strides = array<i32>} : memref<4x80xf32, #tpu.memory_space<vmem>>, vector<16xf32>,
    %get3A_43 = arith.constant 1 : i32
    %get3A_44 = arith.index_cast %get3A_43 : i32 to index
    %get3A_45 = arith.constant 32 : index
    %get3A_46 = tpu.vector_load %arg9[%get3A_44, %get3A_45] {strides = array<i32>} : memref<4x80xf32, #tpu.memory_space<vmem>>, vector<16xf32>,
    %get3A_47 = arith.constant 1 : i32
    %get3A_48 = arith.index_cast %get3A_47 : i32 to index
    %get3A_49 = arith.constant 48 : index
    %get3A_50 = tpu.vector_load %arg9[%get3A_48, %get3A_49] {strides = array<i32>} : memref<4x80xf32, #tpu.memory_space<vmem>>, vector<16xf32>,
    %get3A_51 = arith.constant 1 : i32
    %get3A_52 = arith.index_cast %get3A_51 : i32 to index
    %get3A_53 = arith.constant 64 : index
    %get3A_54 = tpu.vector_load %arg9[%get3A_52, %get3A_53] {strides = array<i32>} : memref<4x80xf32, #tpu.memory_space<vmem>>, vector<16xf32>,
    %get3A_55 = arith.constant 2 : i32
    %get3A_56 = arith.index_cast %get3A_55 : i32 to index
    %get3A_57 = arith.constant 0 : index
    %get3A_58 = tpu.vector_load %arg9[%get3A_56, %get3A_57] {strides = array<i32>} : memref<4x80xf32, #tpu.memory_space<vmem>>, vector<16xf32>,
    %get3A_59 = arith.constant 2 : i32
    %get3A_60 = arith.index_cast %get3A_59 : i32 to index
    %get3A_61 = arith.constant 16 : index
    %get3A_62 = tpu.vector_load %arg9[%get3A_60, %get3A_61] {strides = array<i32>} : memref<4x80xf32, #tpu.memory_space<vmem>>, vector<16xf32>,
    %get3A_63 = arith.constant 2 : i32
    %get3A_64 = arith.index_cast %get3A_63 : i32 to index
    %get3A_65 = arith.constant 32 : index
    %get3A_66 = tpu.vector_load %arg9[%get3A_64, %get3A_65] {strides = array<i32>} : memref<4x80xf32, #tpu.memory_space<vmem>>, vector<16xf32>,
    %get3A_67 = arith.constant 2 : i32
    %get3A_68 = arith.index_cast %get3A_67 : i32 to index
    %get3A_69 = arith.constant 48 : index
    %get3A_70 = tpu.vector_load %arg9[%get3A_68, %get3A_69] {strides = array<i32>} : memref<4x80xf32, #tpu.memory_space<vmem>>, vector<16xf32>,
    %get3A_71 = arith.constant 2 : i32
    %get3A_72 = arith.index_cast %get3A_71 : i32 to index
    %get3A_73 = arith.constant 64 : index
    %get3A_74 = tpu.vector_load %arg9[%get3A_72, %get3A_73] {strides = array<i32>} : memref<4x80xf32, #tpu.memory_space<vmem>>, vector<16xf32>,
    %get3A_75 = arith.constant 3 : i32
    %get3A_76 = arith.index_cast %get3A_75 : i32 to index
    %get3A_77 = arith.constant 0 : index
    %get3A_78 = tpu.vector_load %arg9[%get3A_76, %get3A_77] {strides = array<i32>} : memref<4x80xf32, #tpu.memory_space<vmem>>, vector<16xf32>,
    %get3A_79 = arith.constant 3 : i32
    %get3A_80 = arith.index_cast %get3A_79 : i32 to index
    %get3A_81 = arith.constant 16 : index
    %get3A_82 = tpu.vector_load %arg9[%get3A_80, %get3A_81] {strides = array<i32>} : memref<4x80xf32, #tpu.memory_space<vmem>>, vector<16xf32>,
    %get3A_83 = arith.constant 3 : i32
    %get3A_84 = arith.index_cast %get3A_83 : i32 to index
    %get3A_85 = arith.constant 32 : index
    %get3A_86 = tpu.vector_load %arg9[%get3A_84, %get3A_85] {strides = array<i32>} : memref<4x80xf32, #tpu.memory_space<vmem>>, vector<16xf32>,
    %get3A_87 = arith.constant 3 : i32
    %get3A_88 = arith.index_cast %get3A_87 : i32 to index
    %get3A_89 = arith.constant 48 : index
    %get3A_90 = tpu.vector_load %arg9[%get3A_88, %get3A_89] {strides = array<i32>} : memref<4x80xf32, #tpu.memory_space<vmem>>, vector<16xf32>,
    %get3A_91 = arith.constant 3 : i32
    %get3A_92 = arith.index_cast %get3A_91 : i32 to index
    %get3A_93 = arith.constant 64 : index
    %get3A_94 = tpu.vector_load %arg9[%get3A_92, %get3A_93] {strides = array<i32>} : memref<4x80xf32, #tpu.memory_space<vmem>>, vector<16xf32>,
    %get3A_95 = arith.constant 0 : index
    %get3A_96 = tpu.vector_load %arg10[%get3A_95] {strides = array<i32>} : memref<80xf32, #tpu.memory_space<vmem>>, vector<16xf32>,
    %get3A_97 = arith.constant 16 : index
    %get3A_98 = tpu.vector_load %arg10[%get3A_97] {strides = array<i32>} : memref<80xf32, #tpu.memory_space<vmem>>, vector<16xf32>,
    %get3A_99 = arith.constant 32 : index
    %get3A_100 = tpu.vector_load %arg10[%get3A_99] {strides = array<i32>} : memref<80xf32, #tpu.memory_space<vmem>>, vector<16xf32>,
    %get3A_101 = arith.constant 48 : index
    %get3A_102 = tpu.vector_load %arg10[%get3A_101] {strides = array<i32>} : memref<80xf32, #tpu.memory_space<vmem>>, vector<16xf32>,
    %get3A_103 = arith.constant 64 : index
    %get3A_104 = tpu.vector_load %arg10[%get3A_103] {strides = array<i32>} : memref<80xf32, #tpu.memory_space<vmem>>, vector<16xf32>,
    %mul3A_105 = arith.constant 6 : i32
    %mul3A_106 = arith.muli %add3A, %mul3A_105 : i32
    %add3A_107 = arith.constant 0 : i32
    %add3A_108 = arith.addi %mul3A_106, %add3A_107 : i32
    %jit3A = arith.constant 16 : i32
    %div3A = arith.divsi %add3A_108, %jit3A : i32
    %sign3A = arith.constant 0 : i32
    %sign3A_109 = arith.cmpi sgt, %add3A_108, %sign3A : i32
    %sign3A_110 = arith.extui %sign3A_109 : i1 to i32
    %sign3A_111 = arith.constant 0 : i32
    %sign3A_112 = arith.cmpi slt, %add3A_108, %sign3A_111 : i32
    %sign3A_113 = arith.extui %sign3A_112 : i1 to i32
    %sign3A_114 = arith.subi %sign3A_110, %sign3A_113 : i32
    %sign3A_115 = arith.constant 0 : i32
    %sign3A_116 = arith.cmpi sgt, %jit3A, %sign3A_115 : i32
    %sign3A_117 = arith.extui %sign3A_116 : i1 to i32
    %sign3A_118 = arith.constant 0 : i32
    %sign3A_119 = arith.cmpi slt, %jit3A, %sign3A_118 : i32
    %sign3A_120 = arith.extui %sign3A_119 : i1 to i32
    %sign3A_121 = arith.subi %sign3A_117, %sign3A_120 : i32
    %ne3A = arith.cmpi ne, %sign3A_114, %sign3A_121 : i32
    %rem3A = arith.remsi %add3A_108, %jit3A : i32
    %ne3A_122 = arith.constant 0 : i32
    %ne3A_123 = arith.cmpi ne, %rem3A, %ne3A_122 : i32
    %and3A = arith.andi %ne3A, %ne3A_123 : i1
    %sub3A = arith.constant 1 : i32
    %sub3A_124 = arith.subi %div3A, %sub3A : i32
    %select_n3A = arith.select %and3A, %sub3A_124, %div3A : i32
    %jit3A_125 = arith.constant 16 : i32
    %eq3A = arith.constant 0 : i32
    %eq3A_126 = arith.cmpi eq, %jit3A_125, %eq3A : i32
    %jit3A_127 = arith.constant 1 : i32
    %select_n3A_128 = arith.select %eq3A_126, %jit3A_127, %jit3A_125 : i32
    %rem3A_129 = arith.remsi %add3A_108, %select_n3A_128 : i32
    %ne3A_130 = arith.constant 0 : i32
    %ne3A_131 = arith.cmpi ne, %rem3A_129, %ne3A_130 : i32
    %lt3A = arith.constant 0 : i32
    %lt3A_132 = arith.cmpi slt, %rem3A_129, %lt3A : i32
    %lt3A_133 = arith.constant 0 : i32
    %lt3A_134 = arith.cmpi slt, %select_n3A_128, %lt3A_133 : i32
    %ne3A_135 = arith.xori %lt3A_132, %lt3A_134 : i1
    %and3A_136 = arith.andi %ne3A_135, %ne3A_131 : i1
    %add3A_137 = arith.addi %rem3A_129, %select_n3A_128 : i32
    %select_n3A_138 = arith.select %and3A_136, %add3A_137, %rem3A_129 : i32
    %mul3A_139 = arith.constant 128 : i32
    %mul3A_140 = arith.muli %select_n3A_138, %mul3A_139 : i32
    %multiple_of3A = tpu.assume_multiple %mul3A_140, 128 : i32
    %multiple_of3A_141 = arith.constant 0 : i32
    %multiple_of3A_142 = tpu.assume_multiple %multiple_of3A_141, 512 : i32
    %multiple_of3A_143 = arith.constant 0 : i32
    %multiple_of3A_144 = tpu.assume_multiple %multiple_of3A_143, 128 : i32
    %mul3A_145 = arith.constant 4 : i32
    %mul3A_146 = arith.muli %multiple_of3A, %mul3A_145 : i32
    %multiple_of3A_147 = tpu.assume_multiple %mul3A_146, 512 : i32
    %dma_start3A = arith.constant 0 : i32
    %dma_start3A_148 = arith.constant 0 : i32
    %dma_start3A_149 = tpu.memref_slice %arg13[%multiple_of3A_142] : memref<1024xf32, #tpu.memory_space<vmem>> -> memref<512xf32, #tpu.memory_space<vmem>>
    %dma_start3A_150 = tpu.memref_slice %arg2[%dma_start3A, %select_n3A, %multiple_of3A_147] : memref<16x12x8192xf32, #tpu.memory_space<hbm>> -> memref<1x1x512xf32, #tpu.memory_space<hbm>>
    %dma_start3A_151 = tpu.memref_squeeze %dma_start3A_150 : memref<1x1x512xf32, #tpu.memory_space<hbm>> -> memref<512xf32, #tpu.memory_space<hbm>>
    %dma_start3A_152 = tpu.memref_slice %arg16[%dma_start3A_148] : memref<2x!tpu.dma_semaphore, #tpu.memory_space<semaphore_mem>> -> memref<1x!tpu.dma_semaphore, #tpu.memory_space<semaphore_mem>>
    %dma_start3A_153 = tpu.memref_squeeze %dma_start3A_152 : memref<1x!tpu.dma_semaphore, #tpu.memory_space<semaphore_mem>> -> memref<!tpu.dma_semaphore, #tpu.memory_space<semaphore_mem>>
    %dma_start3A_154 = tpu.memref_slice %arg13[%multiple_of3A_142] : memref<1024xf32, #tpu.memory_space<vmem>> -> memref<512xf32, #tpu.memory_space<vmem>>
    %dma_start3A_155 = tpu.memref_slice %arg2[%dma_start3A, %select_n3A, %multiple_of3A_147] : memref<16x12x8192xf32, #tpu.memory_space<hbm>> -> memref<1x1x512xf32, #tpu.memory_space<hbm>>
    %dma_start3A_156 = tpu.memref_squeeze %dma_start3A_155 : memref<1x1x512xf32, #tpu.memory_space<hbm>> -> memref<512xf32, #tpu.memory_space<hbm>>
    tpu.enqueue_dma source(%dma_start3A_156 : memref<512xf32, #tpu.memory_space<hbm>>) target(%dma_start3A_154 : memref<512xf32, #tpu.memory_space<vmem>>) target_semaphore(%dma_start3A_153 : memref<!tpu.dma_semaphore, #tpu.memory_space<semaphore_mem>>)
    %dma_start3A_157 = arith.constant 0 : i32
    %dma_start3A_158 = arith.constant 0 : i32
    %dma_start3A_159 = tpu.memref_slice %arg15[%multiple_of3A_144, %dma_start3A_158] : memref<256x40xf32, #tpu.memory_space<vmem>> -> memref<128x40xf32, #tpu.memory_space<vmem>>
    %dma_start3A_160 = arith.constant 0 : i32
    %dma_start3A_161 = tpu.memref_slice %arg7[%select_n3A, %multiple_of3A, %dma_start3A_160] : memref<12x2048x40xf32, #tpu.memory_space<hbm>> -> memref<1x128x40xf32, #tpu.memory_space<hbm>>
    %dma_start3A_162 = tpu.memref_squeeze %dma_start3A_161 : memref<1x128x40xf32, #tpu.memory_space<hbm>> -> memref<128x40xf32, #tpu.memory_space<hbm>>
    %dma_start3A_163 = tpu.memref_slice %arg18[%dma_start3A_157] : memref<2x!tpu.dma_semaphore, #tpu.memory_space<semaphore_mem>> -> memref<1x!tpu.dma_semaphore, #tpu.memory_space<semaphore_mem>>
    %dma_start3A_164 = tpu.memref_squeeze %dma_start3A_163 : memref<1x!tpu.dma_semaphore, #tpu.memory_space<semaphore_mem>> -> memref<!tpu.dma_semaphore, #tpu.memory_space<semaphore_mem>>
    %dma_start3A_165 = arith.constant 0 : i32
    %dma_start3A_166 = tpu.memref_slice %arg15[%multiple_of3A_144, %dma_start3A_165] : memref<256x40xf32, #tpu.memory_space<vmem>> -> memref<128x40xf32, #tpu.memory_space<vmem>>
    %dma_start3A_167 = arith.constant 0 : i32
    %dma_start3A_168 = tpu.memref_slice %arg7[%select_n3A, %multiple_of3A, %dma_start3A_167] : memref<12x2048x40xf32, #tpu.memory_space<hbm>> -> memref<1x128x40xf32, #tpu.memory_space<hbm>>
    %dma_start3A_169 = tpu.memref_squeeze %dma_start3A_168 : memref<1x128x40xf32, #tpu.memory_space<hbm>> -> memref<128x40xf32, #tpu.memory_space<hbm>>
    tpu.enqueue_dma source(%dma_start3A_169 : memref<128x40xf32, #tpu.memory_space<hbm>>) target(%dma_start3A_166 : memref<128x40xf32, #tpu.memory_space<vmem>>) target_semaphore(%dma_start3A_164 : memref<!tpu.dma_semaphore, #tpu.memory_space<semaphore_mem>>)
    %scan3A = arith.constant 0 : i32
    %scan3A_170 = arith.constant 0 : i32
    %scan3A_171 = arith.constant 96 : i32
    %scan3A_172 = arith.addi %scan3A_170, %scan3A_171 : i32
    %scan3A_173 = arith.constant 1 : i32
    scf.for %scan3A_300 = %scan3A_170 to %scan3A_172 step %scan3A_173  : i32 {
      %jit3A_301 = arith.constant 16 : i32
      %div3A_302 = arith.divsi %scan3A_300, %jit3A_301 : i32
      %sign3A_303 = arith.constant 0 : i32
      %sign3A_304 = arith.cmpi sgt, %scan3A_300, %sign3A_303 : i32
      %sign3A_305 = arith.extui %sign3A_304 : i1 to i32
      %sign3A_306 = arith.constant 0 : i32
      %sign3A_307 = arith.cmpi slt, %scan3A_300, %sign3A_306 : i32
      %sign3A_308 = arith.extui %sign3A_307 : i1 to i32
      %sign3A_309 = arith.subi %sign3A_305, %sign3A_308 : i32
      %sign3A_310 = arith.constant 0 : i32
      %sign3A_311 = arith.cmpi sgt, %jit3A_301, %sign3A_310 : i32
      %sign3A_312 = arith.extui %sign3A_311 : i1 to i32
      %sign3A_313 = arith.constant 0 : i32
      %sign3A_314 = arith.cmpi slt, %jit3A_301, %sign3A_313 : i32
      %sign3A_315 = arith.extui %sign3A_314 : i1 to i32
      %sign3A_316 = arith.subi %sign3A_312, %sign3A_315 : i32
      %ne3A_317 = arith.cmpi ne, %sign3A_309, %sign3A_316 : i32
      %rem3A_318 = arith.remsi %scan3A_300, %jit3A_301 : i32
      %ne3A_319 = arith.constant 0 : i32
      %ne3A_320 = arith.cmpi ne, %rem3A_318, %ne3A_319 : i32
      %and3A_321 = arith.andi %ne3A_317, %ne3A_320 : i1
      %sub3A_322 = arith.constant 1 : i32
      %sub3A_323 = arith.subi %div3A_302, %sub3A_322 : i32
      %select_n3A_324 = arith.select %and3A_321, %sub3A_323, %div3A_302 : i32
      %jit3A_325 = arith.constant 16 : i32
      %eq3A_326 = arith.constant 0 : i32
      %eq3A_327 = arith.cmpi eq, %jit3A_325, %eq3A_326 : i32
      %jit3A_328 = arith.constant 1 : i32
      %select_n3A_329 = arith.select %eq3A_327, %jit3A_328, %jit3A_325 : i32
      %rem3A_330 = arith.remsi %scan3A_300, %select_n3A_329 : i32
      %ne3A_331 = arith.constant 0 : i32
      %ne3A_332 = arith.cmpi ne, %rem3A_330, %ne3A_331 : i32
      %lt3A_333 = arith.constant 0 : i32
      %lt3A_334 = arith.cmpi slt, %rem3A_330, %lt3A_333 : i32
      %lt3A_335 = arith.constant 0 : i32
      %lt3A_336 = arith.cmpi slt, %select_n3A_329, %lt3A_335 : i32
      %ne3A_337 = arith.xori %lt3A_334, %lt3A_336 : i1
      %and3A_338 = arith.andi %ne3A_337, %ne3A_332 : i1
      %add3A_339 = arith.addi %rem3A_330, %select_n3A_329 : i32
      %select_n3A_340 = arith.select %and3A_338, %add3A_339, %rem3A_330 : i32
      %mul3A_341 = arith.constant 6 : i32
      %mul3A_342 = arith.muli %add3A, %mul3A_341 : i32
      %add3A_343 = arith.addi %mul3A_342, %select_n3A_324 : i32
      %jit3A_344 = arith.constant 16 : i32
      %div3A_345 = arith.divsi %add3A_343, %jit3A_344 : i32
      %sign3A_346 = arith.constant 0 : i32
      %sign3A_347 = arith.cmpi sgt, %add3A_343, %sign3A_346 : i32
      %sign3A_348 = arith.extui %sign3A_347 : i1 to i32
      %sign3A_349 = arith.constant 0 : i32
      %sign3A_350 = arith.cmpi slt, %add3A_343, %sign3A_349 : i32
      %sign3A_351 = arith.extui %sign3A_350 : i1 to i32
      %sign3A_352 = arith.subi %sign3A_348, %sign3A_351 : i32
      %sign3A_353 = arith.constant 0 : i32
      %sign3A_354 = arith.cmpi sgt, %jit3A_344, %sign3A_353 : i32
      %sign3A_355 = arith.extui %sign3A_354 : i1 to i32
      %sign3A_356 = arith.constant 0 : i32
      %sign3A_357 = arith.cmpi slt, %jit3A_344, %sign3A_356 : i32
      %sign3A_358 = arith.extui %sign3A_357 : i1 to i32
      %sign3A_359 = arith.subi %sign3A_355, %sign3A_358 : i32
      %ne3A_360 = arith.cmpi ne, %sign3A_352, %sign3A_359 : i32
      %rem3A_361 = arith.remsi %add3A_343, %jit3A_344 : i32
      %ne3A_362 = arith.constant 0 : i32
      %ne3A_363 = arith.cmpi ne, %rem3A_361, %ne3A_362 : i32
      %and3A_364 = arith.andi %ne3A_360, %ne3A_363 : i1
      %sub3A_365 = arith.constant 1 : i32
      %sub3A_366 = arith.subi %div3A_345, %sub3A_365 : i32
      %select_n3A_367 = arith.select %and3A_364, %sub3A_366, %div3A_345 : i32
      %jit3A_368 = arith.constant 16 : i32
      %eq3A_369 = arith.constant 0 : i32
      %eq3A_370 = arith.cmpi eq, %jit3A_368, %eq3A_369 : i32
      %jit3A_371 = arith.constant 1 : i32
      %select_n3A_372 = arith.select %eq3A_370, %jit3A_371, %jit3A_368 : i32
      %rem3A_373 = arith.remsi %add3A_343, %select_n3A_372 : i32
      %ne3A_374 = arith.constant 0 : i32
      %ne3A_375 = arith.cmpi ne, %rem3A_373, %ne3A_374 : i32
      %lt3A_376 = arith.constant 0 : i32
      %lt3A_377 = arith.cmpi slt, %rem3A_373, %lt3A_376 : i32
      %lt3A_378 = arith.constant 0 : i32
      %lt3A_379 = arith.cmpi slt, %select_n3A_372, %lt3A_378 : i32
      %ne3A_380 = arith.xori %lt3A_377, %lt3A_379 : i1
      %and3A_381 = arith.andi %ne3A_380, %ne3A_375 : i1
      %add3A_382 = arith.addi %rem3A_373, %select_n3A_372 : i32
      %select_n3A_383 = arith.select %and3A_381, %add3A_382, %rem3A_373 : i32
      %mul3A_384 = arith.constant 128 : i32
      %mul3A_385 = arith.muli %select_n3A_383, %mul3A_384 : i32
      %multiple_of3A_386 = tpu.assume_multiple %mul3A_385, 128 : i32
      %jit3A_387 = arith.constant 2 : i32
      %eq3A_388 = arith.constant 0 : i32
      %eq3A_389 = arith.cmpi eq, %jit3A_387, %eq3A_388 : i32
      %jit3A_390 = arith.constant 1 : i32
      %select_n3A_391 = arith.select %eq3A_389, %jit3A_390, %jit3A_387 : i32
      %rem3A_392 = arith.remsi %scan3A_300, %select_n3A_391 : i32
      %ne3A_393 = arith.constant 0 : i32
      %ne3A_394 = arith.cmpi ne, %rem3A_392, %ne3A_393 : i32
      %lt3A_395 = arith.constant 0 : i32
      %lt3A_396 = arith.cmpi slt, %rem3A_392, %lt3A_395 : i32
      %lt3A_397 = arith.constant 0 : i32
      %lt3A_398 = arith.cmpi slt, %select_n3A_391, %lt3A_397 : i32
      %ne3A_399 = arith.xori %lt3A_396, %lt3A_398 : i1
      %and3A_400 = arith.andi %ne3A_399, %ne3A_394 : i1
      %add3A_401 = arith.addi %rem3A_392, %select_n3A_391 : i32
      %select_n3A_402 = arith.select %and3A_400, %add3A_401, %rem3A_392 : i32
      %jit3A_403 = arith.constant 16 : i32
      %div3A_404 = arith.divsi %scan3A_300, %jit3A_403 : i32
      %sign3A_405 = arith.constant 0 : i32
      %sign3A_406 = arith.cmpi sgt, %scan3A_300, %sign3A_405 : i32
      %sign3A_407 = arith.extui %sign3A_406 : i1 to i32
      %sign3A_408 = arith.constant 0 : i32
      %sign3A_409 = arith.cmpi slt, %scan3A_300, %sign3A_408 : i32
      %sign3A_410 = arith.extui %sign3A_409 : i1 to i32
      %sign3A_411 = arith.subi %sign3A_407, %sign3A_410 : i32
      %sign3A_412 = arith.constant 0 : i32
      %sign3A_413 = arith.cmpi sgt, %jit3A_403, %sign3A_412 : i32
      %sign3A_414 = arith.extui %sign3A_413 : i1 to i32
      %sign3A_415 = arith.constant 0 : i32
      %sign3A_416 = arith.cmpi slt, %jit3A_403, %sign3A_415 : i32
      %sign3A_417 = arith.extui %sign3A_416 : i1 to i32
      %sign3A_418 = arith.subi %sign3A_414, %sign3A_417 : i32
      %ne3A_419 = arith.cmpi ne, %sign3A_411, %sign3A_418 : i32
      %rem3A_420 = arith.remsi %scan3A_300, %jit3A_403 : i32
      %ne3A_421 = arith.constant 0 : i32
      %ne3A_422 = arith.cmpi ne, %rem3A_420, %ne3A_421 : i32
      %and3A_423 = arith.andi %ne3A_419, %ne3A_422 : i1
      %sub3A_424 = arith.constant 1 : i32
      %sub3A_425 = arith.subi %div3A_404, %sub3A_424 : i32
      %select_n3A_426 = arith.select %and3A_423, %sub3A_425, %div3A_404 : i32
      %jit3A_427 = arith.constant 16 : i32
      %eq3A_428 = arith.constant 0 : i32
      %eq3A_429 = arith.cmpi eq, %jit3A_427, %eq3A_428 : i32
      %jit3A_430 = arith.constant 1 : i32
      %select_n3A_431 = arith.select %eq3A_429, %jit3A_430, %jit3A_427 : i32
      %rem3A_432 = arith.remsi %scan3A_300, %select_n3A_431 : i32
      %ne3A_433 = arith.constant 0 : i32
      %ne3A_434 = arith.cmpi ne, %rem3A_432, %ne3A_433 : i32
      %lt3A_435 = arith.constant 0 : i32
      %lt3A_436 = arith.cmpi slt, %rem3A_432, %lt3A_435 : i32
      %lt3A_437 = arith.constant 0 : i32
      %lt3A_438 = arith.cmpi slt, %select_n3A_431, %lt3A_437 : i32
      %ne3A_439 = arith.xori %lt3A_436, %lt3A_438 : i1
      %and3A_440 = arith.andi %ne3A_439, %ne3A_434 : i1
      %add3A_441 = arith.addi %rem3A_432, %select_n3A_431 : i32
      %select_n3A_442 = arith.select %and3A_440, %add3A_441, %rem3A_432 : i32
      %mul3A_443 = arith.constant 6 : i32
      %mul3A_444 = arith.muli %add3A, %mul3A_443 : i32
      %add3A_445 = arith.addi %mul3A_444, %select_n3A_426 : i32
      %jit3A_446 = arith.constant 16 : i32
      %div3A_447 = arith.divsi %add3A_445, %jit3A_446 : i32
      %sign3A_448 = arith.constant 0 : i32
      %sign3A_449 = arith.cmpi sgt, %add3A_445, %sign3A_448 : i32
      %sign3A_450 = arith.extui %sign3A_449 : i1 to i32
      %sign3A_451 = arith.constant 0 : i32
      %sign3A_452 = arith.cmpi slt, %add3A_445, %sign3A_451 : i32
      %sign3A_453 = arith.extui %sign3A_452 : i1 to i32
      %sign3A_454 = arith.subi %sign3A_450, %sign3A_453 : i32
      %sign3A_455 = arith.constant 0 : i32
      %sign3A_456 = arith.cmpi sgt, %jit3A_446, %sign3A_455 : i32
      %sign3A_457 = arith.extui %sign3A_456 : i1 to i32
      %sign3A_458 = arith.constant 0 : i32
      %sign3A_459 = arith.cmpi slt, %jit3A_446, %sign3A_458 : i32
      %sign3A_460 = arith.extui %sign3A_459 : i1 to i32
      %sign3A_461 = arith.subi %sign3A_457, %sign3A_460 : i32
      %ne3A_462 = arith.cmpi ne, %sign3A_454, %sign3A_461 : i32
      %rem3A_463 = arith.remsi %add3A_445, %jit3A_446 : i32
      %ne3A_464 = arith.constant 0 : i32
      %ne3A_465 = arith.cmpi ne, %rem3A_463, %ne3A_464 : i32
      %and3A_466 = arith.andi %ne3A_462, %ne3A_465 : i1
      %sub3A_467 = arith.constant 1 : i32
      %sub3A_468 = arith.subi %div3A_447, %sub3A_467 : i32
      %select_n3A_469 = arith.select %and3A_466, %sub3A_468, %div3A_447 : i32
      %jit3A_470 = arith.constant 16 : i32
      %eq3A_471 = arith.constant 0 : i32
      %eq3A_472 = arith.cmpi eq, %jit3A_470, %eq3A_471 : i32
      %jit3A_473 = arith.constant 1 : i32
      %select_n3A_474 = arith.select %eq3A_472, %jit3A_473, %jit3A_470 : i32
      %rem3A_475 = arith.remsi %add3A_445, %select_n3A_474 : i32
      %ne3A_476 = arith.constant 0 : i32
      %ne3A_477 = arith.cmpi ne, %rem3A_475, %ne3A_476 : i32
      %lt3A_478 = arith.constant 0 : i32
      %lt3A_479 = arith.cmpi slt, %rem3A_475, %lt3A_478 : i32
      %lt3A_480 = arith.constant 0 : i32
      %lt3A_481 = arith.cmpi slt, %select_n3A_474, %lt3A_480 : i32
      %ne3A_482 = arith.xori %lt3A_479, %lt3A_481 : i1
      %and3A_483 = arith.andi %ne3A_482, %ne3A_477 : i1
      %add3A_484 = arith.addi %rem3A_475, %select_n3A_474 : i32
      %select_n3A_485 = arith.select %and3A_483, %add3A_484, %rem3A_475 : i32
      %mul3A_486 = arith.constant 128 : i32
      %mul3A_487 = arith.muli %select_n3A_485, %mul3A_486 : i32
      %multiple_of3A_488 = tpu.assume_multiple %mul3A_487, 128 : i32
      %jit3A_489 = arith.constant 2 : i32
      %eq3A_490 = arith.constant 0 : i32
      %eq3A_491 = arith.cmpi eq, %jit3A_489, %eq3A_490 : i32
      %jit3A_492 = arith.constant 1 : i32
      %select_n3A_493 = arith.select %eq3A_491, %jit3A_492, %jit3A_489 : i32
      %rem3A_494 = arith.remsi %scan3A_300, %select_n3A_493 : i32
      %ne3A_495 = arith.constant 0 : i32
      %ne3A_496 = arith.cmpi ne, %rem3A_494, %ne3A_495 : i32
      %lt3A_497 = arith.constant 0 : i32
      %lt3A_498 = arith.cmpi slt, %rem3A_494, %lt3A_497 : i32
      %lt3A_499 = arith.constant 0 : i32
      %lt3A_500 = arith.cmpi slt, %select_n3A_493, %lt3A_499 : i32
      %ne3A_501 = arith.xori %lt3A_498, %lt3A_500 : i1
      %and3A_502 = arith.andi %ne3A_501, %ne3A_496 : i1
      %add3A_503 = arith.addi %rem3A_494, %select_n3A_493 : i32
      %select_n3A_504 = arith.select %and3A_502, %add3A_503, %rem3A_494 : i32
      %mul3A_505 = arith.constant 512 : i32
      %mul3A_506 = arith.muli %select_n3A_504, %mul3A_505 : i32
      %multiple_of3A_507 = tpu.assume_multiple %mul3A_506, 512 : i32
      %mul3A_508 = arith.constant 128 : i32
      %mul3A_509 = arith.muli %select_n3A_504, %mul3A_508 : i32
      %multiple_of3A_510 = tpu.assume_multiple %mul3A_509, 128 : i32
      %mul3A_511 = arith.constant 4 : i32
      %mul3A_512 = arith.muli %multiple_of3A_488, %mul3A_511 : i32
      %multiple_of3A_513 = tpu.assume_multiple %mul3A_512, 512 : i32
      %dma_wait3A_514 = tpu.memref_slice %arg13[%multiple_of3A_507] : memref<1024xf32, #tpu.memory_space<vmem>> -> memref<512xf32, #tpu.memory_space<vmem>>
      %dma_wait3A_515 = tpu.memref_slice %arg2[%select_n3A_442, %select_n3A_469, %multiple_of3A_513] : memref<16x12x8192xf32, #tpu.memory_space<hbm>> -> memref<1x1x512xf32, #tpu.memory_space<hbm>>
      %dma_wait3A_516 = tpu.memref_squeeze %dma_wait3A_515 : memref<1x1x512xf32, #tpu.memory_space<hbm>> -> memref<512xf32, #tpu.memory_space<hbm>>
      %dma_wait3A_517 = tpu.memref_slice %arg16[%select_n3A_504] : memref<2x!tpu.dma_semaphore, #tpu.memory_space<semaphore_mem>> -> memref<1x!tpu.dma_semaphore, #tpu.memory_space<semaphore_mem>>
      %dma_wait3A_518 = tpu.memref_squeeze %dma_wait3A_517 : memref<1x!tpu.dma_semaphore, #tpu.memory_space<semaphore_mem>> -> memref<!tpu.dma_semaphore, #tpu.memory_space<semaphore_mem>>
      %dma_wait3A_519 = tpu.memref_slice %arg13[%multiple_of3A_507] : memref<1024xf32, #tpu.memory_space<vmem>> -> memref<512xf32, #tpu.memory_space<vmem>>
      %dma_wait3A_520 = tpu.memref_slice %arg2[%select_n3A_442, %select_n3A_469, %multiple_of3A_513] : memref<16x12x8192xf32, #tpu.memory_space<hbm>> -> memref<1x1x512xf32, #tpu.memory_space<hbm>>
      %dma_wait3A_521 = tpu.memref_squeeze %dma_wait3A_520 : memref<1x1x512xf32, #tpu.memory_space<hbm>> -> memref<512xf32, #tpu.memory_space<hbm>>
      tpu.wait_dma2 semaphore(%dma_wait3A_518 : memref<!tpu.dma_semaphore, #tpu.memory_space<semaphore_mem>>) src(%dma_wait3A_521 : memref<512xf32, #tpu.memory_space<hbm>>) dst(%dma_wait3A_519 : memref<512xf32, #tpu.memory_space<vmem>>)
      %dma_wait3A_522 = arith.constant 0 : i32
      %dma_wait3A_523 = tpu.memref_slice %arg15[%multiple_of3A_510, %dma_wait3A_522] : memref<256x40xf32, #tpu.memory_space<vmem>> -> memref<128x40xf32, #tpu.memory_space<vmem>>
      %dma_wait3A_524 = arith.constant 0 : i32
      %dma_wait3A_525 = tpu.memref_slice %arg7[%select_n3A_469, %multiple_of3A_488, %dma_wait3A_524] : memref<12x2048x40xf32, #tpu.memory_space<hbm>> -> memref<1x128x40xf32, #tpu.memory_space<hbm>>
      %dma_wait3A_526 = tpu.memref_squeeze %dma_wait3A_525 : memref<1x128x40xf32, #tpu.memory_space<hbm>> -> memref<128x40xf32, #tpu.memory_space<hbm>>
      %dma_wait3A_527 = tpu.memref_slice %arg18[%select_n3A_504] : memref<2x!tpu.dma_semaphore, #tpu.memory_space<semaphore_mem>> -> memref<1x!tpu.dma_semaphore, #tpu.memory_space<semaphore_mem>>
      %dma_wait3A_528 = tpu.memref_squeeze %dma_wait3A_527 : memref<1x!tpu.dma_semaphore, #tpu.memory_space<semaphore_mem>> -> memref<!tpu.dma_semaphore, #tpu.memory_space<semaphore_mem>>
      %dma_wait3A_529 = arith.constant 0 : i32
      %dma_wait3A_530 = tpu.memref_slice %arg15[%multiple_of3A_510, %dma_wait3A_529] : memref<256x40xf32, #tpu.memory_space<vmem>> -> memref<128x40xf32, #tpu.memory_space<vmem>>
      %dma_wait3A_531 = arith.constant 0 : i32
      %dma_wait3A_532 = tpu.memref_slice %arg7[%select_n3A_469, %multiple_of3A_488, %dma_wait3A_531] : memref<12x2048x40xf32, #tpu.memory_space<hbm>> -> memref<1x128x40xf32, #tpu.memory_space<hbm>>
      %dma_wait3A_533 = tpu.memref_squeeze %dma_wait3A_532 : memref<1x128x40xf32, #tpu.memory_space<hbm>> -> memref<128x40xf32, #tpu.memory_space<hbm>>
      tpu.wait_dma2 semaphore(%dma_wait3A_528 : memref<!tpu.dma_semaphore, #tpu.memory_space<semaphore_mem>>) src(%dma_wait3A_533 : memref<128x40xf32, #tpu.memory_space<hbm>>) dst(%dma_wait3A_530 : memref<128x40xf32, #tpu.memory_space<vmem>>)
      %add3A_534 = arith.constant 1 : i32
      %add3A_535 = arith.addi %scan3A_300, %add3A_534 : i32
      %lt3A_536 = arith.constant 96 : i32
      %lt3A_537 = arith.cmpi slt, %add3A_535, %lt3A_536 : i32
      %convert_element_type3A = arith.extui %lt3A_537 : i1 to i32
      %cond3A = arith.constant 0 : i32
      %cond3A_538 = arith.cmpi ne, %convert_element_type3A, %cond3A : i32
      scf.if %cond3A_538 {
        %add3A_669 = arith.constant 1 : i32
        %add3A_670 = arith.addi %scan3A_300, %add3A_669 : i32
        %jit3A_671 = arith.constant 16 : i32
        %div3A_672 = arith.divsi %add3A_670, %jit3A_671 : i32
        %sign3A_673 = arith.constant 0 : i32
        %sign3A_674 = arith.cmpi sgt, %add3A_670, %sign3A_673 : i32
        %sign3A_675 = arith.extui %sign3A_674 : i1 to i32
        %sign3A_676 = arith.constant 0 : i32
        %sign3A_677 = arith.cmpi slt, %add3A_670, %sign3A_676 : i32
        %sign3A_678 = arith.extui %sign3A_677 : i1 to i32
        %sign3A_679 = arith.subi %sign3A_675, %sign3A_678 : i32
        %sign3A_680 = arith.constant 0 : i32
        %sign3A_681 = arith.cmpi sgt, %jit3A_671, %sign3A_680 : i32
        %sign3A_682 = arith.extui %sign3A_681 : i1 to i32
        %sign3A_683 = arith.constant 0 : i32
        %sign3A_684 = arith.cmpi slt, %jit3A_671, %sign3A_683 : i32
        %sign3A_685 = arith.extui %sign3A_684 : i1 to i32
        %sign3A_686 = arith.subi %sign3A_682, %sign3A_685 : i32
        %ne3A_687 = arith.cmpi ne, %sign3A_679, %sign3A_686 : i32
        %rem3A_688 = arith.remsi %add3A_670, %jit3A_671 : i32
        %ne3A_689 = arith.constant 0 : i32
        %ne3A_690 = arith.cmpi ne, %rem3A_688, %ne3A_689 : i32
        %and3A_691 = arith.andi %ne3A_687, %ne3A_690 : i1
        %sub3A_692 = arith.constant 1 : i32
        %sub3A_693 = arith.subi %div3A_672, %sub3A_692 : i32
        %select_n3A_694 = arith.select %and3A_691, %sub3A_693, %div3A_672 : i32
        %jit3A_695 = arith.constant 16 : i32
        %eq3A_696 = arith.constant 0 : i32
        %eq3A_697 = arith.cmpi eq, %jit3A_695, %eq3A_696 : i32
        %jit3A_698 = arith.constant 1 : i32
        %select_n3A_699 = arith.select %eq3A_697, %jit3A_698, %jit3A_695 : i32
        %rem3A_700 = arith.remsi %add3A_670, %select_n3A_699 : i32
        %ne3A_701 = arith.constant 0 : i32
        %ne3A_702 = arith.cmpi ne, %rem3A_700, %ne3A_701 : i32
        %lt3A_703 = arith.constant 0 : i32
        %lt3A_704 = arith.cmpi slt, %rem3A_700, %lt3A_703 : i32
        %lt3A_705 = arith.constant 0 : i32
        %lt3A_706 = arith.cmpi slt, %select_n3A_699, %lt3A_705 : i32
        %ne3A_707 = arith.xori %lt3A_704, %lt3A_706 : i1
        %and3A_708 = arith.andi %ne3A_707, %ne3A_702 : i1
        %add3A_709 = arith.addi %rem3A_700, %select_n3A_699 : i32
        %select_n3A_710 = arith.select %and3A_708, %add3A_709, %rem3A_700 : i32
        %mul3A_711 = arith.constant 6 : i32
        %mul3A_712 = arith.muli %add3A, %mul3A_711 : i32
        %add3A_713 = arith.addi %mul3A_712, %select_n3A_694 : i32
        %jit3A_714 = arith.constant 16 : i32
        %div3A_715 = arith.divsi %add3A_713, %jit3A_714 : i32
        %sign3A_716 = arith.constant 0 : i32
        %sign3A_717 = arith.cmpi sgt, %add3A_713, %sign3A_716 : i32
        %sign3A_718 = arith.extui %sign3A_717 : i1 to i32
        %sign3A_719 = arith.constant 0 : i32
        %sign3A_720 = arith.cmpi slt, %add3A_713, %sign3A_719 : i32
        %sign3A_721 = arith.extui %sign3A_720 : i1 to i32
        %sign3A_722 = arith.subi %sign3A_718, %sign3A_721 : i32
        %sign3A_723 = arith.constant 0 : i32
        %sign3A_724 = arith.cmpi sgt, %jit3A_714, %sign3A_723 : i32
        %sign3A_725 = arith.extui %sign3A_724 : i1 to i32
        %sign3A_726 = arith.constant 0 : i32
        %sign3A_727 = arith.cmpi slt, %jit3A_714, %sign3A_726 : i32
        %sign3A_728 = arith.extui %sign3A_727 : i1 to i32
        %sign3A_729 = arith.subi %sign3A_725, %sign3A_728 : i32
        %ne3A_730 = arith.cmpi ne, %sign3A_722, %sign3A_729 : i32
        %rem3A_731 = arith.remsi %add3A_713, %jit3A_714 : i32
        %ne3A_732 = arith.constant 0 : i32
        %ne3A_733 = arith.cmpi ne, %rem3A_731, %ne3A_732 : i32
        %and3A_734 = arith.andi %ne3A_730, %ne3A_733 : i1
        %sub3A_735 = arith.constant 1 : i32
        %sub3A_736 = arith.subi %div3A_715, %sub3A_735 : i32
        %select_n3A_737 = arith.select %and3A_734, %sub3A_736, %div3A_715 : i32
        %jit3A_738 = arith.constant 16 : i32
        %eq3A_739 = arith.constant 0 : i32
        %eq3A_740 = arith.cmpi eq, %jit3A_738, %eq3A_739 : i32
        %jit3A_741 = arith.constant 1 : i32
        %select_n3A_742 = arith.select %eq3A_740, %jit3A_741, %jit3A_738 : i32
        %rem3A_743 = arith.remsi %add3A_713, %select_n3A_742 : i32
        %ne3A_744 = arith.constant 0 : i32
        %ne3A_745 = arith.cmpi ne, %rem3A_743, %ne3A_744 : i32
        %lt3A_746 = arith.constant 0 : i32
        %lt3A_747 = arith.cmpi slt, %rem3A_743, %lt3A_746 : i32
        %lt3A_748 = arith.constant 0 : i32
        %lt3A_749 = arith.cmpi slt, %select_n3A_742, %lt3A_748 : i32
        %ne3A_750 = arith.xori %lt3A_747, %lt3A_749 : i1
        %and3A_751 = arith.andi %ne3A_750, %ne3A_745 : i1
        %add3A_752 = arith.addi %rem3A_743, %select_n3A_742 : i32
        %select_n3A_753 = arith.select %and3A_751, %add3A_752, %rem3A_743 : i32
        %mul3A_754 = arith.constant 128 : i32
        %mul3A_755 = arith.muli %select_n3A_753, %mul3A_754 : i32
        %multiple_of3A_756 = tpu.assume_multiple %mul3A_755, 128 : i32
        %jit3A_757 = arith.constant 2 : i32
        %eq3A_758 = arith.constant 0 : i32
        %eq3A_759 = arith.cmpi eq, %jit3A_757, %eq3A_758 : i32
        %jit3A_760 = arith.constant 1 : i32
        %select_n3A_761 = arith.select %eq3A_759, %jit3A_760, %jit3A_757 : i32
        %rem3A_762 = arith.remsi %add3A_670, %select_n3A_761 : i32
        %ne3A_763 = arith.constant 0 : i32
        %ne3A_764 = arith.cmpi ne, %rem3A_762, %ne3A_763 : i32
        %lt3A_765 = arith.constant 0 : i32
        %lt3A_766 = arith.cmpi slt, %rem3A_762, %lt3A_765 : i32
        %lt3A_767 = arith.constant 0 : i32
        %lt3A_768 = arith.cmpi slt, %select_n3A_761, %lt3A_767 : i32
        %ne3A_769 = arith.xori %lt3A_766, %lt3A_768 : i1
        %and3A_770 = arith.andi %ne3A_769, %ne3A_764 : i1
        %add3A_771 = arith.addi %rem3A_762, %select_n3A_761 : i32
        %select_n3A_772 = arith.select %and3A_770, %add3A_771, %rem3A_762 : i32
        %mul3A_773 = arith.constant 512 : i32
        %mul3A_774 = arith.muli %select_n3A_772, %mul3A_773 : i32
        %multiple_of3A_775 = tpu.assume_multiple %mul3A_774, 512 : i32
        %mul3A_776 = arith.constant 128 : i32
        %mul3A_777 = arith.muli %select_n3A_772, %mul3A_776 : i32
        %multiple_of3A_778 = tpu.assume_multiple %mul3A_777, 128 : i32
        %mul3A_779 = arith.constant 4 : i32
        %mul3A_780 = arith.muli %multiple_of3A_756, %mul3A_779 : i32
        %multiple_of3A_781 = tpu.assume_multiple %mul3A_780, 512 : i32
        %dma_start3A_782 = tpu.memref_slice %arg13[%multiple_of3A_775] : memref<1024xf32, #tpu.memory_space<vmem>> -> memref<512xf32, #tpu.memory_space<vmem>>
        %dma_start3A_783 = tpu.memref_slice %arg2[%select_n3A_710, %select_n3A_737, %multiple_of3A_781] : memref<16x12x8192xf32, #tpu.memory_space<hbm>> -> memref<1x1x512xf32, #tpu.memory_space<hbm>>
        %dma_start3A_784 = tpu.memref_squeeze %dma_start3A_783 : memref<1x1x512xf32, #tpu.memory_space<hbm>> -> memref<512xf32, #tpu.memory_space<hbm>>
        %dma_start3A_785 = tpu.memref_slice %arg16[%select_n3A_772] : memref<2x!tpu.dma_semaphore, #tpu.memory_space<semaphore_mem>> -> memref<1x!tpu.dma_semaphore, #tpu.memory_space<semaphore_mem>>
        %dma_start3A_786 = tpu.memref_squeeze %dma_start3A_785 : memref<1x!tpu.dma_semaphore, #tpu.memory_space<semaphore_mem>> -> memref<!tpu.dma_semaphore, #tpu.memory_space<semaphore_mem>>
        %dma_start3A_787 = tpu.memref_slice %arg13[%multiple_of3A_775] : memref<1024xf32, #tpu.memory_space<vmem>> -> memref<512xf32, #tpu.memory_space<vmem>>
        %dma_start3A_788 = tpu.memref_slice %arg2[%select_n3A_710, %select_n3A_737, %multiple_of3A_781] : memref<16x12x8192xf32, #tpu.memory_space<hbm>> -> memref<1x1x512xf32, #tpu.memory_space<hbm>>
        %dma_start3A_789 = tpu.memref_squeeze %dma_start3A_788 : memref<1x1x512xf32, #tpu.memory_space<hbm>> -> memref<512xf32, #tpu.memory_space<hbm>>
        tpu.enqueue_dma source(%dma_start3A_789 : memref<512xf32, #tpu.memory_space<hbm>>) target(%dma_start3A_787 : memref<512xf32, #tpu.memory_space<vmem>>) target_semaphore(%dma_start3A_786 : memref<!tpu.dma_semaphore, #tpu.memory_space<semaphore_mem>>)
        %dma_start3A_790 = arith.constant 0 : i32
        %dma_start3A_791 = tpu.memref_slice %arg15[%multiple_of3A_778, %dma_start3A_790] : memref<256x40xf32, #tpu.memory_space<vmem>> -> memref<128x40xf32, #tpu.memory_space<vmem>>
        %dma_start3A_792 = arith.constant 0 : i32
        %dma_start3A_793 = tpu.memref_slice %arg7[%select_n3A_737, %multiple_of3A_756, %dma_start3A_792] : memref<12x2048x40xf32, #tpu.memory_space<hbm>> -> memref<1x128x40xf32, #tpu.memory_space<hbm>>
        %dma_start3A_794 = tpu.memref_squeeze %dma_start3A_793 : memref<1x128x40xf32, #tpu.memory_space<hbm>> -> memref<128x40xf32, #tpu.memory_space<hbm>>
        %dma_start3A_795 = tpu.memref_slice %arg18[%select_n3A_772] : memref<2x!tpu.dma_semaphore, #tpu.memory_space<semaphore_mem>> -> memref<1x!tpu.dma_semaphore, #tpu.memory_space<semaphore_mem>>
        %dma_start3A_796 = tpu.memref_squeeze %dma_start3A_795 : memref<1x!tpu.dma_semaphore, #tpu.memory_space<semaphore_mem>> -> memref<!tpu.dma_semaphore, #tpu.memory_space<semaphore_mem>>
        %dma_start3A_797 = arith.constant 0 : i32
        %dma_start3A_798 = tpu.memref_slice %arg15[%multiple_of3A_778, %dma_start3A_797] : memref<256x40xf32, #tpu.memory_space<vmem>> -> memref<128x40xf32, #tpu.memory_space<vmem>>
        %dma_start3A_799 = arith.constant 0 : i32
        %dma_start3A_800 = tpu.memref_slice %arg7[%select_n3A_737, %multiple_of3A_756, %dma_start3A_799] : memref<12x2048x40xf32, #tpu.memory_space<hbm>> -> memref<1x128x40xf32, #tpu.memory_space<hbm>>
        %dma_start3A_801 = tpu.memref_squeeze %dma_start3A_800 : memref<1x128x40xf32, #tpu.memory_space<hbm>> -> memref<128x40xf32, #tpu.memory_space<hbm>>
        tpu.enqueue_dma source(%dma_start3A_801 : memref<128x40xf32, #tpu.memory_space<hbm>>) target(%dma_start3A_798 : memref<128x40xf32, #tpu.memory_space<vmem>>) target_semaphore(%dma_start3A_796 : memref<!tpu.dma_semaphore, #tpu.memory_space<semaphore_mem>>)
      } else {
      }
      %ge3A = arith.constant 2 : i32
      %ge3A_539 = arith.cmpi sge, %scan3A_300, %ge3A : i32
      %convert_element_type3A_540 = arith.extui %ge3A_539 : i1 to i32
      %cond3A_541 = arith.constant 0 : i32
      %cond3A_542 = arith.cmpi ne, %convert_element_type3A_540, %cond3A_541 : i32
      scf.if %cond3A_542 {
        %sub3A_669 = arith.constant 2 : i32
        %sub3A_670 = arith.subi %scan3A_300, %sub3A_669 : i32
        %jit3A_671 = arith.constant 16 : i32
        %div3A_672 = arith.divsi %sub3A_670, %jit3A_671 : i32
        %sign3A_673 = arith.constant 0 : i32
        %sign3A_674 = arith.cmpi sgt, %sub3A_670, %sign3A_673 : i32
        %sign3A_675 = arith.extui %sign3A_674 : i1 to i32
        %sign3A_676 = arith.constant 0 : i32
        %sign3A_677 = arith.cmpi slt, %sub3A_670, %sign3A_676 : i32
        %sign3A_678 = arith.extui %sign3A_677 : i1 to i32
        %sign3A_679 = arith.subi %sign3A_675, %sign3A_678 : i32
        %sign3A_680 = arith.constant 0 : i32
        %sign3A_681 = arith.cmpi sgt, %jit3A_671, %sign3A_680 : i32
        %sign3A_682 = arith.extui %sign3A_681 : i1 to i32
        %sign3A_683 = arith.constant 0 : i32
        %sign3A_684 = arith.cmpi slt, %jit3A_671, %sign3A_683 : i32
        %sign3A_685 = arith.extui %sign3A_684 : i1 to i32
        %sign3A_686 = arith.subi %sign3A_682, %sign3A_685 : i32
        %ne3A_687 = arith.cmpi ne, %sign3A_679, %sign3A_686 : i32
        %rem3A_688 = arith.remsi %sub3A_670, %jit3A_671 : i32
        %ne3A_689 = arith.constant 0 : i32
        %ne3A_690 = arith.cmpi ne, %rem3A_688, %ne3A_689 : i32
        %and3A_691 = arith.andi %ne3A_687, %ne3A_690 : i1
        %sub3A_692 = arith.constant 1 : i32
        %sub3A_693 = arith.subi %div3A_672, %sub3A_692 : i32
        %select_n3A_694 = arith.select %and3A_691, %sub3A_693, %div3A_672 : i32
        %jit3A_695 = arith.constant 16 : i32
        %eq3A_696 = arith.constant 0 : i32
        %eq3A_697 = arith.cmpi eq, %jit3A_695, %eq3A_696 : i32
        %jit3A_698 = arith.constant 1 : i32
        %select_n3A_699 = arith.select %eq3A_697, %jit3A_698, %jit3A_695 : i32
        %rem3A_700 = arith.remsi %sub3A_670, %select_n3A_699 : i32
        %ne3A_701 = arith.constant 0 : i32
        %ne3A_702 = arith.cmpi ne, %rem3A_700, %ne3A_701 : i32
        %lt3A_703 = arith.constant 0 : i32
        %lt3A_704 = arith.cmpi slt, %rem3A_700, %lt3A_703 : i32
        %lt3A_705 = arith.constant 0 : i32
        %lt3A_706 = arith.cmpi slt, %select_n3A_699, %lt3A_705 : i32
        %ne3A_707 = arith.xori %lt3A_704, %lt3A_706 : i1
        %and3A_708 = arith.andi %ne3A_707, %ne3A_702 : i1
        %add3A_709 = arith.addi %rem3A_700, %select_n3A_699 : i32
        %select_n3A_710 = arith.select %and3A_708, %add3A_709, %rem3A_700 : i32
        %mul3A_711 = arith.constant 6 : i32
        %mul3A_712 = arith.muli %add3A, %mul3A_711 : i32
        %add3A_713 = arith.addi %mul3A_712, %select_n3A_694 : i32
        %jit3A_714 = arith.constant 16 : i32
        %div3A_715 = arith.divsi %add3A_713, %jit3A_714 : i32
        %sign3A_716 = arith.constant 0 : i32
        %sign3A_717 = arith.cmpi sgt, %add3A_713, %sign3A_716 : i32
        %sign3A_718 = arith.extui %sign3A_717 : i1 to i32
        %sign3A_719 = arith.constant 0 : i32
        %sign3A_720 = arith.cmpi slt, %add3A_713, %sign3A_719 : i32
        %sign3A_721 = arith.extui %sign3A_720 : i1 to i32
        %sign3A_722 = arith.subi %sign3A_718, %sign3A_721 : i32
        %sign3A_723 = arith.constant 0 : i32
        %sign3A_724 = arith.cmpi sgt, %jit3A_714, %sign3A_723 : i32
        %sign3A_725 = arith.extui %sign3A_724 : i1 to i32
        %sign3A_726 = arith.constant 0 : i32
        %sign3A_727 = arith.cmpi slt, %jit3A_714, %sign3A_726 : i32
        %sign3A_728 = arith.extui %sign3A_727 : i1 to i32
        %sign3A_729 = arith.subi %sign3A_725, %sign3A_728 : i32
        %ne3A_730 = arith.cmpi ne, %sign3A_722, %sign3A_729 : i32
        %rem3A_731 = arith.remsi %add3A_713, %jit3A_714 : i32
        %ne3A_732 = arith.constant 0 : i32
        %ne3A_733 = arith.cmpi ne, %rem3A_731, %ne3A_732 : i32
        %and3A_734 = arith.andi %ne3A_730, %ne3A_733 : i1
        %sub3A_735 = arith.constant 1 : i32
        %sub3A_736 = arith.subi %div3A_715, %sub3A_735 : i32
        %select_n3A_737 = arith.select %and3A_734, %sub3A_736, %div3A_715 : i32
        %jit3A_738 = arith.constant 16 : i32
        %eq3A_739 = arith.constant 0 : i32
        %eq3A_740 = arith.cmpi eq, %jit3A_738, %eq3A_739 : i32
        %jit3A_741 = arith.constant 1 : i32
        %select_n3A_742 = arith.select %eq3A_740, %jit3A_741, %jit3A_738 : i32
        %rem3A_743 = arith.remsi %add3A_713, %select_n3A_742 : i32
        %ne3A_744 = arith.constant 0 : i32
        %ne3A_745 = arith.cmpi ne, %rem3A_743, %ne3A_744 : i32
        %lt3A_746 = arith.constant 0 : i32
        %lt3A_747 = arith.cmpi slt, %rem3A_743, %lt3A_746 : i32
        %lt3A_748 = arith.constant 0 : i32
        %lt3A_749 = arith.cmpi slt, %select_n3A_742, %lt3A_748 : i32
        %ne3A_750 = arith.xori %lt3A_747, %lt3A_749 : i1
        %and3A_751 = arith.andi %ne3A_750, %ne3A_745 : i1
        %add3A_752 = arith.addi %rem3A_743, %select_n3A_742 : i32
        %select_n3A_753 = arith.select %and3A_751, %add3A_752, %rem3A_743 : i32
        %mul3A_754 = arith.constant 128 : i32
        %mul3A_755 = arith.muli %select_n3A_753, %mul3A_754 : i32
        %multiple_of3A_756 = tpu.assume_multiple %mul3A_755, 128 : i32
        %jit3A_757 = arith.constant 2 : i32
        %eq3A_758 = arith.constant 0 : i32
        %eq3A_759 = arith.cmpi eq, %jit3A_757, %eq3A_758 : i32
        %jit3A_760 = arith.constant 1 : i32
        %select_n3A_761 = arith.select %eq3A_759, %jit3A_760, %jit3A_757 : i32
        %rem3A_762 = arith.remsi %sub3A_670, %select_n3A_761 : i32
        %ne3A_763 = arith.constant 0 : i32
        %ne3A_764 = arith.cmpi ne, %rem3A_762, %ne3A_763 : i32
        %lt3A_765 = arith.constant 0 : i32
        %lt3A_766 = arith.cmpi slt, %rem3A_762, %lt3A_765 : i32
        %lt3A_767 = arith.constant 0 : i32
        %lt3A_768 = arith.cmpi slt, %select_n3A_761, %lt3A_767 : i32
        %ne3A_769 = arith.xori %lt3A_766, %lt3A_768 : i1
        %and3A_770 = arith.andi %ne3A_769, %ne3A_764 : i1
        %add3A_771 = arith.addi %rem3A_762, %select_n3A_761 : i32
        %select_n3A_772 = arith.select %and3A_770, %add3A_771, %rem3A_762 : i32
        %mul3A_773 = arith.constant 128 : i32
        %mul3A_774 = arith.muli %select_n3A_772, %mul3A_773 : i32
        %multiple_of3A_775 = tpu.assume_multiple %mul3A_774, 128 : i32
        %dma_wait3A_776 = arith.constant 0 : i32
        %dma_wait3A_777 = tpu.memref_slice %arg14[%multiple_of3A_775, %dma_wait3A_776] : memref<256x152xf32, #tpu.memory_space<vmem>> -> memref<128x152xf32, #tpu.memory_space<vmem>>
        %dma_wait3A_778 = arith.constant 0 : i32
        %dma_wait3A_779 = tpu.memref_slice %arg8[%select_n3A_710, %select_n3A_737, %multiple_of3A_756, %dma_wait3A_778] : memref<16x12x2048x152xf32, #tpu.memory_space<hbm>> -> memref<1x1x128x152xf32, #tpu.memory_space<hbm>>
        %dma_wait3A_780 = tpu.memref_squeeze %dma_wait3A_779 : memref<1x1x128x152xf32, #tpu.memory_space<hbm>> -> memref<128x152xf32, #tpu.memory_space<hbm>>
        %dma_wait3A_781 = tpu.memref_slice %arg17[%select_n3A_772] : memref<2x!tpu.dma_semaphore, #tpu.memory_space<semaphore_mem>> -> memref<1x!tpu.dma_semaphore, #tpu.memory_space<semaphore_mem>>
        %dma_wait3A_782 = tpu.memref_squeeze %dma_wait3A_781 : memref<1x!tpu.dma_semaphore, #tpu.memory_space<semaphore_mem>> -> memref<!tpu.dma_semaphore, #tpu.memory_space<semaphore_mem>>
        %dma_wait3A_783 = arith.constant 0 : i32
        %dma_wait3A_784 = tpu.memref_slice %arg8[%select_n3A_710, %select_n3A_737, %multiple_of3A_756, %dma_wait3A_783] : memref<16x12x2048x152xf32, #tpu.memory_space<hbm>> -> memref<1x1x128x152xf32, #tpu.memory_space<hbm>>
        %dma_wait3A_785 = tpu.memref_squeeze %dma_wait3A_784 : memref<1x1x128x152xf32, #tpu.memory_space<hbm>> -> memref<128x152xf32, #tpu.memory_space<hbm>>
        %dma_wait3A_786 = arith.constant 0 : i32
        %dma_wait3A_787 = tpu.memref_slice %arg14[%multiple_of3A_775, %dma_wait3A_786] : memref<256x152xf32, #tpu.memory_space<vmem>> -> memref<128x152xf32, #tpu.memory_space<vmem>>
        tpu.wait_dma2 semaphore(%dma_wait3A_782 : memref<!tpu.dma_semaphore, #tpu.memory_space<semaphore_mem>>) src(%dma_wait3A_787 : memref<128x152xf32, #tpu.memory_space<vmem>>) dst(%dma_wait3A_785 : memref<128x152xf32, #tpu.memory_space<hbm>>)
      } else {
      }
      %mul3A_543 = arith.constant 512 : i32
      %mul3A_544 = arith.muli %select_n3A_402, %mul3A_543 : i32
      %mul3A_545 = arith.constant 128 : i32
      %mul3A_546 = arith.muli %select_n3A_402, %mul3A_545 : i32
      %parallel_loop3A = arith.constant 0 : i32
      %parallel_loop3A_547 = arith.constant 64 : i32
      %parallel_loop3A_548 = arith.constant 1 : i32
      scf.for %parallel_loop3A_669 = %parallel_loop3A to %parallel_loop3A_547 step %parallel_loop3A_548  : i32 {
        %parallel_loop3A_670 = arith.constant 8 : i32
        %parallel_loop3A_671 = arith.muli %parallel_loop3A_669, %parallel_loop3A_670 : i32
        %parallel_loop3A_672 = arith.addi %mul3A_544, %parallel_loop3A_671 : i32
        %parallel_loop3A_673 = tpu.assume_multiple %parallel_loop3A_672, 8 : i32
        %parallel_loop3A_674 = arith.index_cast %parallel_loop3A_673 : i32 to index
        %parallel_loop3A_675 = tpu.vector_load %arg13[%parallel_loop3A_674] {strides = array<i32>} : memref<1024xf32, #tpu.memory_space<vmem>>, vector<16xf32>,
        %parallel_loop3A_676 = arith.constant 2 : i32
        %parallel_loop3A_677 = arith.muli %parallel_loop3A_669, %parallel_loop3A_676 : i32
        %parallel_loop3A_678 = arith.constant 0 : i32
        %parallel_loop3A_679 = arith.addi %parallel_loop3A_677, %parallel_loop3A_678 : i32
        %parallel_loop3A_680 = arith.addi %mul3A_546, %parallel_loop3A_679 : i32
        %parallel_loop3A_681 = arith.constant 0 : i32
        %parallel_loop3A_682 = vector.broadcast %parallel_loop3A_681 : i32 to vector<16xi32>
        %parallel_loop3A_683 = arith.cmpi slt, %broadcast_in_dim3A_1, %parallel_loop3A_682 : vector<16xi32>
        %parallel_loop3A_684 = arith.constant 16 : i32
        %parallel_loop3A_685 = vector.broadcast %parallel_loop3A_684 : i32 to vector<16xi32>
        %parallel_loop3A_686 = arith.addi %broadcast_in_dim3A_1, %parallel_loop3A_685 : vector<16xi32>
        %parallel_loop3A_687 = arith.select %parallel_loop3A_683, %parallel_loop3A_686, %broadcast_in_dim3A_1 : vector<16xi1>, vector<16xi32>
        %parallel_loop3A_688 = vector.shape_cast %parallel_loop3A_687 : vector<16xi32> to vector<16x1xi32>
        %parallel_loop3A_689 = vector.shape_cast %parallel_loop3A_688 : vector<16x1xi32> to vector<16xi32>
        %parallel_loop3A_690 = tpu.dynamic_gather %parallel_loop3A_675[%parallel_loop3A_689] in [0] : vector<16xf32>, vector<16xi32> -> vector<16xf32>
        %parallel_loop3A_691 = arith.constant 0 : i32
        %parallel_loop3A_692 = vector.broadcast %parallel_loop3A_691 : i32 to vector<16xi32>
        %parallel_loop3A_693 = arith.cmpi slt, %broadcast_in_dim3A_3, %parallel_loop3A_692 : vector<16xi32>
        %parallel_loop3A_694 = arith.constant 16 : i32
        %parallel_loop3A_695 = vector.broadcast %parallel_loop3A_694 : i32 to vector<16xi32>
        %parallel_loop3A_696 = arith.addi %broadcast_in_dim3A_3, %parallel_loop3A_695 : vector<16xi32>
        %parallel_loop3A_697 = arith.select %parallel_loop3A_693, %parallel_loop3A_696, %broadcast_in_dim3A_3 : vector<16xi1>, vector<16xi32>
        %parallel_loop3A_698 = vector.shape_cast %parallel_loop3A_697 : vector<16xi32> to vector<16x1xi32>
        %parallel_loop3A_699 = vector.shape_cast %parallel_loop3A_698 : vector<16x1xi32> to vector<16xi32>
        %parallel_loop3A_700 = tpu.dynamic_gather %parallel_loop3A_675[%parallel_loop3A_699] in [0] : vector<16xf32>, vector<16xi32> -> vector<16xf32>
        %parallel_loop3A_701 = arith.constant 0 : i32
        %parallel_loop3A_702 = vector.broadcast %parallel_loop3A_701 : i32 to vector<16xi32>
        %parallel_loop3A_703 = arith.cmpi slt, %broadcast_in_dim3A_5, %parallel_loop3A_702 : vector<16xi32>
        %parallel_loop3A_704 = arith.constant 16 : i32
        %parallel_loop3A_705 = vector.broadcast %parallel_loop3A_704 : i32 to vector<16xi32>
        %parallel_loop3A_706 = arith.addi %broadcast_in_dim3A_5, %parallel_loop3A_705 : vector<16xi32>
        %parallel_loop3A_707 = arith.select %parallel_loop3A_703, %parallel_loop3A_706, %broadcast_in_dim3A_5 : vector<16xi1>, vector<16xi32>
        %parallel_loop3A_708 = vector.shape_cast %parallel_loop3A_707 : vector<16xi32> to vector<16x1xi32>
        %parallel_loop3A_709 = vector.shape_cast %parallel_loop3A_708 : vector<16x1xi32> to vector<16xi32>
        %parallel_loop3A_710 = tpu.dynamic_gather %parallel_loop3A_675[%parallel_loop3A_709] in [0] : vector<16xf32>, vector<16xi32> -> vector<16xf32>
        %parallel_loop3A_711 = arith.constant 0 : i32
        %parallel_loop3A_712 = vector.broadcast %parallel_loop3A_711 : i32 to vector<16xi32>
        %parallel_loop3A_713 = arith.cmpi slt, %broadcast_in_dim3A_7, %parallel_loop3A_712 : vector<16xi32>
        %parallel_loop3A_714 = arith.constant 16 : i32
        %parallel_loop3A_715 = vector.broadcast %parallel_loop3A_714 : i32 to vector<16xi32>
        %parallel_loop3A_716 = arith.addi %broadcast_in_dim3A_7, %parallel_loop3A_715 : vector<16xi32>
        %parallel_loop3A_717 = arith.select %parallel_loop3A_713, %parallel_loop3A_716, %broadcast_in_dim3A_7 : vector<16xi1>, vector<16xi32>
        %parallel_loop3A_718 = vector.shape_cast %parallel_loop3A_717 : vector<16xi32> to vector<16x1xi32>
        %parallel_loop3A_719 = vector.shape_cast %parallel_loop3A_718 : vector<16x1xi32> to vector<16xi32>
        %parallel_loop3A_720 = tpu.dynamic_gather %parallel_loop3A_675[%parallel_loop3A_719] in [0] : vector<16xf32>, vector<16xi32> -> vector<16xf32>
        %parallel_loop3A_721 = arith.mulf %parallel_loop3A_690, %get3A_18 : vector<16xf32>
        %parallel_loop3A_722 = arith.addf %get3A_96, %parallel_loop3A_721 : vector<16xf32>
        %parallel_loop3A_723 = arith.mulf %parallel_loop3A_700, %get3A_38 : vector<16xf32>
        %parallel_loop3A_724 = arith.addf %parallel_loop3A_722, %parallel_loop3A_723 : vector<16xf32>
        %parallel_loop3A_725 = arith.mulf %parallel_loop3A_710, %get3A_58 : vector<16xf32>
        %parallel_loop3A_726 = arith.addf %parallel_loop3A_724, %parallel_loop3A_725 : vector<16xf32>
        %parallel_loop3A_727 = arith.mulf %parallel_loop3A_720, %get3A_78 : vector<16xf32>
        %parallel_loop3A_728 = arith.addf %parallel_loop3A_726, %parallel_loop3A_727 : vector<16xf32>
        %parallel_loop3A_729 = arith.index_cast %parallel_loop3A_680 : i32 to index
        %parallel_loop3A_730 = arith.constant 0 : index
        %parallel_loop3A_731 = tpu.vector_load %arg14[%parallel_loop3A_729, %parallel_loop3A_730] {strides = array<i32>} : memref<256x152xf32, #tpu.memory_space<vmem>>, vector<16xf32>,
        tpu.vector_store %arg14[%parallel_loop3A_729, %parallel_loop3A_730], %parallel_loop3A_728 {strides = array<i32>} : memref<256x152xf32, #tpu.memory_space<vmem>>, vector<16xf32>,
        %parallel_loop3A_732 = arith.mulf %parallel_loop3A_690, %get3A_22 : vector<16xf32>
        %parallel_loop3A_733 = arith.addf %get3A_98, %parallel_loop3A_732 : vector<16xf32>
        %parallel_loop3A_734 = arith.mulf %parallel_loop3A_700, %get3A_42 : vector<16xf32>
        %parallel_loop3A_735 = arith.addf %parallel_loop3A_733, %parallel_loop3A_734 : vector<16xf32>
        %parallel_loop3A_736 = arith.mulf %parallel_loop3A_710, %get3A_62 : vector<16xf32>
        %parallel_loop3A_737 = arith.addf %parallel_loop3A_735, %parallel_loop3A_736 : vector<16xf32>
        %parallel_loop3A_738 = arith.mulf %parallel_loop3A_720, %get3A_82 : vector<16xf32>
        %parallel_loop3A_739 = arith.addf %parallel_loop3A_737, %parallel_loop3A_738 : vector<16xf32>
        %parallel_loop3A_740 = arith.index_cast %parallel_loop3A_680 : i32 to index
        %parallel_loop3A_741 = arith.constant 16 : index
        %parallel_loop3A_742 = tpu.vector_load %arg14[%parallel_loop3A_740, %parallel_loop3A_741] {strides = array<i32>} : memref<256x152xf32, #tpu.memory_space<vmem>>, vector<16xf32>,
        tpu.vector_store %arg14[%parallel_loop3A_740, %parallel_loop3A_741], %parallel_loop3A_739 {strides = array<i32>} : memref<256x152xf32, #tpu.memory_space<vmem>>, vector<16xf32>,
        %parallel_loop3A_743 = arith.mulf %parallel_loop3A_690, %get3A_26 : vector<16xf32>
        %parallel_loop3A_744 = arith.addf %get3A_100, %parallel_loop3A_743 : vector<16xf32>
        %parallel_loop3A_745 = arith.mulf %parallel_loop3A_700, %get3A_46 : vector<16xf32>
        %parallel_loop3A_746 = arith.addf %parallel_loop3A_744, %parallel_loop3A_745 : vector<16xf32>
        %parallel_loop3A_747 = arith.mulf %parallel_loop3A_710, %get3A_66 : vector<16xf32>
        %parallel_loop3A_748 = arith.addf %parallel_loop3A_746, %parallel_loop3A_747 : vector<16xf32>
        %parallel_loop3A_749 = arith.mulf %parallel_loop3A_720, %get3A_86 : vector<16xf32>
        %parallel_loop3A_750 = arith.addf %parallel_loop3A_748, %parallel_loop3A_749 : vector<16xf32>
        %parallel_loop3A_751 = arith.index_cast %parallel_loop3A_680 : i32 to index
        %parallel_loop3A_752 = arith.constant 32 : index
        %parallel_loop3A_753 = tpu.vector_load %arg14[%parallel_loop3A_751, %parallel_loop3A_752] {strides = array<i32>} : memref<256x152xf32, #tpu.memory_space<vmem>>, vector<16xf32>,
        tpu.vector_store %arg14[%parallel_loop3A_751, %parallel_loop3A_752], %parallel_loop3A_750 {strides = array<i32>} : memref<256x152xf32, #tpu.memory_space<vmem>>, vector<16xf32>,
        %parallel_loop3A_754 = arith.mulf %parallel_loop3A_690, %get3A_30 : vector<16xf32>
        %parallel_loop3A_755 = arith.addf %get3A_102, %parallel_loop3A_754 : vector<16xf32>
        %parallel_loop3A_756 = arith.mulf %parallel_loop3A_700, %get3A_50 : vector<16xf32>
        %parallel_loop3A_757 = arith.addf %parallel_loop3A_755, %parallel_loop3A_756 : vector<16xf32>
        %parallel_loop3A_758 = arith.mulf %parallel_loop3A_710, %get3A_70 : vector<16xf32>
        %parallel_loop3A_759 = arith.addf %parallel_loop3A_757, %parallel_loop3A_758 : vector<16xf32>
        %parallel_loop3A_760 = arith.mulf %parallel_loop3A_720, %get3A_90 : vector<16xf32>
        %parallel_loop3A_761 = arith.addf %parallel_loop3A_759, %parallel_loop3A_760 : vector<16xf32>
        %parallel_loop3A_762 = arith.index_cast %parallel_loop3A_680 : i32 to index
        %parallel_loop3A_763 = arith.constant 48 : index
        %parallel_loop3A_764 = tpu.vector_load %arg14[%parallel_loop3A_762, %parallel_loop3A_763] {strides = array<i32>} : memref<256x152xf32, #tpu.memory_space<vmem>>, vector<16xf32>,
        tpu.vector_store %arg14[%parallel_loop3A_762, %parallel_loop3A_763], %parallel_loop3A_761 {strides = array<i32>} : memref<256x152xf32, #tpu.memory_space<vmem>>, vector<16xf32>,
        %parallel_loop3A_765 = arith.mulf %parallel_loop3A_690, %get3A_34 : vector<16xf32>
        %parallel_loop3A_766 = arith.addf %get3A_104, %parallel_loop3A_765 : vector<16xf32>
        %parallel_loop3A_767 = arith.mulf %parallel_loop3A_700, %get3A_54 : vector<16xf32>
        %parallel_loop3A_768 = arith.addf %parallel_loop3A_766, %parallel_loop3A_767 : vector<16xf32>
        %parallel_loop3A_769 = arith.mulf %parallel_loop3A_710, %get3A_74 : vector<16xf32>
        %parallel_loop3A_770 = arith.addf %parallel_loop3A_768, %parallel_loop3A_769 : vector<16xf32>
        %parallel_loop3A_771 = arith.mulf %parallel_loop3A_720, %get3A_94 : vector<16xf32>
        %parallel_loop3A_772 = arith.addf %parallel_loop3A_770, %parallel_loop3A_771 : vector<16xf32>
        %parallel_loop3A_773 = arith.index_cast %parallel_loop3A_680 : i32 to index
        %parallel_loop3A_774 = arith.constant 64 : index
        %parallel_loop3A_775 = tpu.vector_load %arg14[%parallel_loop3A_773, %parallel_loop3A_774] {strides = array<i32>} : memref<256x152xf32, #tpu.memory_space<vmem>>, vector<16xf32>,
        tpu.vector_store %arg14[%parallel_loop3A_773, %parallel_loop3A_774], %parallel_loop3A_772 {strides = array<i32>} : memref<256x152xf32, #tpu.memory_space<vmem>>, vector<16xf32>,
        %parallel_loop3A_776 = arith.index_cast %parallel_loop3A_680 : i32 to index
        %parallel_loop3A_777 = arith.constant 0 : index
        %parallel_loop3A_778 = tpu.vector_load %arg15[%parallel_loop3A_776, %parallel_loop3A_777] {strides = array<i32>} : memref<256x40xf32, #tpu.memory_space<vmem>>, vector<16xf32>,
        %parallel_loop3A_779 = arith.index_cast %parallel_loop3A_680 : i32 to index
        %parallel_loop3A_780 = arith.constant 112 : index
        %parallel_loop3A_781 = tpu.vector_load %arg14[%parallel_loop3A_779, %parallel_loop3A_780] {strides = array<i32>} : memref<256x152xf32, #tpu.memory_space<vmem>>, vector<16xf32>,
        tpu.vector_store %arg14[%parallel_loop3A_779, %parallel_loop3A_780], %parallel_loop3A_778 {strides = array<i32>} : memref<256x152xf32, #tpu.memory_space<vmem>>, vector<16xf32>,
        %parallel_loop3A_782 = arith.index_cast %parallel_loop3A_680 : i32 to index
        %parallel_loop3A_783 = arith.constant 16 : index
        %parallel_loop3A_784 = tpu.vector_load %arg15[%parallel_loop3A_782, %parallel_loop3A_783] {strides = array<i32>} : memref<256x40xf32, #tpu.memory_space<vmem>>, vector<16xf32>,
        %parallel_loop3A_785 = arith.index_cast %parallel_loop3A_680 : i32 to index
        %parallel_loop3A_786 = arith.constant 128 : index
        %parallel_loop3A_787 = tpu.vector_load %arg14[%parallel_loop3A_785, %parallel_loop3A_786] {strides = array<i32>} : memref<256x152xf32, #tpu.memory_space<vmem>>, vector<16xf32>,
        tpu.vector_store %arg14[%parallel_loop3A_785, %parallel_loop3A_786], %parallel_loop3A_784 {strides = array<i32>} : memref<256x152xf32, #tpu.memory_space<vmem>>, vector<16xf32>,
        %parallel_loop3A_788 = arith.index_cast %parallel_loop3A_680 : i32 to index
        %parallel_loop3A_789 = arith.constant 24 : index
        %parallel_loop3A_790 = tpu.vector_load %arg15[%parallel_loop3A_788, %parallel_loop3A_789] {strides = array<i32>} : memref<256x40xf32, #tpu.memory_space<vmem>>, vector<16xf32>,
        %parallel_loop3A_791 = arith.index_cast %parallel_loop3A_680 : i32 to index
        %parallel_loop3A_792 = arith.constant 136 : index
        %parallel_loop3A_793 = tpu.vector_load %arg14[%parallel_loop3A_791, %parallel_loop3A_792] {strides = array<i32>} : memref<256x152xf32, #tpu.memory_space<vmem>>, vector<16xf32>,
        tpu.vector_store %arg14[%parallel_loop3A_791, %parallel_loop3A_792], %parallel_loop3A_790 {strides = array<i32>} : memref<256x152xf32, #tpu.memory_space<vmem>>, vector<16xf32>,
        %parallel_loop3A_794 = arith.constant 2 : i32
        %parallel_loop3A_795 = arith.muli %parallel_loop3A_669, %parallel_loop3A_794 : i32
        %parallel_loop3A_796 = arith.constant 1 : i32
        %parallel_loop3A_797 = arith.addi %parallel_loop3A_795, %parallel_loop3A_796 : i32
        %parallel_loop3A_798 = arith.addi %mul3A_546, %parallel_loop3A_797 : i32
        %parallel_loop3A_799 = arith.constant 0 : i32
        %parallel_loop3A_800 = vector.broadcast %parallel_loop3A_799 : i32 to vector<16xi32>
        %parallel_loop3A_801 = arith.cmpi slt, %broadcast_in_dim3A_9, %parallel_loop3A_800 : vector<16xi32>
        %parallel_loop3A_802 = arith.constant 16 : i32
        %parallel_loop3A_803 = vector.broadcast %parallel_loop3A_802 : i32 to vector<16xi32>
        %parallel_loop3A_804 = arith.addi %broadcast_in_dim3A_9, %parallel_loop3A_803 : vector<16xi32>
        %parallel_loop3A_805 = arith.select %parallel_loop3A_801, %parallel_loop3A_804, %broadcast_in_dim3A_9 : vector<16xi1>, vector<16xi32>
        %parallel_loop3A_806 = vector.shape_cast %parallel_loop3A_805 : vector<16xi32> to vector<16x1xi32>
        %parallel_loop3A_807 = vector.shape_cast %parallel_loop3A_806 : vector<16x1xi32> to vector<16xi32>
        %parallel_loop3A_808 = tpu.dynamic_gather %parallel_loop3A_675[%parallel_loop3A_807] in [0] : vector<16xf32>, vector<16xi32> -> vector<16xf32>
        %parallel_loop3A_809 = arith.constant 0 : i32
        %parallel_loop3A_810 = vector.broadcast %parallel_loop3A_809 : i32 to vector<16xi32>
        %parallel_loop3A_811 = arith.cmpi slt, %broadcast_in_dim3A_11, %parallel_loop3A_810 : vector<16xi32>
        %parallel_loop3A_812 = arith.constant 16 : i32
        %parallel_loop3A_813 = vector.broadcast %parallel_loop3A_812 : i32 to vector<16xi32>
        %parallel_loop3A_814 = arith.addi %broadcast_in_dim3A_11, %parallel_loop3A_813 : vector<16xi32>
        %parallel_loop3A_815 = arith.select %parallel_loop3A_811, %parallel_loop3A_814, %broadcast_in_dim3A_11 : vector<16xi1>, vector<16xi32>
        %parallel_loop3A_816 = vector.shape_cast %parallel_loop3A_815 : vector<16xi32> to vector<16x1xi32>
        %parallel_loop3A_817 = vector.shape_cast %parallel_loop3A_816 : vector<16x1xi32> to vector<16xi32>
        %parallel_loop3A_818 = tpu.dynamic_gather %parallel_loop3A_675[%parallel_loop3A_817] in [0] : vector<16xf32>, vector<16xi32> -> vector<16xf32>
        %parallel_loop3A_819 = arith.constant 0 : i32
        %parallel_loop3A_820 = vector.broadcast %parallel_loop3A_819 : i32 to vector<16xi32>
        %parallel_loop3A_821 = arith.cmpi slt, %broadcast_in_dim3A_13, %parallel_loop3A_820 : vector<16xi32>
        %parallel_loop3A_822 = arith.constant 16 : i32
        %parallel_loop3A_823 = vector.broadcast %parallel_loop3A_822 : i32 to vector<16xi32>
        %parallel_loop3A_824 = arith.addi %broadcast_in_dim3A_13, %parallel_loop3A_823 : vector<16xi32>
        %parallel_loop3A_825 = arith.select %parallel_loop3A_821, %parallel_loop3A_824, %broadcast_in_dim3A_13 : vector<16xi1>, vector<16xi32>
        %parallel_loop3A_826 = vector.shape_cast %parallel_loop3A_825 : vector<16xi32> to vector<16x1xi32>
        %parallel_loop3A_827 = vector.shape_cast %parallel_loop3A_826 : vector<16x1xi32> to vector<16xi32>
        %parallel_loop3A_828 = tpu.dynamic_gather %parallel_loop3A_675[%parallel_loop3A_827] in [0] : vector<16xf32>, vector<16xi32> -> vector<16xf32>
        %parallel_loop3A_829 = arith.constant 0 : i32
        %parallel_loop3A_830 = vector.broadcast %parallel_loop3A_829 : i32 to vector<16xi32>
        %parallel_loop3A_831 = arith.cmpi slt, %broadcast_in_dim3A_15, %parallel_loop3A_830 : vector<16xi32>
        %parallel_loop3A_832 = arith.constant 16 : i32
        %parallel_loop3A_833 = vector.broadcast %parallel_loop3A_832 : i32 to vector<16xi32>
        %parallel_loop3A_834 = arith.addi %broadcast_in_dim3A_15, %parallel_loop3A_833 : vector<16xi32>
        %parallel_loop3A_835 = arith.select %parallel_loop3A_831, %parallel_loop3A_834, %broadcast_in_dim3A_15 : vector<16xi1>, vector<16xi32>
        %parallel_loop3A_836 = vector.shape_cast %parallel_loop3A_835 : vector<16xi32> to vector<16x1xi32>
        %parallel_loop3A_837 = vector.shape_cast %parallel_loop3A_836 : vector<16x1xi32> to vector<16xi32>
        %parallel_loop3A_838 = tpu.dynamic_gather %parallel_loop3A_675[%parallel_loop3A_837] in [0] : vector<16xf32>, vector<16xi32> -> vector<16xf32>
        %parallel_loop3A_839 = arith.mulf %parallel_loop3A_808, %get3A_18 : vector<16xf32>
        %parallel_loop3A_840 = arith.addf %get3A_96, %parallel_loop3A_839 : vector<16xf32>
        %parallel_loop3A_841 = arith.mulf %parallel_loop3A_818, %get3A_38 : vector<16xf32>
        %parallel_loop3A_842 = arith.addf %parallel_loop3A_840, %parallel_loop3A_841 : vector<16xf32>
        %parallel_loop3A_843 = arith.mulf %parallel_loop3A_828, %get3A_58 : vector<16xf32>
        %parallel_loop3A_844 = arith.addf %parallel_loop3A_842, %parallel_loop3A_843 : vector<16xf32>
        %parallel_loop3A_845 = arith.mulf %parallel_loop3A_838, %get3A_78 : vector<16xf32>
        %parallel_loop3A_846 = arith.addf %parallel_loop3A_844, %parallel_loop3A_845 : vector<16xf32>
        %parallel_loop3A_847 = arith.index_cast %parallel_loop3A_798 : i32 to index
        %parallel_loop3A_848 = arith.constant 0 : index
        %parallel_loop3A_849 = tpu.vector_load %arg14[%parallel_loop3A_847, %parallel_loop3A_848] {strides = array<i32>} : memref<256x152xf32, #tpu.memory_space<vmem>>, vector<16xf32>,
        tpu.vector_store %arg14[%parallel_loop3A_847, %parallel_loop3A_848], %parallel_loop3A_846 {strides = array<i32>} : memref<256x152xf32, #tpu.memory_space<vmem>>, vector<16xf32>,
        %parallel_loop3A_850 = arith.mulf %parallel_loop3A_808, %get3A_22 : vector<16xf32>
        %parallel_loop3A_851 = arith.addf %get3A_98, %parallel_loop3A_850 : vector<16xf32>
        %parallel_loop3A_852 = arith.mulf %parallel_loop3A_818, %get3A_42 : vector<16xf32>
        %parallel_loop3A_853 = arith.addf %parallel_loop3A_851, %parallel_loop3A_852 : vector<16xf32>
        %parallel_loop3A_854 = arith.mulf %parallel_loop3A_828, %get3A_62 : vector<16xf32>
        %parallel_loop3A_855 = arith.addf %parallel_loop3A_853, %parallel_loop3A_854 : vector<16xf32>
        %parallel_loop3A_856 = arith.mulf %parallel_loop3A_838, %get3A_82 : vector<16xf32>
        %parallel_loop3A_857 = arith.addf %parallel_loop3A_855, %parallel_loop3A_856 : vector<16xf32>
        %parallel_loop3A_858 = arith.index_cast %parallel_loop3A_798 : i32 to index
        %parallel_loop3A_859 = arith.constant 16 : index
        %parallel_loop3A_860 = tpu.vector_load %arg14[%parallel_loop3A_858, %parallel_loop3A_859] {strides = array<i32>} : memref<256x152xf32, #tpu.memory_space<vmem>>, vector<16xf32>,
        tpu.vector_store %arg14[%parallel_loop3A_858, %parallel_loop3A_859], %parallel_loop3A_857 {strides = array<i32>} : memref<256x152xf32, #tpu.memory_space<vmem>>, vector<16xf32>,
        %parallel_loop3A_861 = arith.mulf %parallel_loop3A_808, %get3A_26 : vector<16xf32>
        %parallel_loop3A_862 = arith.addf %get3A_100, %parallel_loop3A_861 : vector<16xf32>
        %parallel_loop3A_863 = arith.mulf %parallel_loop3A_818, %get3A_46 : vector<16xf32>
        %parallel_loop3A_864 = arith.addf %parallel_loop3A_862, %parallel_loop3A_863 : vector<16xf32>
        %parallel_loop3A_865 = arith.mulf %parallel_loop3A_828, %get3A_66 : vector<16xf32>
        %parallel_loop3A_866 = arith.addf %parallel_loop3A_864, %parallel_loop3A_865 : vector<16xf32>
        %parallel_loop3A_867 = arith.mulf %parallel_loop3A_838, %get3A_86 : vector<16xf32>
        %parallel_loop3A_868 = arith.addf %parallel_loop3A_866, %parallel_loop3A_867 : vector<16xf32>
        %parallel_loop3A_869 = arith.index_cast %parallel_loop3A_798 : i32 to index
        %parallel_loop3A_870 = arith.constant 32 : index
        %parallel_loop3A_871 = tpu.vector_load %arg14[%parallel_loop3A_869, %parallel_loop3A_870] {strides = array<i32>} : memref<256x152xf32, #tpu.memory_space<vmem>>, vector<16xf32>,
        tpu.vector_store %arg14[%parallel_loop3A_869, %parallel_loop3A_870], %parallel_loop3A_868 {strides = array<i32>} : memref<256x152xf32, #tpu.memory_space<vmem>>, vector<16xf32>,
        %parallel_loop3A_872 = arith.mulf %parallel_loop3A_808, %get3A_30 : vector<16xf32>
        %parallel_loop3A_873 = arith.addf %get3A_102, %parallel_loop3A_872 : vector<16xf32>
        %parallel_loop3A_874 = arith.mulf %parallel_loop3A_818, %get3A_50 : vector<16xf32>
        %parallel_loop3A_875 = arith.addf %parallel_loop3A_873, %parallel_loop3A_874 : vector<16xf32>
        %parallel_loop3A_876 = arith.mulf %parallel_loop3A_828, %get3A_70 : vector<16xf32>
        %parallel_loop3A_877 = arith.addf %parallel_loop3A_875, %parallel_loop3A_876 : vector<16xf32>
        %parallel_loop3A_878 = arith.mulf %parallel_loop3A_838, %get3A_90 : vector<16xf32>
        %parallel_loop3A_879 = arith.addf %parallel_loop3A_877, %parallel_loop3A_878 : vector<16xf32>
        %parallel_loop3A_880 = arith.index_cast %parallel_loop3A_798 : i32 to index
        %parallel_loop3A_881 = arith.constant 48 : index
        %parallel_loop3A_882 = tpu.vector_load %arg14[%parallel_loop3A_880, %parallel_loop3A_881] {strides = array<i32>} : memref<256x152xf32, #tpu.memory_space<vmem>>, vector<16xf32>,
        tpu.vector_store %arg14[%parallel_loop3A_880, %parallel_loop3A_881], %parallel_loop3A_879 {strides = array<i32>} : memref<256x152xf32, #tpu.memory_space<vmem>>, vector<16xf32>,
        %parallel_loop3A_883 = arith.mulf %parallel_loop3A_808, %get3A_34 : vector<16xf32>
        %parallel_loop3A_884 = arith.addf %get3A_104, %parallel_loop3A_883 : vector<16xf32>
        %parallel_loop3A_885 = arith.mulf %parallel_loop3A_818, %get3A_54 : vector<16xf32>
        %parallel_loop3A_886 = arith.addf %parallel_loop3A_884, %parallel_loop3A_885 : vector<16xf32>
        %parallel_loop3A_887 = arith.mulf %parallel_loop3A_828, %get3A_74 : vector<16xf32>
        %parallel_loop3A_888 = arith.addf %parallel_loop3A_886, %parallel_loop3A_887 : vector<16xf32>
        %parallel_loop3A_889 = arith.mulf %parallel_loop3A_838, %get3A_94 : vector<16xf32>
        %parallel_loop3A_890 = arith.addf %parallel_loop3A_888, %parallel_loop3A_889 : vector<16xf32>
        %parallel_loop3A_891 = arith.index_cast %parallel_loop3A_798 : i32 to index
        %parallel_loop3A_892 = arith.constant 64 : index
        %parallel_loop3A_893 = tpu.vector_load %arg14[%parallel_loop3A_891, %parallel_loop3A_892] {strides = array<i32>} : memref<256x152xf32, #tpu.memory_space<vmem>>, vector<16xf32>,
        tpu.vector_store %arg14[%parallel_loop3A_891, %parallel_loop3A_892], %parallel_loop3A_890 {strides = array<i32>} : memref<256x152xf32, #tpu.memory_space<vmem>>, vector<16xf32>,
        %parallel_loop3A_894 = arith.index_cast %parallel_loop3A_798 : i32 to index
        %parallel_loop3A_895 = arith.constant 0 : index
        %parallel_loop3A_896 = tpu.vector_load %arg15[%parallel_loop3A_894, %parallel_loop3A_895] {strides = array<i32>} : memref<256x40xf32, #tpu.memory_space<vmem>>, vector<16xf32>,
        %parallel_loop3A_897 = arith.index_cast %parallel_loop3A_798 : i32 to index
        %parallel_loop3A_898 = arith.constant 112 : index
        %parallel_loop3A_899 = tpu.vector_load %arg14[%parallel_loop3A_897, %parallel_loop3A_898] {strides = array<i32>} : memref<256x152xf32, #tpu.memory_space<vmem>>, vector<16xf32>,
        tpu.vector_store %arg14[%parallel_loop3A_897, %parallel_loop3A_898], %parallel_loop3A_896 {strides = array<i32>} : memref<256x152xf32, #tpu.memory_space<vmem>>, vector<16xf32>,
        %parallel_loop3A_900 = arith.index_cast %parallel_loop3A_798 : i32 to index
        %parallel_loop3A_901 = arith.constant 16 : index
        %parallel_loop3A_902 = tpu.vector_load %arg15[%parallel_loop3A_900, %parallel_loop3A_901] {strides = array<i32>} : memref<256x40xf32, #tpu.memory_space<vmem>>, vector<16xf32>,
        %parallel_loop3A_903 = arith.index_cast %parallel_loop3A_798 : i32 to index
        %parallel_loop3A_904 = arith.constant 128 : index
        %parallel_loop3A_905 = tpu.vector_load %arg14[%parallel_loop3A_903, %parallel_loop3A_904] {strides = array<i32>} : memref<256x152xf32, #tpu.memory_space<vmem>>, vector<16xf32>,
        tpu.vector_store %arg14[%parallel_loop3A_903, %parallel_loop3A_904], %parallel_loop3A_902 {strides = array<i32>} : memref<256x152xf32, #tpu.memory_space<vmem>>, vector<16xf32>,
        %parallel_loop3A_906 = arith.index_cast %parallel_loop3A_798 : i32 to index
        %parallel_loop3A_907 = arith.constant 24 : index
        %parallel_loop3A_908 = tpu.vector_load %arg15[%parallel_loop3A_906, %parallel_loop3A_907] {strides = array<i32>} : memref<256x40xf32, #tpu.memory_space<vmem>>, vector<16xf32>,
        %parallel_loop3A_909 = arith.index_cast %parallel_loop3A_798 : i32 to index
        %parallel_loop3A_910 = arith.constant 136 : index
        %parallel_loop3A_911 = tpu.vector_load %arg14[%parallel_loop3A_909, %parallel_loop3A_910] {strides = array<i32>} : memref<256x152xf32, #tpu.memory_space<vmem>>, vector<16xf32>,
        tpu.vector_store %arg14[%parallel_loop3A_909, %parallel_loop3A_910], %parallel_loop3A_908 {strides = array<i32>} : memref<256x152xf32, #tpu.memory_space<vmem>>, vector<16xf32>,
      } {sc.loop_unroll_factor = 2 : i64, sc.parallel_access}
      %parallel_loop3A_549 = arith.constant 0 : i32
      %parallel_loop3A_550 = arith.constant 8 : i32
      %parallel_loop3A_551 = arith.constant 1 : i32
      scf.for %parallel_loop3A_669 = %parallel_loop3A_549 to %parallel_loop3A_550 step %parallel_loop3A_551  : i32 {
        %parallel_loop3A_670 = arith.constant 16 : i32
        %parallel_loop3A_671 = arith.muli %parallel_loop3A_669, %parallel_loop3A_670 : i32
        %parallel_loop3A_672 = vector.broadcast %parallel_loop3A_671 : i32 to vector<16xi32>
        %parallel_loop3A_673 = arith.addi %parallel_loop3A_672, %iota3A : vector<16xi32>
        %parallel_loop3A_674 = arith.constant 4 : i32
        %parallel_loop3A_675 = vector.broadcast %parallel_loop3A_674 : i32 to vector<16xi32>
        %parallel_loop3A_676 = arith.muli %parallel_loop3A_673, %parallel_loop3A_675 : vector<16xi32>
        %parallel_loop3A_677 = vector.broadcast %mul3A_544 : i32 to vector<16xi32>
        %parallel_loop3A_678 = arith.addi %parallel_loop3A_677, %parallel_loop3A_676 : vector<16xi32>
        %parallel_loop3A_679 = arith.constant 1 : i32
        %parallel_loop3A_680 = vector.broadcast %parallel_loop3A_679 : i32 to vector<16xi32>
        %parallel_loop3A_681 = arith.addi %parallel_loop3A_678, %parallel_loop3A_680 : vector<16xi32>
        %parallel_loop3A_682 = tpu.vector_load_idx %arg13[%parallel_loop3A_681] : memref<1024xf32, #tpu.memory_space<vmem>>[vector<16xi32>], vector<16xf32>,
        %parallel_loop3A_683 = arith.constant 2 : i32
        %parallel_loop3A_684 = vector.broadcast %parallel_loop3A_683 : i32 to vector<16xi32>
        %parallel_loop3A_685 = arith.addi %parallel_loop3A_678, %parallel_loop3A_684 : vector<16xi32>
        %parallel_loop3A_686 = tpu.vector_load_idx %arg13[%parallel_loop3A_685] : memref<1024xf32, #tpu.memory_space<vmem>>[vector<16xi32>], vector<16xf32>,
        %parallel_loop3A_687 = arith.constant 3 : i32
        %parallel_loop3A_688 = vector.broadcast %parallel_loop3A_687 : i32 to vector<16xi32>
        %parallel_loop3A_689 = arith.addi %parallel_loop3A_678, %parallel_loop3A_688 : vector<16xi32>
        %parallel_loop3A_690 = tpu.vector_load_idx %arg13[%parallel_loop3A_689] : memref<1024xf32, #tpu.memory_space<vmem>>[vector<16xi32>], vector<16xf32>,
        %parallel_loop3A_691 = arith.constant 2.880000e+02 : f32
        %parallel_loop3A_692 = vector.broadcast %parallel_loop3A_691 : f32 to vector<16xf32>
        %parallel_loop3A_693 = arith.mulf %parallel_loop3A_682, %parallel_loop3A_692 : vector<16xf32>
        %parallel_loop3A_694 = arith.fptosi %parallel_loop3A_693 : vector<16xf32> to vector<16xi32>
        %parallel_loop3A_695 = arith.constant 0 : i32
        %parallel_loop3A_696 = arith.constant 287 : i32
        %parallel_loop3A_697 = vector.broadcast %parallel_loop3A_695 : i32 to vector<16xi32>
        %parallel_loop3A_698 = arith.maxsi %parallel_loop3A_697, %parallel_loop3A_694 : vector<16xi32>
        %parallel_loop3A_699 = vector.broadcast %parallel_loop3A_696 : i32 to vector<16xi32>
        %parallel_loop3A_700 = arith.minsi %parallel_loop3A_699, %parallel_loop3A_698 : vector<16xi32>
        %parallel_loop3A_701 = arith.constant 24 : i32
        %parallel_loop3A_702 = vector.broadcast %parallel_loop3A_701 : i32 to vector<16xi32>
        %parallel_loop3A_703 = arith.muli %parallel_loop3A_700, %parallel_loop3A_702 : vector<16xi32>
        %parallel_loop3A_704 = arith.fptosi %parallel_loop3A_686 : vector<16xf32> to vector<16xi32>
        %parallel_loop3A_705 = arith.constant 0 : i32
        %parallel_loop3A_706 = arith.constant 1 : i32
        %parallel_loop3A_707 = vector.broadcast %parallel_loop3A_705 : i32 to vector<16xi32>
        %parallel_loop3A_708 = arith.maxsi %parallel_loop3A_707, %parallel_loop3A_704 : vector<16xi32>
        %parallel_loop3A_709 = vector.broadcast %parallel_loop3A_706 : i32 to vector<16xi32>
        %parallel_loop3A_710 = arith.minsi %parallel_loop3A_709, %parallel_loop3A_708 : vector<16xi32>
        %parallel_loop3A_711 = arith.constant 2 : i32
        %parallel_loop3A_712 = vector.broadcast %parallel_loop3A_711 : i32 to vector<16xi32>
        %parallel_loop3A_713 = arith.muli %parallel_loop3A_710, %parallel_loop3A_712 : vector<16xi32>
        %parallel_loop3A_714 = arith.fptosi %parallel_loop3A_690 : vector<16xf32> to vector<16xi32>
        %parallel_loop3A_715 = arith.constant 0 : i32
        %parallel_loop3A_716 = arith.constant 1 : i32
        %parallel_loop3A_717 = vector.broadcast %parallel_loop3A_715 : i32 to vector<16xi32>
        %parallel_loop3A_718 = arith.maxsi %parallel_loop3A_717, %parallel_loop3A_714 : vector<16xi32>
        %parallel_loop3A_719 = vector.broadcast %parallel_loop3A_716 : i32 to vector<16xi32>
        %parallel_loop3A_720 = arith.minsi %parallel_loop3A_719, %parallel_loop3A_718 : vector<16xi32>
        %parallel_loop3A_721 = arith.addi %parallel_loop3A_713, %parallel_loop3A_720 : vector<16xi32>
        %parallel_loop3A_722 = arith.constant 8 : i32
        %parallel_loop3A_723 = vector.broadcast %parallel_loop3A_722 : i32 to vector<16xi32>
        %parallel_loop3A_724 = arith.muli %parallel_loop3A_721, %parallel_loop3A_723 : vector<16xi32>
        %parallel_loop3A_725 = vector.broadcast %mul3A_546 : i32 to vector<16xi32>
        %parallel_loop3A_726 = arith.addi %parallel_loop3A_725, %parallel_loop3A_673 : vector<16xi32>
        %parallel_loop3A_727 = arith.constant 0 : i32
        %parallel_loop3A_728 = vector.broadcast %parallel_loop3A_727 : i32 to vector<16xi32>
        %parallel_loop3A_729 = arith.addi %parallel_loop3A_703, %parallel_loop3A_728 : vector<16xi32>
        %parallel_loop3A_730 = tpu.vector_load_idx %arg11[%parallel_loop3A_729] : memref<6912xf32, #tpu.memory_space<vmem>>[vector<16xi32>], vector<16xf32>,
        %parallel_loop3A_731 = arith.constant 80 : i32
        %parallel_loop3A_732 = vector.broadcast %parallel_loop3A_731 : i32 to vector<16xi32>
        tpu.vector_store_idx %arg14[%parallel_loop3A_726, %parallel_loop3A_732], %parallel_loop3A_730 : memref<256x152xf32, #tpu.memory_space<vmem>>[vector<16xi32>, vector<16xi32>], vector<16xf32>,
        %parallel_loop3A_733 = arith.constant 1 : i32
        %parallel_loop3A_734 = vector.broadcast %parallel_loop3A_733 : i32 to vector<16xi32>
        %parallel_loop3A_735 = arith.addi %parallel_loop3A_703, %parallel_loop3A_734 : vector<16xi32>
        %parallel_loop3A_736 = tpu.vector_load_idx %arg11[%parallel_loop3A_735] : memref<6912xf32, #tpu.memory_space<vmem>>[vector<16xi32>], vector<16xf32>,
        %parallel_loop3A_737 = arith.constant 81 : i32
        %parallel_loop3A_738 = vector.broadcast %parallel_loop3A_737 : i32 to vector<16xi32>
        tpu.vector_store_idx %arg14[%parallel_loop3A_726, %parallel_loop3A_738], %parallel_loop3A_736 : memref<256x152xf32, #tpu.memory_space<vmem>>[vector<16xi32>, vector<16xi32>], vector<16xf32>,
        %parallel_loop3A_739 = arith.constant 2 : i32
        %parallel_loop3A_740 = vector.broadcast %parallel_loop3A_739 : i32 to vector<16xi32>
        %parallel_loop3A_741 = arith.addi %parallel_loop3A_703, %parallel_loop3A_740 : vector<16xi32>
        %parallel_loop3A_742 = tpu.vector_load_idx %arg11[%parallel_loop3A_741] : memref<6912xf32, #tpu.memory_space<vmem>>[vector<16xi32>], vector<16xf32>,
        %parallel_loop3A_743 = arith.constant 82 : i32
        %parallel_loop3A_744 = vector.broadcast %parallel_loop3A_743 : i32 to vector<16xi32>
        tpu.vector_store_idx %arg14[%parallel_loop3A_726, %parallel_loop3A_744], %parallel_loop3A_742 : memref<256x152xf32, #tpu.memory_space<vmem>>[vector<16xi32>, vector<16xi32>], vector<16xf32>,
        %parallel_loop3A_745 = arith.constant 3 : i32
        %parallel_loop3A_746 = vector.broadcast %parallel_loop3A_745 : i32 to vector<16xi32>
        %parallel_loop3A_747 = arith.addi %parallel_loop3A_703, %parallel_loop3A_746 : vector<16xi32>
        %parallel_loop3A_748 = tpu.vector_load_idx %arg11[%parallel_loop3A_747] : memref<6912xf32, #tpu.memory_space<vmem>>[vector<16xi32>], vector<16xf32>,
        %parallel_loop3A_749 = arith.constant 83 : i32
        %parallel_loop3A_750 = vector.broadcast %parallel_loop3A_749 : i32 to vector<16xi32>
        tpu.vector_store_idx %arg14[%parallel_loop3A_726, %parallel_loop3A_750], %parallel_loop3A_748 : memref<256x152xf32, #tpu.memory_space<vmem>>[vector<16xi32>, vector<16xi32>], vector<16xf32>,
        %parallel_loop3A_751 = arith.constant 4 : i32
        %parallel_loop3A_752 = vector.broadcast %parallel_loop3A_751 : i32 to vector<16xi32>
        %parallel_loop3A_753 = arith.addi %parallel_loop3A_703, %parallel_loop3A_752 : vector<16xi32>
        %parallel_loop3A_754 = tpu.vector_load_idx %arg11[%parallel_loop3A_753] : memref<6912xf32, #tpu.memory_space<vmem>>[vector<16xi32>], vector<16xf32>,
        %parallel_loop3A_755 = arith.constant 84 : i32
        %parallel_loop3A_756 = vector.broadcast %parallel_loop3A_755 : i32 to vector<16xi32>
        tpu.vector_store_idx %arg14[%parallel_loop3A_726, %parallel_loop3A_756], %parallel_loop3A_754 : memref<256x152xf32, #tpu.memory_space<vmem>>[vector<16xi32>, vector<16xi32>], vector<16xf32>,
        %parallel_loop3A_757 = arith.constant 5 : i32
        %parallel_loop3A_758 = vector.broadcast %parallel_loop3A_757 : i32 to vector<16xi32>
        %parallel_loop3A_759 = arith.addi %parallel_loop3A_703, %parallel_loop3A_758 : vector<16xi32>
        %parallel_loop3A_760 = tpu.vector_load_idx %arg11[%parallel_loop3A_759] : memref<6912xf32, #tpu.memory_space<vmem>>[vector<16xi32>], vector<16xf32>,
        %parallel_loop3A_761 = arith.constant 85 : i32
        %parallel_loop3A_762 = vector.broadcast %parallel_loop3A_761 : i32 to vector<16xi32>
        tpu.vector_store_idx %arg14[%parallel_loop3A_726, %parallel_loop3A_762], %parallel_loop3A_760 : memref<256x152xf32, #tpu.memory_space<vmem>>[vector<16xi32>, vector<16xi32>], vector<16xf32>,
        %parallel_loop3A_763 = arith.constant 6 : i32
        %parallel_loop3A_764 = vector.broadcast %parallel_loop3A_763 : i32 to vector<16xi32>
        %parallel_loop3A_765 = arith.addi %parallel_loop3A_703, %parallel_loop3A_764 : vector<16xi32>
        %parallel_loop3A_766 = tpu.vector_load_idx %arg11[%parallel_loop3A_765] : memref<6912xf32, #tpu.memory_space<vmem>>[vector<16xi32>], vector<16xf32>,
        %parallel_loop3A_767 = arith.constant 86 : i32
        %parallel_loop3A_768 = vector.broadcast %parallel_loop3A_767 : i32 to vector<16xi32>
        tpu.vector_store_idx %arg14[%parallel_loop3A_726, %parallel_loop3A_768], %parallel_loop3A_766 : memref<256x152xf32, #tpu.memory_space<vmem>>[vector<16xi32>, vector<16xi32>], vector<16xf32>,
        %parallel_loop3A_769 = arith.constant 7 : i32
        %parallel_loop3A_770 = vector.broadcast %parallel_loop3A_769 : i32 to vector<16xi32>
        %parallel_loop3A_771 = arith.addi %parallel_loop3A_703, %parallel_loop3A_770 : vector<16xi32>
        %parallel_loop3A_772 = tpu.vector_load_idx %arg11[%parallel_loop3A_771] : memref<6912xf32, #tpu.memory_space<vmem>>[vector<16xi32>], vector<16xf32>,
        %parallel_loop3A_773 = arith.constant 87 : i32
        %parallel_loop3A_774 = vector.broadcast %parallel_loop3A_773 : i32 to vector<16xi32>
        tpu.vector_store_idx %arg14[%parallel_loop3A_726, %parallel_loop3A_774], %parallel_loop3A_772 : memref<256x152xf32, #tpu.memory_space<vmem>>[vector<16xi32>, vector<16xi32>], vector<16xf32>,
        %parallel_loop3A_775 = arith.constant 8 : i32
        %parallel_loop3A_776 = vector.broadcast %parallel_loop3A_775 : i32 to vector<16xi32>
        %parallel_loop3A_777 = arith.addi %parallel_loop3A_703, %parallel_loop3A_776 : vector<16xi32>
        %parallel_loop3A_778 = tpu.vector_load_idx %arg11[%parallel_loop3A_777] : memref<6912xf32, #tpu.memory_space<vmem>>[vector<16xi32>], vector<16xf32>,
        %parallel_loop3A_779 = arith.constant 88 : i32
        %parallel_loop3A_780 = vector.broadcast %parallel_loop3A_779 : i32 to vector<16xi32>
        tpu.vector_store_idx %arg14[%parallel_loop3A_726, %parallel_loop3A_780], %parallel_loop3A_778 : memref<256x152xf32, #tpu.memory_space<vmem>>[vector<16xi32>, vector<16xi32>], vector<16xf32>,
        %parallel_loop3A_781 = arith.constant 9 : i32
        %parallel_loop3A_782 = vector.broadcast %parallel_loop3A_781 : i32 to vector<16xi32>
        %parallel_loop3A_783 = arith.addi %parallel_loop3A_703, %parallel_loop3A_782 : vector<16xi32>
        %parallel_loop3A_784 = tpu.vector_load_idx %arg11[%parallel_loop3A_783] : memref<6912xf32, #tpu.memory_space<vmem>>[vector<16xi32>], vector<16xf32>,
        %parallel_loop3A_785 = arith.constant 89 : i32
        %parallel_loop3A_786 = vector.broadcast %parallel_loop3A_785 : i32 to vector<16xi32>
        tpu.vector_store_idx %arg14[%parallel_loop3A_726, %parallel_loop3A_786], %parallel_loop3A_784 : memref<256x152xf32, #tpu.memory_space<vmem>>[vector<16xi32>, vector<16xi32>], vector<16xf32>,
        %parallel_loop3A_787 = arith.constant 10 : i32
        %parallel_loop3A_788 = vector.broadcast %parallel_loop3A_787 : i32 to vector<16xi32>
        %parallel_loop3A_789 = arith.addi %parallel_loop3A_703, %parallel_loop3A_788 : vector<16xi32>
        %parallel_loop3A_790 = tpu.vector_load_idx %arg11[%parallel_loop3A_789] : memref<6912xf32, #tpu.memory_space<vmem>>[vector<16xi32>], vector<16xf32>,
        %parallel_loop3A_791 = arith.constant 90 : i32
        %parallel_loop3A_792 = vector.broadcast %parallel_loop3A_791 : i32 to vector<16xi32>
        tpu.vector_store_idx %arg14[%parallel_loop3A_726, %parallel_loop3A_792], %parallel_loop3A_790 : memref<256x152xf32, #tpu.memory_space<vmem>>[vector<16xi32>, vector<16xi32>], vector<16xf32>,
        %parallel_loop3A_793 = arith.constant 11 : i32
        %parallel_loop3A_794 = vector.broadcast %parallel_loop3A_793 : i32 to vector<16xi32>
        %parallel_loop3A_795 = arith.addi %parallel_loop3A_703, %parallel_loop3A_794 : vector<16xi32>
        %parallel_loop3A_796 = tpu.vector_load_idx %arg11[%parallel_loop3A_795] : memref<6912xf32, #tpu.memory_space<vmem>>[vector<16xi32>], vector<16xf32>,
        %parallel_loop3A_797 = arith.constant 91 : i32
        %parallel_loop3A_798 = vector.broadcast %parallel_loop3A_797 : i32 to vector<16xi32>
        tpu.vector_store_idx %arg14[%parallel_loop3A_726, %parallel_loop3A_798], %parallel_loop3A_796 : memref<256x152xf32, #tpu.memory_space<vmem>>[vector<16xi32>, vector<16xi32>], vector<16xf32>,
        %parallel_loop3A_799 = arith.constant 12 : i32
        %parallel_loop3A_800 = vector.broadcast %parallel_loop3A_799 : i32 to vector<16xi32>
        %parallel_loop3A_801 = arith.addi %parallel_loop3A_703, %parallel_loop3A_800 : vector<16xi32>
        %parallel_loop3A_802 = tpu.vector_load_idx %arg11[%parallel_loop3A_801] : memref<6912xf32, #tpu.memory_space<vmem>>[vector<16xi32>], vector<16xf32>,
        %parallel_loop3A_803 = arith.constant 92 : i32
        %parallel_loop3A_804 = vector.broadcast %parallel_loop3A_803 : i32 to vector<16xi32>
        tpu.vector_store_idx %arg14[%parallel_loop3A_726, %parallel_loop3A_804], %parallel_loop3A_802 : memref<256x152xf32, #tpu.memory_space<vmem>>[vector<16xi32>, vector<16xi32>], vector<16xf32>,
        %parallel_loop3A_805 = arith.constant 13 : i32
        %parallel_loop3A_806 = vector.broadcast %parallel_loop3A_805 : i32 to vector<16xi32>
        %parallel_loop3A_807 = arith.addi %parallel_loop3A_703, %parallel_loop3A_806 : vector<16xi32>
        %parallel_loop3A_808 = tpu.vector_load_idx %arg11[%parallel_loop3A_807] : memref<6912xf32, #tpu.memory_space<vmem>>[vector<16xi32>], vector<16xf32>,
        %parallel_loop3A_809 = arith.constant 93 : i32
        %parallel_loop3A_810 = vector.broadcast %parallel_loop3A_809 : i32 to vector<16xi32>
        tpu.vector_store_idx %arg14[%parallel_loop3A_726, %parallel_loop3A_810], %parallel_loop3A_808 : memref<256x152xf32, #tpu.memory_space<vmem>>[vector<16xi32>, vector<16xi32>], vector<16xf32>,
        %parallel_loop3A_811 = arith.constant 14 : i32
        %parallel_loop3A_812 = vector.broadcast %parallel_loop3A_811 : i32 to vector<16xi32>
        %parallel_loop3A_813 = arith.addi %parallel_loop3A_703, %parallel_loop3A_812 : vector<16xi32>
        %parallel_loop3A_814 = tpu.vector_load_idx %arg11[%parallel_loop3A_813] : memref<6912xf32, #tpu.memory_space<vmem>>[vector<16xi32>], vector<16xf32>,
        %parallel_loop3A_815 = arith.constant 94 : i32
        %parallel_loop3A_816 = vector.broadcast %parallel_loop3A_815 : i32 to vector<16xi32>
        tpu.vector_store_idx %arg14[%parallel_loop3A_726, %parallel_loop3A_816], %parallel_loop3A_814 : memref<256x152xf32, #tpu.memory_space<vmem>>[vector<16xi32>, vector<16xi32>], vector<16xf32>,
        %parallel_loop3A_817 = arith.constant 15 : i32
        %parallel_loop3A_818 = vector.broadcast %parallel_loop3A_817 : i32 to vector<16xi32>
        %parallel_loop3A_819 = arith.addi %parallel_loop3A_703, %parallel_loop3A_818 : vector<16xi32>
        %parallel_loop3A_820 = tpu.vector_load_idx %arg11[%parallel_loop3A_819] : memref<6912xf32, #tpu.memory_space<vmem>>[vector<16xi32>], vector<16xf32>,
        %parallel_loop3A_821 = arith.constant 95 : i32
        %parallel_loop3A_822 = vector.broadcast %parallel_loop3A_821 : i32 to vector<16xi32>
        tpu.vector_store_idx %arg14[%parallel_loop3A_726, %parallel_loop3A_822], %parallel_loop3A_820 : memref<256x152xf32, #tpu.memory_space<vmem>>[vector<16xi32>, vector<16xi32>], vector<16xf32>,
        %parallel_loop3A_823 = arith.constant 16 : i32
        %parallel_loop3A_824 = vector.broadcast %parallel_loop3A_823 : i32 to vector<16xi32>
        %parallel_loop3A_825 = arith.addi %parallel_loop3A_703, %parallel_loop3A_824 : vector<16xi32>
        %parallel_loop3A_826 = tpu.vector_load_idx %arg11[%parallel_loop3A_825] : memref<6912xf32, #tpu.memory_space<vmem>>[vector<16xi32>], vector<16xf32>,
        %parallel_loop3A_827 = arith.constant 96 : i32
        %parallel_loop3A_828 = vector.broadcast %parallel_loop3A_827 : i32 to vector<16xi32>
        tpu.vector_store_idx %arg14[%parallel_loop3A_726, %parallel_loop3A_828], %parallel_loop3A_826 : memref<256x152xf32, #tpu.memory_space<vmem>>[vector<16xi32>, vector<16xi32>], vector<16xf32>,
        %parallel_loop3A_829 = arith.constant 17 : i32
        %parallel_loop3A_830 = vector.broadcast %parallel_loop3A_829 : i32 to vector<16xi32>
        %parallel_loop3A_831 = arith.addi %parallel_loop3A_703, %parallel_loop3A_830 : vector<16xi32>
        %parallel_loop3A_832 = tpu.vector_load_idx %arg11[%parallel_loop3A_831] : memref<6912xf32, #tpu.memory_space<vmem>>[vector<16xi32>], vector<16xf32>,
        %parallel_loop3A_833 = arith.constant 97 : i32
        %parallel_loop3A_834 = vector.broadcast %parallel_loop3A_833 : i32 to vector<16xi32>
        tpu.vector_store_idx %arg14[%parallel_loop3A_726, %parallel_loop3A_834], %parallel_loop3A_832 : memref<256x152xf32, #tpu.memory_space<vmem>>[vector<16xi32>, vector<16xi32>], vector<16xf32>,
        %parallel_loop3A_835 = arith.constant 18 : i32
        %parallel_loop3A_836 = vector.broadcast %parallel_loop3A_835 : i32 to vector<16xi32>
        %parallel_loop3A_837 = arith.addi %parallel_loop3A_703, %parallel_loop3A_836 : vector<16xi32>
        %parallel_loop3A_838 = tpu.vector_load_idx %arg11[%parallel_loop3A_837] : memref<6912xf32, #tpu.memory_space<vmem>>[vector<16xi32>], vector<16xf32>,
        %parallel_loop3A_839 = arith.constant 98 : i32
        %parallel_loop3A_840 = vector.broadcast %parallel_loop3A_839 : i32 to vector<16xi32>
        tpu.vector_store_idx %arg14[%parallel_loop3A_726, %parallel_loop3A_840], %parallel_loop3A_838 : memref<256x152xf32, #tpu.memory_space<vmem>>[vector<16xi32>, vector<16xi32>], vector<16xf32>,
        %parallel_loop3A_841 = arith.constant 19 : i32
        %parallel_loop3A_842 = vector.broadcast %parallel_loop3A_841 : i32 to vector<16xi32>
        %parallel_loop3A_843 = arith.addi %parallel_loop3A_703, %parallel_loop3A_842 : vector<16xi32>
        %parallel_loop3A_844 = tpu.vector_load_idx %arg11[%parallel_loop3A_843] : memref<6912xf32, #tpu.memory_space<vmem>>[vector<16xi32>], vector<16xf32>,
        %parallel_loop3A_845 = arith.constant 99 : i32
        %parallel_loop3A_846 = vector.broadcast %parallel_loop3A_845 : i32 to vector<16xi32>
        tpu.vector_store_idx %arg14[%parallel_loop3A_726, %parallel_loop3A_846], %parallel_loop3A_844 : memref<256x152xf32, #tpu.memory_space<vmem>>[vector<16xi32>, vector<16xi32>], vector<16xf32>,
        %parallel_loop3A_847 = arith.constant 20 : i32
        %parallel_loop3A_848 = vector.broadcast %parallel_loop3A_847 : i32 to vector<16xi32>
        %parallel_loop3A_849 = arith.addi %parallel_loop3A_703, %parallel_loop3A_848 : vector<16xi32>
        %parallel_loop3A_850 = tpu.vector_load_idx %arg11[%parallel_loop3A_849] : memref<6912xf32, #tpu.memory_space<vmem>>[vector<16xi32>], vector<16xf32>,
        %parallel_loop3A_851 = arith.constant 100 : i32
        %parallel_loop3A_852 = vector.broadcast %parallel_loop3A_851 : i32 to vector<16xi32>
        tpu.vector_store_idx %arg14[%parallel_loop3A_726, %parallel_loop3A_852], %parallel_loop3A_850 : memref<256x152xf32, #tpu.memory_space<vmem>>[vector<16xi32>, vector<16xi32>], vector<16xf32>,
        %parallel_loop3A_853 = arith.constant 21 : i32
        %parallel_loop3A_854 = vector.broadcast %parallel_loop3A_853 : i32 to vector<16xi32>
        %parallel_loop3A_855 = arith.addi %parallel_loop3A_703, %parallel_loop3A_854 : vector<16xi32>
        %parallel_loop3A_856 = tpu.vector_load_idx %arg11[%parallel_loop3A_855] : memref<6912xf32, #tpu.memory_space<vmem>>[vector<16xi32>], vector<16xf32>,
        %parallel_loop3A_857 = arith.constant 101 : i32
        %parallel_loop3A_858 = vector.broadcast %parallel_loop3A_857 : i32 to vector<16xi32>
        tpu.vector_store_idx %arg14[%parallel_loop3A_726, %parallel_loop3A_858], %parallel_loop3A_856 : memref<256x152xf32, #tpu.memory_space<vmem>>[vector<16xi32>, vector<16xi32>], vector<16xf32>,
        %parallel_loop3A_859 = arith.constant 22 : i32
        %parallel_loop3A_860 = vector.broadcast %parallel_loop3A_859 : i32 to vector<16xi32>
        %parallel_loop3A_861 = arith.addi %parallel_loop3A_703, %parallel_loop3A_860 : vector<16xi32>
        %parallel_loop3A_862 = tpu.vector_load_idx %arg11[%parallel_loop3A_861] : memref<6912xf32, #tpu.memory_space<vmem>>[vector<16xi32>], vector<16xf32>,
        %parallel_loop3A_863 = arith.constant 102 : i32
        %parallel_loop3A_864 = vector.broadcast %parallel_loop3A_863 : i32 to vector<16xi32>
        tpu.vector_store_idx %arg14[%parallel_loop3A_726, %parallel_loop3A_864], %parallel_loop3A_862 : memref<256x152xf32, #tpu.memory_space<vmem>>[vector<16xi32>, vector<16xi32>], vector<16xf32>,
        %parallel_loop3A_865 = arith.constant 23 : i32
        %parallel_loop3A_866 = vector.broadcast %parallel_loop3A_865 : i32 to vector<16xi32>
        %parallel_loop3A_867 = arith.addi %parallel_loop3A_703, %parallel_loop3A_866 : vector<16xi32>
        %parallel_loop3A_868 = tpu.vector_load_idx %arg11[%parallel_loop3A_867] : memref<6912xf32, #tpu.memory_space<vmem>>[vector<16xi32>], vector<16xf32>,
        %parallel_loop3A_869 = arith.constant 103 : i32
        %parallel_loop3A_870 = vector.broadcast %parallel_loop3A_869 : i32 to vector<16xi32>
        tpu.vector_store_idx %arg14[%parallel_loop3A_726, %parallel_loop3A_870], %parallel_loop3A_868 : memref<256x152xf32, #tpu.memory_space<vmem>>[vector<16xi32>, vector<16xi32>], vector<16xf32>,
        %parallel_loop3A_871 = arith.constant 0 : i32
        %parallel_loop3A_872 = vector.broadcast %parallel_loop3A_871 : i32 to vector<16xi32>
        %parallel_loop3A_873 = arith.addi %parallel_loop3A_724, %parallel_loop3A_872 : vector<16xi32>
        %parallel_loop3A_874 = tpu.vector_load_idx %arg12[%parallel_loop3A_873] : memref<32xf32, #tpu.memory_space<vmem>>[vector<16xi32>], vector<16xf32>,
        %parallel_loop3A_875 = arith.constant 104 : i32
        %parallel_loop3A_876 = vector.broadcast %parallel_loop3A_875 : i32 to vector<16xi32>
        tpu.vector_store_idx %arg14[%parallel_loop3A_726, %parallel_loop3A_876], %parallel_loop3A_874 : memref<256x152xf32, #tpu.memory_space<vmem>>[vector<16xi32>, vector<16xi32>], vector<16xf32>,
        %parallel_loop3A_877 = arith.constant 1 : i32
        %parallel_loop3A_878 = vector.broadcast %parallel_loop3A_877 : i32 to vector<16xi32>
        %parallel_loop3A_879 = arith.addi %parallel_loop3A_724, %parallel_loop3A_878 : vector<16xi32>
        %parallel_loop3A_880 = tpu.vector_load_idx %arg12[%parallel_loop3A_879] : memref<32xf32, #tpu.memory_space<vmem>>[vector<16xi32>], vector<16xf32>,
        %parallel_loop3A_881 = arith.constant 105 : i32
        %parallel_loop3A_882 = vector.broadcast %parallel_loop3A_881 : i32 to vector<16xi32>
        tpu.vector_store_idx %arg14[%parallel_loop3A_726, %parallel_loop3A_882], %parallel_loop3A_880 : memref<256x152xf32, #tpu.memory_space<vmem>>[vector<16xi32>, vector<16xi32>], vector<16xf32>,
        %parallel_loop3A_883 = arith.constant 2 : i32
        %parallel_loop3A_884 = vector.broadcast %parallel_loop3A_883 : i32 to vector<16xi32>
        %parallel_loop3A_885 = arith.addi %parallel_loop3A_724, %parallel_loop3A_884 : vector<16xi32>
        %parallel_loop3A_886 = tpu.vector_load_idx %arg12[%parallel_loop3A_885] : memref<32xf32, #tpu.memory_space<vmem>>[vector<16xi32>], vector<16xf32>,
        %parallel_loop3A_887 = arith.constant 106 : i32
        %parallel_loop3A_888 = vector.broadcast %parallel_loop3A_887 : i32 to vector<16xi32>
        tpu.vector_store_idx %arg14[%parallel_loop3A_726, %parallel_loop3A_888], %parallel_loop3A_886 : memref<256x152xf32, #tpu.memory_space<vmem>>[vector<16xi32>, vector<16xi32>], vector<16xf32>,
        %parallel_loop3A_889 = arith.constant 3 : i32
        %parallel_loop3A_890 = vector.broadcast %parallel_loop3A_889 : i32 to vector<16xi32>
        %parallel_loop3A_891 = arith.addi %parallel_loop3A_724, %parallel_loop3A_890 : vector<16xi32>
        %parallel_loop3A_892 = tpu.vector_load_idx %arg12[%parallel_loop3A_891] : memref<32xf32, #tpu.memory_space<vmem>>[vector<16xi32>], vector<16xf32>,
        %parallel_loop3A_893 = arith.constant 107 : i32
        %parallel_loop3A_894 = vector.broadcast %parallel_loop3A_893 : i32 to vector<16xi32>
        tpu.vector_store_idx %arg14[%parallel_loop3A_726, %parallel_loop3A_894], %parallel_loop3A_892 : memref<256x152xf32, #tpu.memory_space<vmem>>[vector<16xi32>, vector<16xi32>], vector<16xf32>,
        %parallel_loop3A_895 = arith.constant 4 : i32
        %parallel_loop3A_896 = vector.broadcast %parallel_loop3A_895 : i32 to vector<16xi32>
        %parallel_loop3A_897 = arith.addi %parallel_loop3A_724, %parallel_loop3A_896 : vector<16xi32>
        %parallel_loop3A_898 = tpu.vector_load_idx %arg12[%parallel_loop3A_897] : memref<32xf32, #tpu.memory_space<vmem>>[vector<16xi32>], vector<16xf32>,
        %parallel_loop3A_899 = arith.constant 108 : i32
        %parallel_loop3A_900 = vector.broadcast %parallel_loop3A_899 : i32 to vector<16xi32>
        tpu.vector_store_idx %arg14[%parallel_loop3A_726, %parallel_loop3A_900], %parallel_loop3A_898 : memref<256x152xf32, #tpu.memory_space<vmem>>[vector<16xi32>, vector<16xi32>], vector<16xf32>,
        %parallel_loop3A_901 = arith.constant 5 : i32
        %parallel_loop3A_902 = vector.broadcast %parallel_loop3A_901 : i32 to vector<16xi32>
        %parallel_loop3A_903 = arith.addi %parallel_loop3A_724, %parallel_loop3A_902 : vector<16xi32>
        %parallel_loop3A_904 = tpu.vector_load_idx %arg12[%parallel_loop3A_903] : memref<32xf32, #tpu.memory_space<vmem>>[vector<16xi32>], vector<16xf32>,
        %parallel_loop3A_905 = arith.constant 109 : i32
        %parallel_loop3A_906 = vector.broadcast %parallel_loop3A_905 : i32 to vector<16xi32>
        tpu.vector_store_idx %arg14[%parallel_loop3A_726, %parallel_loop3A_906], %parallel_loop3A_904 : memref<256x152xf32, #tpu.memory_space<vmem>>[vector<16xi32>, vector<16xi32>], vector<16xf32>,
        %parallel_loop3A_907 = arith.constant 6 : i32
        %parallel_loop3A_908 = vector.broadcast %parallel_loop3A_907 : i32 to vector<16xi32>
        %parallel_loop3A_909 = arith.addi %parallel_loop3A_724, %parallel_loop3A_908 : vector<16xi32>
        %parallel_loop3A_910 = tpu.vector_load_idx %arg12[%parallel_loop3A_909] : memref<32xf32, #tpu.memory_space<vmem>>[vector<16xi32>], vector<16xf32>,
        %parallel_loop3A_911 = arith.constant 110 : i32
        %parallel_loop3A_912 = vector.broadcast %parallel_loop3A_911 : i32 to vector<16xi32>
        tpu.vector_store_idx %arg14[%parallel_loop3A_726, %parallel_loop3A_912], %parallel_loop3A_910 : memref<256x152xf32, #tpu.memory_space<vmem>>[vector<16xi32>, vector<16xi32>], vector<16xf32>,
        %parallel_loop3A_913 = arith.constant 7 : i32
        %parallel_loop3A_914 = vector.broadcast %parallel_loop3A_913 : i32 to vector<16xi32>
        %parallel_loop3A_915 = arith.addi %parallel_loop3A_724, %parallel_loop3A_914 : vector<16xi32>
        %parallel_loop3A_916 = tpu.vector_load_idx %arg12[%parallel_loop3A_915] : memref<32xf32, #tpu.memory_space<vmem>>[vector<16xi32>], vector<16xf32>,
        %parallel_loop3A_917 = arith.constant 111 : i32
        %parallel_loop3A_918 = vector.broadcast %parallel_loop3A_917 : i32 to vector<16xi32>
        tpu.vector_store_idx %arg14[%parallel_loop3A_726, %parallel_loop3A_918], %parallel_loop3A_916 : memref<256x152xf32, #tpu.memory_space<vmem>>[vector<16xi32>, vector<16xi32>], vector<16xf32>,
      } {sc.loop_unroll_factor = 1 : i64, sc.parallel_access}
      %jit3A_552 = arith.constant 16 : i32
      %div3A_553 = arith.divsi %scan3A_300, %jit3A_552 : i32
      %sign3A_554 = arith.constant 0 : i32
      %sign3A_555 = arith.cmpi sgt, %scan3A_300, %sign3A_554 : i32
      %sign3A_556 = arith.extui %sign3A_555 : i1 to i32
      %sign3A_557 = arith.constant 0 : i32
      %sign3A_558 = arith.cmpi slt, %scan3A_300, %sign3A_557 : i32
      %sign3A_559 = arith.extui %sign3A_558 : i1 to i32
      %sign3A_560 = arith.subi %sign3A_556, %sign3A_559 : i32
      %sign3A_561 = arith.constant 0 : i32
      %sign3A_562 = arith.cmpi sgt, %jit3A_552, %sign3A_561 : i32
      %sign3A_563 = arith.extui %sign3A_562 : i1 to i32
      %sign3A_564 = arith.constant 0 : i32
      %sign3A_565 = arith.cmpi slt, %jit3A_552, %sign3A_564 : i32
      %sign3A_566 = arith.extui %sign3A_565 : i1 to i32
      %sign3A_567 = arith.subi %sign3A_563, %sign3A_566 : i32
      %ne3A_568 = arith.cmpi ne, %sign3A_560, %sign3A_567 : i32
      %rem3A_569 = arith.remsi %scan3A_300, %jit3A_552 : i32
      %ne3A_570 = arith.constant 0 : i32
      %ne3A_571 = arith.cmpi ne, %rem3A_569, %ne3A_570 : i32
      %and3A_572 = arith.andi %ne3A_568, %ne3A_571 : i1
      %sub3A_573 = arith.constant 1 : i32
      %sub3A_574 = arith.subi %div3A_553, %sub3A_573 : i32
      %select_n3A_575 = arith.select %and3A_572, %sub3A_574, %div3A_553 : i32
      %jit3A_576 = arith.constant 16 : i32
      %eq3A_577 = arith.constant 0 : i32
      %eq3A_578 = arith.cmpi eq, %jit3A_576, %eq3A_577 : i32
      %jit3A_579 = arith.constant 1 : i32
      %select_n3A_580 = arith.select %eq3A_578, %jit3A_579, %jit3A_576 : i32
      %rem3A_581 = arith.remsi %scan3A_300, %select_n3A_580 : i32
      %ne3A_582 = arith.constant 0 : i32
      %ne3A_583 = arith.cmpi ne, %rem3A_581, %ne3A_582 : i32
      %lt3A_584 = arith.constant 0 : i32
      %lt3A_585 = arith.cmpi slt, %rem3A_581, %lt3A_584 : i32
      %lt3A_586 = arith.constant 0 : i32
      %lt3A_587 = arith.cmpi slt, %select_n3A_580, %lt3A_586 : i32
      %ne3A_588 = arith.xori %lt3A_585, %lt3A_587 : i1
      %and3A_589 = arith.andi %ne3A_588, %ne3A_583 : i1
      %add3A_590 = arith.addi %rem3A_581, %select_n3A_580 : i32
      %select_n3A_591 = arith.select %and3A_589, %add3A_590, %rem3A_581 : i32
      %mul3A_592 = arith.constant 6 : i32
      %mul3A_593 = arith.muli %add3A, %mul3A_592 : i32
      %add3A_594 = arith.addi %mul3A_593, %select_n3A_575 : i32
      %jit3A_595 = arith.constant 16 : i32
      %div3A_596 = arith.divsi %add3A_594, %jit3A_595 : i32
      %sign3A_597 = arith.constant 0 : i32
      %sign3A_598 = arith.cmpi sgt, %add3A_594, %sign3A_597 : i32
      %sign3A_599 = arith.extui %sign3A_598 : i1 to i32
      %sign3A_600 = arith.constant 0 : i32
      %sign3A_601 = arith.cmpi slt, %add3A_594, %sign3A_600 : i32
      %sign3A_602 = arith.extui %sign3A_601 : i1 to i32
      %sign3A_603 = arith.subi %sign3A_599, %sign3A_602 : i32
      %sign3A_604 = arith.constant 0 : i32
      %sign3A_605 = arith.cmpi sgt, %jit3A_595, %sign3A_604 : i32
      %sign3A_606 = arith.extui %sign3A_605 : i1 to i32
      %sign3A_607 = arith.constant 0 : i32
      %sign3A_608 = arith.cmpi slt, %jit3A_595, %sign3A_607 : i32
      %sign3A_609 = arith.extui %sign3A_608 : i1 to i32
      %sign3A_610 = arith.subi %sign3A_606, %sign3A_609 : i32
      %ne3A_611 = arith.cmpi ne, %sign3A_603, %sign3A_610 : i32
      %rem3A_612 = arith.remsi %add3A_594, %jit3A_595 : i32
      %ne3A_613 = arith.constant 0 : i32
      %ne3A_614 = arith.cmpi ne, %rem3A_612, %ne3A_613 : i32
      %and3A_615 = arith.andi %ne3A_611, %ne3A_614 : i1
      %sub3A_616 = arith.constant 1 : i32
      %sub3A_617 = arith.subi %div3A_596, %sub3A_616 : i32
      %select_n3A_618 = arith.select %and3A_615, %sub3A_617, %div3A_596 : i32
      %jit3A_619 = arith.constant 16 : i32
      %eq3A_620 = arith.constant 0 : i32
      %eq3A_621 = arith.cmpi eq, %jit3A_619, %eq3A_620 : i32
      %jit3A_622 = arith.constant 1 : i32
      %select_n3A_623 = arith.select %eq3A_621, %jit3A_622, %jit3A_619 : i32
      %rem3A_624 = arith.remsi %add3A_594, %select_n3A_623 : i32
      %ne3A_625 = arith.constant 0 : i32
      %ne3A_626 = arith.cmpi ne, %rem3A_624, %ne3A_625 : i32
      %lt3A_627 = arith.constant 0 : i32
      %lt3A_628 = arith.cmpi slt, %rem3A_624, %lt3A_627 : i32
      %lt3A_629 = arith.constant 0 : i32
      %lt3A_630 = arith.cmpi slt, %select_n3A_623, %lt3A_629 : i32
      %ne3A_631 = arith.xori %lt3A_628, %lt3A_630 : i1
      %and3A_632 = arith.andi %ne3A_631, %ne3A_626 : i1
      %add3A_633 = arith.addi %rem3A_624, %select_n3A_623 : i32
      %select_n3A_634 = arith.select %and3A_632, %add3A_633, %rem3A_624 : i32
      %mul3A_635 = arith.constant 128 : i32
      %mul3A_636 = arith.muli %select_n3A_634, %mul3A_635 : i32
      %multiple_of3A_637 = tpu.assume_multiple %mul3A_636, 128 : i32
      %jit3A_638 = arith.constant 2 : i32
      %eq3A_639 = arith.constant 0 : i32
      %eq3A_640 = arith.cmpi eq, %jit3A_638, %eq3A_639 : i32
      %jit3A_641 = arith.constant 1 : i32
      %select_n3A_642 = arith.select %eq3A_640, %jit3A_641, %jit3A_638 : i32
      %rem3A_643 = arith.remsi %scan3A_300, %select_n3A_642 : i32
      %ne3A_644 = arith.constant 0 : i32
      %ne3A_645 = arith.cmpi ne, %rem3A_643, %ne3A_644 : i32
      %lt3A_646 = arith.constant 0 : i32
      %lt3A_647 = arith.cmpi slt, %rem3A_643, %lt3A_646 : i32
      %lt3A_648 = arith.constant 0 : i32
      %lt3A_649 = arith.cmpi slt, %select_n3A_642, %lt3A_648 : i32
      %ne3A_650 = arith.xori %lt3A_647, %lt3A_649 : i1
      %and3A_651 = arith.andi %ne3A_650, %ne3A_645 : i1
      %add3A_652 = arith.addi %rem3A_643, %select_n3A_642 : i32
      %select_n3A_653 = arith.select %and3A_651, %add3A_652, %rem3A_643 : i32
      %mul3A_654 = arith.constant 128 : i32
      %mul3A_655 = arith.muli %select_n3A_653, %mul3A_654 : i32
      %multiple_of3A_656 = tpu.assume_multiple %mul3A_655, 128 : i32
      %dma_start3A_657 = arith.constant 0 : i32
      %dma_start3A_658 = tpu.memref_slice %arg14[%multiple_of3A_656, %dma_start3A_657] : memref<256x152xf32, #tpu.memory_space<vmem>> -> memref<128x152xf32, #tpu.memory_space<vmem>>
      %dma_start3A_659 = arith.constant 0 : i32
      %dma_start3A_660 = tpu.memref_slice %arg8[%select_n3A_591, %select_n3A_618, %multiple_of3A_637, %dma_start3A_659] : memref<16x12x2048x152xf32, #tpu.memory_space<hbm>> -> memref<1x1x128x152xf32, #tpu.memory_space<hbm>>
      %dma_start3A_661 = tpu.memref_squeeze %dma_start3A_660 : memref<1x1x128x152xf32, #tpu.memory_space<hbm>> -> memref<128x152xf32, #tpu.memory_space<hbm>>
      %dma_start3A_662 = tpu.memref_slice %arg17[%select_n3A_653] : memref<2x!tpu.dma_semaphore, #tpu.memory_space<semaphore_mem>> -> memref<1x!tpu.dma_semaphore, #tpu.memory_space<semaphore_mem>>
      %dma_start3A_663 = tpu.memref_squeeze %dma_start3A_662 : memref<1x!tpu.dma_semaphore, #tpu.memory_space<semaphore_mem>> -> memref<!tpu.dma_semaphore, #tpu.memory_space<semaphore_mem>>
      %dma_start3A_664 = arith.constant 0 : i32
      %dma_start3A_665 = tpu.memref_slice %arg8[%select_n3A_591, %select_n3A_618, %multiple_of3A_637, %dma_start3A_664] : memref<16x12x2048x152xf32, #tpu.memory_space<hbm>> -> memref<1x1x128x152xf32, #tpu.memory_space<hbm>>
      %dma_start3A_666 = tpu.memref_squeeze %dma_start3A_665 : memref<1x1x128x152xf32, #tpu.memory_space<hbm>> -> memref<128x152xf32, #tpu.memory_space<hbm>>
      %dma_start3A_667 = arith.constant 0 : i32
      %dma_start3A_668 = tpu.memref_slice %arg14[%multiple_of3A_656, %dma_start3A_667] : memref<256x152xf32, #tpu.memory_space<vmem>> -> memref<128x152xf32, #tpu.memory_space<vmem>>
      tpu.enqueue_dma source(%dma_start3A_668 : memref<128x152xf32, #tpu.memory_space<vmem>>) target(%dma_start3A_666 : memref<128x152xf32, #tpu.memory_space<hbm>>) target_semaphore(%dma_start3A_663 : memref<!tpu.dma_semaphore, #tpu.memory_space<semaphore_mem>>)
    }
    %scan3A_174 = arith.constant 96 : i32
    %mul3A_175 = arith.constant 6 : i32
    %mul3A_176 = arith.muli %add3A, %mul3A_175 : i32
    %add3A_177 = arith.constant 5 : i32
    %add3A_178 = arith.addi %mul3A_176, %add3A_177 : i32
    %jit3A_179 = arith.constant 16 : i32
    %div3A_180 = arith.divsi %add3A_178, %jit3A_179 : i32
    %sign3A_181 = arith.constant 0 : i32
    %sign3A_182 = arith.cmpi sgt, %add3A_178, %sign3A_181 : i32
    %sign3A_183 = arith.extui %sign3A_182 : i1 to i32
    %sign3A_184 = arith.constant 0 : i32
    %sign3A_185 = arith.cmpi slt, %add3A_178, %sign3A_184 : i32
    %sign3A_186 = arith.extui %sign3A_185 : i1 to i32
    %sign3A_187 = arith.subi %sign3A_183, %sign3A_186 : i32
    %sign3A_188 = arith.constant 0 : i32
    %sign3A_189 = arith.cmpi sgt, %jit3A_179, %sign3A_188 : i32
    %sign3A_190 = arith.extui %sign3A_189 : i1 to i32
    %sign3A_191 = arith.constant 0 : i32
    %sign3A_192 = arith.cmpi slt, %jit3A_179, %sign3A_191 : i32
    %sign3A_193 = arith.extui %sign3A_192 : i1 to i32
    %sign3A_194 = arith.subi %sign3A_190, %sign3A_193 : i32
    %ne3A_195 = arith.cmpi ne, %sign3A_187, %sign3A_194 : i32
    %rem3A_196 = arith.remsi %add3A_178, %jit3A_179 : i32
    %ne3A_197 = arith.constant 0 : i32
    %ne3A_198 = arith.cmpi ne, %rem3A_196, %ne3A_197 : i32
    %and3A_199 = arith.andi %ne3A_195, %ne3A_198 : i1
    %sub3A_200 = arith.constant 1 : i32
    %sub3A_201 = arith.subi %div3A_180, %sub3A_200 : i32
    %select_n3A_202 = arith.select %and3A_199, %sub3A_201, %div3A_180 : i32
    %jit3A_203 = arith.constant 16 : i32
    %eq3A_204 = arith.constant 0 : i32
    %eq3A_205 = arith.cmpi eq, %jit3A_203, %eq3A_204 : i32
    %jit3A_206 = arith.constant 1 : i32
    %select_n3A_207 = arith.select %eq3A_205, %jit3A_206, %jit3A_203 : i32
    %rem3A_208 = arith.remsi %add3A_178, %select_n3A_207 : i32
    %ne3A_209 = arith.constant 0 : i32
    %ne3A_210 = arith.cmpi ne, %rem3A_208, %ne3A_209 : i32
    %lt3A_211 = arith.constant 0 : i32
    %lt3A_212 = arith.cmpi slt, %rem3A_208, %lt3A_211 : i32
    %lt3A_213 = arith.constant 0 : i32
    %lt3A_214 = arith.cmpi slt, %select_n3A_207, %lt3A_213 : i32
    %ne3A_215 = arith.xori %lt3A_212, %lt3A_214 : i1
    %and3A_216 = arith.andi %ne3A_215, %ne3A_210 : i1
    %add3A_217 = arith.addi %rem3A_208, %select_n3A_207 : i32
    %select_n3A_218 = arith.select %and3A_216, %add3A_217, %rem3A_208 : i32
    %mul3A_219 = arith.constant 128 : i32
    %mul3A_220 = arith.muli %select_n3A_218, %mul3A_219 : i32
    %multiple_of3A_221 = tpu.assume_multiple %mul3A_220, 128 : i32
    %multiple_of3A_222 = arith.constant 0 : i32
    %multiple_of3A_223 = tpu.assume_multiple %multiple_of3A_222, 128 : i32
    %dma_wait3A = arith.constant 14 : i32
    %dma_wait3A_224 = arith.constant 0 : i32
    %dma_wait3A_225 = arith.constant 0 : i32
    %dma_wait3A_226 = tpu.memref_slice %arg14[%multiple_of3A_223, %dma_wait3A_225] : memref<256x152xf32, #tpu.memory_space<vmem>> -> memref<128x152xf32, #tpu.memory_space<vmem>>
    %dma_wait3A_227 = arith.constant 0 : i32
    %dma_wait3A_228 = tpu.memref_slice %arg8[%dma_wait3A, %select_n3A_202, %multiple_of3A_221, %dma_wait3A_227] : memref<16x12x2048x152xf32, #tpu.memory_space<hbm>> -> memref<1x1x128x152xf32, #tpu.memory_space<hbm>>
    %dma_wait3A_229 = tpu.memref_squeeze %dma_wait3A_228 : memref<1x1x128x152xf32, #tpu.memory_space<hbm>> -> memref<128x152xf32, #tpu.memory_space<hbm>>
    %dma_wait3A_230 = tpu.memref_slice %arg17[%dma_wait3A_224] : memref<2x!tpu.dma_semaphore, #tpu.memory_space<semaphore_mem>> -> memref<1x!tpu.dma_semaphore, #tpu.memory_space<semaphore_mem>>
    %dma_wait3A_231 = tpu.memref_squeeze %dma_wait3A_230 : memref<1x!tpu.dma_semaphore, #tpu.memory_space<semaphore_mem>> -> memref<!tpu.dma_semaphore, #tpu.memory_space<semaphore_mem>>
    %dma_wait3A_232 = arith.constant 0 : i32
    %dma_wait3A_233 = tpu.memref_slice %arg8[%dma_wait3A, %select_n3A_202, %multiple_of3A_221, %dma_wait3A_232] : memref<16x12x2048x152xf32, #tpu.memory_space<hbm>> -> memref<1x1x128x152xf32, #tpu.memory_space<hbm>>
    %dma_wait3A_234 = tpu.memref_squeeze %dma_wait3A_233 : memref<1x1x128x152xf32, #tpu.memory_space<hbm>> -> memref<128x152xf32, #tpu.memory_space<hbm>>
    %dma_wait3A_235 = arith.constant 0 : i32
    %dma_wait3A_236 = tpu.memref_slice %arg14[%multiple_of3A_223, %dma_wait3A_235] : memref<256x152xf32, #tpu.memory_space<vmem>> -> memref<128x152xf32, #tpu.memory_space<vmem>>
    tpu.wait_dma2 semaphore(%dma_wait3A_231 : memref<!tpu.dma_semaphore, #tpu.memory_space<semaphore_mem>>) src(%dma_wait3A_236 : memref<128x152xf32, #tpu.memory_space<vmem>>) dst(%dma_wait3A_234 : memref<128x152xf32, #tpu.memory_space<hbm>>)
    %mul3A_237 = arith.constant 6 : i32
    %mul3A_238 = arith.muli %add3A, %mul3A_237 : i32
    %add3A_239 = arith.constant 5 : i32
    %add3A_240 = arith.addi %mul3A_238, %add3A_239 : i32
    %jit3A_241 = arith.constant 16 : i32
    %div3A_242 = arith.divsi %add3A_240, %jit3A_241 : i32
    %sign3A_243 = arith.constant 0 : i32
    %sign3A_244 = arith.cmpi sgt, %add3A_240, %sign3A_243 : i32
    %sign3A_245 = arith.extui %sign3A_244 : i1 to i32
    %sign3A_246 = arith.constant 0 : i32
    %sign3A_247 = arith.cmpi slt, %add3A_240, %sign3A_246 : i32
    %sign3A_248 = arith.extui %sign3A_247 : i1 to i32
    %sign3A_249 = arith.subi %sign3A_245, %sign3A_248 : i32
    %sign3A_250 = arith.constant 0 : i32
    %sign3A_251 = arith.cmpi sgt, %jit3A_241, %sign3A_250 : i32
    %sign3A_252 = arith.extui %sign3A_251 : i1 to i32
    %sign3A_253 = arith.constant 0 : i32
    %sign3A_254 = arith.cmpi slt, %jit3A_241, %sign3A_253 : i32
    %sign3A_255 = arith.extui %sign3A_254 : i1 to i32
    %sign3A_256 = arith.subi %sign3A_252, %sign3A_255 : i32
    %ne3A_257 = arith.cmpi ne, %sign3A_249, %sign3A_256 : i32
    %rem3A_258 = arith.remsi %add3A_240, %jit3A_241 : i32
    %ne3A_259 = arith.constant 0 : i32
    %ne3A_260 = arith.cmpi ne, %rem3A_258, %ne3A_259 : i32
    %and3A_261 = arith.andi %ne3A_257, %ne3A_260 : i1
    %sub3A_262 = arith.constant 1 : i32
    %sub3A_263 = arith.subi %div3A_242, %sub3A_262 : i32
    %select_n3A_264 = arith.select %and3A_261, %sub3A_263, %div3A_242 : i32
    %jit3A_265 = arith.constant 16 : i32
    %eq3A_266 = arith.constant 0 : i32
    %eq3A_267 = arith.cmpi eq, %jit3A_265, %eq3A_266 : i32
    %jit3A_268 = arith.constant 1 : i32
    %select_n3A_269 = arith.select %eq3A_267, %jit3A_268, %jit3A_265 : i32
    %rem3A_270 = arith.remsi %add3A_240, %select_n3A_269 : i32
    %ne3A_271 = arith.constant 0 : i32
    %ne3A_272 = arith.cmpi ne, %rem3A_270, %ne3A_271 : i32
    %lt3A_273 = arith.constant 0 : i32
    %lt3A_274 = arith.cmpi slt, %rem3A_270, %lt3A_273 : i32
    %lt3A_275 = arith.constant 0 : i32
    %lt3A_276 = arith.cmpi slt, %select_n3A_269, %lt3A_275 : i32
    %ne3A_277 = arith.xori %lt3A_274, %lt3A_276 : i1
    %and3A_278 = arith.andi %ne3A_277, %ne3A_272 : i1
    %add3A_279 = arith.addi %rem3A_270, %select_n3A_269 : i32
    %select_n3A_280 = arith.select %and3A_278, %add3A_279, %rem3A_270 : i32
    %mul3A_281 = arith.constant 128 : i32
    %mul3A_282 = arith.muli %select_n3A_280, %mul3A_281 : i32
    %multiple_of3A_283 = tpu.assume_multiple %mul3A_282, 128 : i32
    %multiple_of3A_284 = arith.constant 128 : i32
    %multiple_of3A_285 = tpu.assume_multiple %multiple_of3A_284, 128 : i32
    %dma_wait3A_286 = arith.constant 15 : i32
    %dma_wait3A_287 = arith.constant 1 : i32
    %dma_wait3A_288 = arith.constant 0 : i32
    %dma_wait3A_289 = tpu.memref_slice %arg14[%multiple_of3A_285, %dma_wait3A_288] : memref<256x152xf32, #tpu.memory_space<vmem>> -> memref<128x152xf32, #tpu.memory_space<vmem>>
    %dma_wait3A_290 = arith.constant 0 : i32
    %dma_wait3A_291 = tpu.memref_slice %arg8[%dma_wait3A_286, %select_n3A_264, %multiple_of3A_283, %dma_wait3A_290] : memref<16x12x2048x152xf32, #tpu.memory_space<hbm>> -> memref<1x1x128x152xf32, #tpu.memory_space<hbm>>
    %dma_wait3A_292 = tpu.memref_squeeze %dma_wait3A_291 : memref<1x1x128x152xf32, #tpu.memory_space<hbm>> -> memref<128x152xf32, #tpu.memory_space<hbm>>
    %dma_wait3A_293 = tpu.memref_slice %arg17[%dma_wait3A_287] : memref<2x!tpu.dma_semaphore, #tpu.memory_space<semaphore_mem>> -> memref<1x!tpu.dma_semaphore, #tpu.memory_space<semaphore_mem>>
    %dma_wait3A_294 = tpu.memref_squeeze %dma_wait3A_293 : memref<1x!tpu.dma_semaphore, #tpu.memory_space<semaphore_mem>> -> memref<!tpu.dma_semaphore, #tpu.memory_space<semaphore_mem>>
    %dma_wait3A_295 = arith.constant 0 : i32
    %dma_wait3A_296 = tpu.memref_slice %arg8[%dma_wait3A_286, %select_n3A_264, %multiple_of3A_283, %dma_wait3A_295] : memref<16x12x2048x152xf32, #tpu.memory_space<hbm>> -> memref<1x1x128x152xf32, #tpu.memory_space<hbm>>
    %dma_wait3A_297 = tpu.memref_squeeze %dma_wait3A_296 : memref<1x1x128x152xf32, #tpu.memory_space<hbm>> -> memref<128x152xf32, #tpu.memory_space<hbm>>
    %dma_wait3A_298 = arith.constant 0 : i32
    %dma_wait3A_299 = tpu.memref_slice %arg14[%multiple_of3A_285, %dma_wait3A_298] : memref<256x152xf32, #tpu.memory_space<vmem>> -> memref<128x152xf32, #tpu.memory_space<vmem>>
    tpu.wait_dma2 semaphore(%dma_wait3A_294 : memref<!tpu.dma_semaphore, #tpu.memory_space<semaphore_mem>>) src(%dma_wait3A_299 : memref<128x152xf32, #tpu.memory_space<vmem>>) dst(%dma_wait3A_297 : memref<128x152xf32, #tpu.memory_space<hbm>>)
    return
  }
}

</mosaic_0001>

<sc_bundles>
// kernel: kernel.3.cloned.1.call-start
scs
__scs_entry_jumppad:
0x0: {  	(pc) =	sbr.rel $0x88, $3  }
0x1: {  	(tag) =	ssettag $0x0;
	lr =	simm.s32 $0x1  }
0x2: {  	[smem:$0x3F9A] =	sst lr;
	_ =	strace $0xD0000000  }
0x3: {  	_ = 	snop  }
0x4: {  	_ = 	snop  }
0x5: {  	_ = 	snop  }
0x6: {  	_ = 	snop  }
0x7: {  	_ = 	snop  }
__scs_overlays_trampoline_lowered:
0x8: {  	[smem:$0x3FA9] =	sst s0  }
0x9: {  	[smem:$0x3FAA] =	sst s1  }
0xa: {  	[smem:$0x3FAB] =	sst s2  }
0xb: {  	[smem:$0x3FAC] =	sst s3  }
0xc: {  	[smem:$0x3FAD] =	sst s4  }
0xd: {  	[smem:$0x3FAE] =	sst s5  }
0xe: {  	[smem:$0x3FAF] =	sst s6  }
0xf: {  	[smem:$0x3FB0] =	sst s7  }
0x10: {  	[smem:$0x3FB1] =	sst s8  }
0x11: {  	[smem:$0x3FB2] =	sst s9;
	s0 =	simm.s32 @!p0 $0x0  }
0x12: {  	s1 =	sld [smem:$0x3F98];
	s0 =	simm.s32 @p0 $0x1  }
0x13: {  	[smem:$0x3FB3] =	sst s0;
	s0 =	simm.s32 @!p1 $0x0  }
0x14: {  	s2 =	sld [smem:$0x3F97];
	s0 =	simm.s32 @p1 $0x1  }
0x15: {  	[smem:$0x3FB4] =	sst s0;
	s0 =	simm.s32 @!p2 $0x0  }
0x16: {  	s3 =	sld [smem:$0x3FDB];
	s0 =	simm.s32 @p2 $0x1  }
0x17: {  	s4 =	simm.s32 $0x1BF5;
	[smem:$0x3FB6] =	sst s0  }
0x18: {  	s0 =	sld [smem:$0x3F99];
	_ =	swait.ge [sflag:s4], $0x0  }
0x19: {  	s7 =	sld [smem:$0x3F9A]  }
0x1a: {  	s8 =	sadd.s32 $0xFFFFE003, lr  }
0x1b: {  	s9 =	sadd.s32 $0xFFFFFEF7, lr;
	s5 =	simm.s32 $0xFFFFFFFF;
	p2 =	slt.u32 s8, $0xFFFFF086  }
0x1c: {  	p1 =	slt.u32 s9, $0xF7A;
	s5 =	simm.s32 @!p2 $0x0  }
0x1d: {  	s5 =	simm.s32 @p1 $0x1;
	p0 =	seq.s32 s7, s2  }
0x1e: {  	s7 =	smul.u32 @!p0 $0xF7A, s2;
	p2 =	seq.s32 @!p0 s5, $0x0  }
0x1f: {  	s9 =	smul.u32 $0xF7A, s1;
	s8 =	simm.s32 @!p0 $0x1BF5;
	p2 =	por !p2, p0  }
0x20: {  	[sflag:s8] =	ssyncset.s32 @!p0 $0xFFFFF086;
	s6 =	sadd.s32 @!p0 s3, s7;
	s7 =	simm.s32 @!p0 $0x108  }
0x21: {  	s3 =	sadd.s32 s3, s9;
	s6 =	sadd.s32 @!p0 $0x88, s6;
	s7 =	simm.s32 @p2 $0x1082  }
0x22: {  	[simem:s7], [sflag:s8] =	dma.local @!p0 [hbm:s6], $0xF7A  }
0x23: {  	s9 =	sor.u32 $0xD0000000, s2;
	s6 =	simm.s32 $0x108;
	_ =	swait.ge @!p0 [sflag:s8], $0x0  }
0x24: {  	s3 =	sadd.s32 $0x88, s3;
	s6 =	simm.s32 @!p1 $0x1082;
	[sflag:s4] =	ssyncset.s32 $0xFFFFF086  }
0x25: {  	[simem:s6], [sflag:s4] =	dma.local [hbm:s3], $0xF7A  }
0x26: {  	[smem:$0x3F9A] =	sst s1;
	(tag) =	ssettag s2;
	_ =	strace s9  }
0x27: {  	s1 =	sld [smem:$0x3FAA]  }
0x28: {  	s2 =	sld [smem:$0x3FAB]  }
0x29: {  	s4 =	sld [smem:$0x3FAD]  }
0x2a: {  	p0 =	seq.s32 s5, $0x0;
	s5 =	sld [smem:$0x3FAE]  }
0x2b: {  	s6 =	sld [smem:$0x3FAF]  }
0x2c: {  	s7 =	sld [smem:$0x3FB0]  }
0x2d: {  	s3 =	simm.s32 $0x108;
	s8 =	sld [smem:$0x3FB1]  }
0x2e: {  	s3 =	simm.s32 @!p0 $0x1082;
	s9 =	sld [smem:$0x3FB2]  }
0x2f: {  	lr =	sadd.s32 s0, s3;
	s0 =	sld [smem:$0x3FA9]  }
0x30: {  	s3 =	sld [smem:$0x3FAC]  }
0x31: {  	[smem:$0x3FB5] =	sst s10  }
0x32: {  	s10 =	sld [smem:$0x3FB3];
	_ =	sdelay $0x3  }
0x33: {  	p0 =	seq.s32 s10, $0x1;
	s10 =	sld [smem:$0x3FB5];
	_ =	sdelay $0x3  }
0x34: {  	[smem:$0x3FB5] =	sst s10  }
0x35: {  	s10 =	sld [smem:$0x3FB4];
	_ =	sdelay $0x3  }
0x36: {  	p1 =	seq.s32 s10, $0x1;
	s10 =	sld [smem:$0x3FB5];
	_ =	sdelay $0x3  }
0x37: {  	[smem:$0x3FB5] =	sst s10  }
0x38: {  	s10 =	sld [smem:$0x3FB6]  }
0x39: {  	_ = 	snop;
	(pc) =	sbr.ind lr, $3  }
0x3a: {  	_ = 	snop  }
0x3b: {  	_ = 	snop  }
0x3c: {  	p2 =	seq.s32 s10, $0x1;
	s10 =	sld [smem:$0x3FB5]  }
0x3d: {  	_ =	shalt  }
0x3e: {  	_ =	shalt  }
0x3f: {  	_ =	shalt  }
0x40: {  	_ =	shalt  }
0x41: {  	_ =	shalt  }
0x42: {  	_ =	shalt  }
0x43: {  	_ =	shalt  }
0x44: {  	_ =	shalt  }
0x45: {  	_ =	shalt  }
0x46: {  	_ =	shalt  }
0x47: {  	_ =	shalt  }
0x48: {  	_ =	shalt  }
0x49: {  	_ =	shalt  }
0x4a: {  	_ =	shalt  }
0x4b: {  	_ =	shalt  }
0x4c: {  	_ =	shalt  }
0x4d: {  	_ =	shalt  }
0x4e: {  	_ =	shalt  }
0x4f: {  	_ =	shalt  }
0x50: {  	_ =	shalt  }
0x51: {  	_ =	shalt  }
0x52: {  	_ =	shalt  }
0x53: {  	_ =	shalt  }
0x54: {  	_ =	shalt  }
0x55: {  	_ =	shalt  }
0x56: {  	_ =	shalt  }
0x57: {  	_ =	shalt  }
0x58: {  	_ =	shalt  }
0x59: {  	_ =	shalt  }
0x5a: {  	_ =	shalt  }
0x5b: {  	_ =	shalt  }
0x5c: {  	_ =	shalt  }
0x5d: {  	_ =	shalt  }
0x5e: {  	_ =	shalt  }
0x5f: {  	_ =	shalt  }
0x60: {  	_ =	shalt  }
0x61: {  	_ =	shalt  }
0x62: {  	_ =	shalt  }
0x63: {  	_ =	shalt  }
0x64: {  	_ =	shalt  }
0x65: {  	_ =	shalt  }
0x66: {  	_ =	shalt  }
0x67: {  	_ =	shalt  }
0x68: {  	_ =	shalt  }
0x69: {  	_ =	shalt  }
0x6a: {  	_ =	shalt  }
0x6b: {  	_ =	shalt  }
0x6c: {  	_ =	shalt  }
0x6d: {  	_ =	shalt  }
0x6e: {  	_ =	shalt  }
0x6f: {  	_ =	shalt  }
0x70: {  	_ =	shalt  }
0x71: {  	_ =	shalt  }
0x72: {  	_ =	shalt  }
0x73: {  	_ =	shalt  }
0x74: {  	_ =	shalt  }
0x75: {  	_ =	shalt  }
0x76: {  	_ =	shalt  }
0x77: {  	_ =	shalt  }
0x78: {  	_ =	shalt  }
0x79: {  	_ =	shalt  }
0x7a: {  	_ =	shalt  }
0x7b: {  	_ =	shalt  }
0x7c: {  	_ =	shalt  }
0x7d: {  	_ =	shalt  }
0x7e: {  	_ =	shalt  }
0x7f: {  	_ =	shalt  }
0x80: {  	_ =	shalt  }
0x81: {  	_ =	shalt  }
0x82: {  	_ =	shalt  }
0x83: {  	_ =	shalt  }
0x84: {  	_ =	shalt  }
0x85: {  	_ =	shalt  }
0x86: {  	_ =	shalt  }
0x87: {  	_ =	shalt  }
.Lfunc_end0:
.L_simem_size_0:
called_computation_lowered:
.L_overlay_start_0:
0x88: {  	s2 =	sld [smem:$0x3FD9]  }
0x89: {  	s3 =	sld [smem:$0x3FFE];
	_ =	sdelay $0x1  }
0x8a: {  	s1 =	srdreg.scid  }
0x8b: {  	s0 =	sand.u32 $0x1, s1  }
0x8c: {  	s17 =	sshll.u32 s0, $0xA;
	s2 =	sadd.s32 s3, s2  }
0x8d: {  	s2 =	sadd.s32 s2, s17  }
0x8e: {  	[smem:$0x3FC1] =	sst s2  }
0x8f: {  	_ = 	snop  }
0x90: {  	s2 =	sld [smem:$0x3FC8]  }
0x91: {  	s18 =	sld [smem:$0x3FC7];
	(tm) =	ssettm $0x1  }
0x92: {  	s4 =	sld [smem:$0x3FFB];
	_ =	sdelay $0x3  }
0x93: {  	_ =	strace s4  }
0x94: {  	s4 =	sld [smem:$0x3FFC];
	_ =	sdelay $0x3  }
0x95: {  	_ =	strace s4  }
0x96: {  	s4 =	sld [smem:$0x3FFD];
	_ =	sdelay $0x3  }
0x97: {  	_ =	strace s4  }
0x98: {  	_ =	strace $0x8FFFFFFF  }
0x99: {  	s19 =	sld [smem:$0x3FDB];
	_ =	sdelay $0x1  }
0x9a: {  	s5 =	simm.s32 $_scs_section_size  }
0x9b: {  	s6 =	simm.s32 $_size__tile_overlayer_lowered;
	s7 =	simm.s32 $_tile_overlayer_lowered  }
0x9c: {  	s22 =	simm.s32 $0x1BFF;
	s21 =	sshll.u32 s7, $0x1;
	s4 =	sadd.s32 s5, s19  }
0x9d: {  	s8 =	simm.s32 $0x0;
	s20 =	sshll.u32 s6, $0x1;
	s6 =	sadd.s32 s21, s4  }
0x9e: {  	[timem:s8], [sflag:s22] =	dma.local [hbm:s6], s20  }
0x9f: {  	_ =	swait.ge [sflag:s22], s20  }
0xa0: {  	s5 =	ssub.s32 $0x0, s20;
	[sflag:s22] =	ssyncset.done $0x0  }
0xa1: {  	[sflag:s22] =	ssyncadd.s32 s5;
	_ =	sdelay $0x1  }
0xa2: {  	s23 =	simm.s32 $0x1B8B  }
0xa3: {  	_ =	swait.ge [sflag:s23], $0x1  }
0xa4: {  	[sflag:s23] =	ssyncset.done $0x0  }
0xa5: {  	s25 =	simm.s32 $0x1B8E;
	s24 =	sld [smem:$0x3FFE];
	[sflag:s23] =	ssyncadd.s32 $0xFFFFFFFF  }
0xa6: {  	s26 =	simm.s32 $execute0_lowered;
	[smem:$0x3FD2] =	sst s25  }
0xa7: {  	s6 =	sshll.u32 s26, $0x1;
	_ =	strace $0x80000046;
	[dreg:$0x1] =	wrdreg $0xFFFFFFFF  }
0xa8: {  	s28 =	simm.s32 $_size_execute0_lowered;
	s4 =	sadd.s32 s4, s6;
	[dreg:$0x0] =	wrdreg $0x0  }
0xa9: {  	s6 =	sshll.u32 s28, $0x1;
	[dreg:$0x2] =	wrdreg s4  }
0xaa: {  	[dreg:$0x3] =	wrdreg s6  }
0xab: {  	[dreg:$0x4] =	wrdreg $0xC0  }
0xac: {  	_ =	task [dreg:s8], $0x5FFFF  }
0xad: {  	[dreg:$0x1] =	wrdreg $0xFFFFFFFF  }
0xae: {  	[dreg:$0x0] =	wrdreg $0x60  }
0xaf: {  	[dreg:$0x2] =	wrdreg s24  }
0xb0: {  	[dreg:$0x3] =	wrdreg s2  }
0xb1: {  	[dreg:$0x4] =	wrdreg s18  }
0xb2: {  	[dreg:$0x5] =	wrdreg $0x9  }
0xb3: {  	_ =	task.clear_ibuf [dreg:s8], $0x6FFFF;
	_ =	strace $0x90000046  }
0xb4: {  	s29 =	simm.s32 $0x9;
	_ =	strace $0x80000048  }
0xb5: {  	_ =	swait.ge [sflag:s29], $0x1  }
0xb6: {  	[sflag:s29] =	ssyncadd.s32 $0xFFFFFFFF  }
0xb7: {  	_ =	strace $0x90000048  }
0xb8: {  	_ =	sfence  }
0xb9: {  	s30 =	sld [smem:$0x0];
	_ =	sdelay $0x2  }
0xba: {  	s31 =	sshll.u32 s1, $0xD;
	s1 =	sshrl.u32 s1, $0x2  }
0xbb: {  	s3 =	sand.u32 $0x4000, s31;
	s1 =	sadd.s32 s1, s30  }
0xbc: {  	s0 =	sor.u32 s3, s0;
	s1 =	sshll.u32 s1, $0x11  }
0xbd: {  	s0 =	sor.u32 s1, s0  }
0xbe: {  	s0 =	sadd.s32 $0x8F2B, s0  }
0xbf: {  	[sflag:s0] =	ssyncadd.remote.s32 $0x1  }
0xc0: {  	_ =	sfence.sel $0xFFFF  }
0xc1: {  	[dreg:$0x0] =	wrdreg $0xFFFFFFFF;
	(pc) =	sbr.abs _section_cstart, $3  }
0xc2: {  	[dreg:$0x1] =	wrdreg $0xFFFFFFFF  }
0xc3: {  	_ =	task.clear_ibuf [dreg:s8], $0x2FFFF;
	_ =	strace $0x9FFFFFFF  }
0xc4: {  	(tm) =	ssettm $0x7FFFFFFF  }
0xc5: {  	_ =	shalt  }
tec
execute0_lowered:
.L_overlay_start_1:
0x0: {  	(tag) =	ssettag $0x1  }
0x1: {  	s0 =	rddreg [dreg:$0x0]  }
0x2: {  	s4 =	simm.s32 $0x0;
	s1 =	srdreg.scid;
	s2 =	stileid.u32;
	v0 =	vlaneseq.u32  }
0x3: {  	s16 =	simm.s32 $0x280;
	s17 =	simm.s32 $0x1D80;
	[smem:$0x7FF] =	sst s4;
	v0 =	vand.u32 $0x7, v0  }
0x4: {  	s1 =	sand.u32 $0x1, s1;
	s2 =	sshll.u32 s2, $0x1;
	s5 =	sadd.s32 $0x61200, s0;
	v41 =	vmul.u32 $0x80, v0  }
0x5: {  	s3 =	sadd.s32 $0xE00, s0;
	s25 =	sadd.s32 $0xC00, s0;
	s2 =	sor.u32 s1, s2  }
0x6: {  	s9 =	sadd.s32 $0x1200, s0;
	_ =	strace $0x80000047;
	s7 =	smul.u32 $0x6, s2;
	v0 =	vor.u32 $0x50, v41;
	[tilespmem:$0x1FFE0] =	vst v41  }
0x7: {  	[dreg:$0x4] =	wrdreg s3;
	s1 =	ssub.s32 $0x2, s1;
	s2 =	smul.u32 $0x300, s2;
	v56 =	vor.u32 $0x51, v41;
	[tilespmem:$0x1FF60] =	vst v0  }
0x8: {  	s10 =	sadd.s32 $0xA1200, s0;
	[dreg:$0x5] =	wrdreg s25;
	s26 =	sshrl.u32 s1, $0x1;
	v57 =	vor.u32 $0x53, v41;
	[tilespmem:$0x1FF70] =	vst v56  }
0x9: {  	s0 =	ssub.s32 s1, s26;
	v59 =	vor.u32 $0x54, v41;
	s28 =	sshll.u32 s7, $0x6;
	s2 =	sand.u32 $0x700, s2;
	[tilespmem:$0x1FF80] =	vst v57  }
0xa: {  	v60 =	vor.u32 $0x55, v41;
	s6 =	sand.u32 $0x70, s7;
	s8 =	sshll.u32 s7, $0xB;
	s0 =	smax.u32 s0, $0x1;
	[tilespmem:$0x1FF90] =	vst v59  }
0xb: {  	v62 =	vor.u32 $0x56, v41;
	[tilespmem:$0x1FFA0] =	vst v60;
	s1 =	sand.u32 $0x2000, s28;
	s29 =	sshll.u32 s2, $0x2;
	s6 =	sadd.s32 s5, s6  }
0xc: {  	v24 =	vimm.s32 $0x0;
	v63 =	vor.u32 $0x58, v41;
	[tilespmem:$0x1FFB0] =	vst v62;
	s2 =	sshll.u32 s2, $0x4;
	s30 =	sand.u32 $0x78000, s8;
	s3 =	sadd.s32 s29, s6  }
0xd: {  	v42 =	vimm.s32 $0x1;
	v43 =	vimm.s32 $0x2;
	v58 =	vor.u32 $0x52, v41;
	[tilespmem:$0x1FFC0] =	vst v63;
	[dreg:$0x8] =	wrdreg s0;
	s2 =	sadd.s32 s9, s2;
	s1 =	sadd.s32 s1, s3  }
0xe: {  	v22 =	vimm.s32 $0x3;
	v23 =	vimm.s32 $0x4;
	s20 =	simm.s32 $0x1E00;
	v1 =	vor.u32 $0x57, v41;
	[tilespmem:$0x1FFD0] =	vst v58;
	s31 =	sadd.s32 s30, s2;
	[dreg:$0x6] =	wrdreg s1  }
0xf: {  	v25 =	vimm.s32 $0x5;
	v26 =	vimm.s32 $0x6;
	v61 =	vimm.s32 $0x7;
	s22 =	simm.s32 $0x2200;
	[tilespmem:$0x1FFF0] =	vst v1;
	s2 =	simm.s32 $0x0;
	[dreg:$0x7] =	wrdreg s31  }
.LBB2_1:
0x10: {  	[dreg:$0x9] =	wrdreg s2  }
0x11: {  	s0 =	rddreg [dreg:$0x1];
	s1 =	simm.s32 $0x7  }
0x12: {  	[tilespmem:s4], [sflag:$0x7] =	stream.linear.gather [hbm4b:s0+s4], $0x200, $0x38;
	[tilespmem:$0x1A200] =	vst v63  }
0x13: {  	_ =	swait.ge [sflag:s1], $0x200  }
0x14: {  	[sflag:s1] =	ssyncset.done $0x0  }
0x15: {  	[sflag:s1] =	ssyncadd.s32 $0xFFFFFE00  }
0x16: {  	s23 =	simm.s32 $0x200;
	s21 =	rddreg [dreg:$0x2]  }
0x17: {  	[tilespmem:s23], [sflag:$0x7] =	stream.linear.gather [hbm4b:s21+s4], $0x80, $0x38;
	[tilespmem:$0x1A200] =	vst v63  }
0x18: {  	_ =	swait.ge [sflag:s1], $0x80  }
0x19: {  	[sflag:s1] =	ssyncset.done $0x0  }
0x1a: {  	s24 =	rddreg [dreg:$0x4];
	[sflag:s1] =	ssyncadd.s32 $0xFFFFFF80  }
0x1b: {  	[tilespmem:s16], [sflag:$0x7] =	stream.linear.gather [hbm4b:s24+s4], $0x1B00, $0x38;
	[tilespmem:$0x1A200] =	vst v63  }
0x1c: {  	_ =	swait.ge [sflag:s1], $0x1B00  }
0x1d: {  	[sflag:s1] =	ssyncset.done $0x0  }
0x1e: {  	s25 =	rddreg [dreg:$0x5];
	[sflag:s1] =	ssyncadd.s32 $0xFFFFE500  }
0x1f: {  	[tilespmem:s17], [sflag:$0x7] =	stream.linear.gather [hbm4b:s25+s4], $0x80, $0x38;
	[tilespmem:$0x1A200] =	vst v63  }
0x20: {  	_ =	swait.ge [sflag:s1], $0x80  }
0x21: {  	[sflag:s1] =	ssyncset.done $0x0  }
0x22: {  	[sflag:s1] =	ssyncadd.s32 $0xFFFFFF80  }
0x23: {  	v28 =	vld [tilespmem:$0x0]  }
0x24: {  	v62 =	vld [tilespmem:$0x10]  }
0x25: {  	v63 =	vld [tilespmem:$0x20]  }
0x26: {  	v53 =	vld [tilespmem:$0x30]  }
0x27: {  	v54 =	vld [tilespmem:$0x40]  }
0x28: {  	v27 =	vld [tilespmem:$0x80]  }
0x29: {  	v19 =	vld [tilespmem:$0x90]  }
0x2a: {  	v55 =	vld [tilespmem:$0xA0]  }
0x2b: {  	v57 =	vld [tilespmem:$0xB0]  }
0x2c: {  	v34 =	vld [tilespmem:$0xC0]  }
0x2d: {  	v31 =	vld [tilespmem:$0x100]  }
0x2e: {  	v36 =	vld [tilespmem:$0x110]  }
0x2f: {  	v59 =	vld [tilespmem:$0x120]  }
0x30: {  	v0 =	vld [tilespmem:$0x130]  }
0x31: {  	v38 =	vld [tilespmem:$0x140]  }
0x32: {  	v58 =	vld [tilespmem:$0x180]  }
0x33: {  	v51 =	vld [tilespmem:$0x190]  }
0x34: {  	v29 =	vld [tilespmem:$0x1A0]  }
0x35: {  	v60 =	vld [tilespmem:$0x1B0]  }
0x36: {  	v30 =	vld [tilespmem:$0x1C0]  }
0x37: {  	v56 =	vld [tilespmem:$0x200]  }
0x38: {  	v35 =	vld [tilespmem:$0x210]  }
0x39: {  	v20 =	vld [tilespmem:$0x230];
	[tilespmem:$0x1FE30] =	vst v0  }
0x3a: {  	s28 =	simm.s32 $0x80;
	s29 =	simm.s32 $0x400;
	s26 =	rddreg [dreg:$0x6];
	v21 =	vld [tilespmem:$0x240];
	[tilespmem:$0x1FE40] =	vst v58  }
0x3b: {  	[tilespmem:$0x1FE50] =	vst v60;
	v60 =	vld [tilespmem:$0x220];
	[tilespmem:s20], [sflag:$0x1] =	stream.strided.gather [hbm4b:s26+s28], $0x200, s29, s28, $0x38  }
0x3c: {  	[tilespmem:$0x1FE60] =	vst v28  }
0x3d: {  	[tilespmem:$0x1FE70] =	vst v62  }
0x3e: {  	[tilespmem:$0x1FE80] =	vst v63  }
0x3f: {  	[tilespmem:$0x1FE90] =	vst v27  }
0x40: {  	[tilespmem:$0x1FEA0] =	vst v19  }
0x41: {  	[tilespmem:$0x1FEB0] =	vst v31  }
0x42: {  	[tilespmem:$0x1FEC0] =	vst v34  }
0x43: {  	[tilespmem:$0x1FED0] =	vst v36  }
0x44: {  	[tilespmem:$0x1FEE0] =	vst v57  }
0x45: {  	[tilespmem:$0x1FEF0] =	vst v35  }
0x46: {  	[tilespmem:$0x1FF00] =	vst v59  }
0x47: {  	[tilespmem:$0x1FF10] =	vst v20  }
0x48: {  	[tilespmem:$0x1FF20] =	vst v21  }
0x49: {  	[tilespmem:$0x1FF30] =	vst v38  }
0x4a: {  	s31 =	simm.s32 $0x12200;
	[tilespmem:$0x1FF40] =	vst v29  }
0x4b: {  	p0 =	por $0x0, $0x0;
	s0 =	simm.s32 $0x0;
	s30 =	rddreg [dreg:$0x7];
	[tilespmem:$0x1FF50] =	vst v30  }
0x4c: {  	[tilespmem:s31], [sflag:$0x5] =	stream.linear.gather [hbm4b:s30+s4], $0x4000, $0x38;
	[tilespmem:$0x1A200] =	vst v63  }
.LBB2_2:
0x4d: {  	s26 =	sand.u32 $0x1, s0  }
0x4e: {  	s28 =	sadd.s32 $0x1, s0;
	p1 =	seq.s32 s0, $0x5F;
	s19 =	sshrl.u32 s0, $0x4  }
0x4f: {  	s30 =	sand.u32 $0xF, s0;
	s21 =	simm.s32 $0x0;
	s1 =	sadd.s32 $0x1, s26  }
0x50: {  	s15 =	sadd.s32 $0x5, s26;
	s11 =	sand.u32 @!p1 $0x1, s28;
	_ =	swait.ge [sflag:s1], $0x200  }
0x51: {  	s2 =	sshrl.u32 @!p1 s28, $0x4;
	s13 =	sshll.u32 @!p1 s11, $0x9;
	[sflag:s1] =	ssyncset.done $0x0  }
0x52: {  	[sflag:s1] =	ssyncadd.s32 $0xFFFFFE00;
	s1 =	sadd.s32 @!p1 s7, s2;
	s2 =	sshll.u32 @!p1 s28, $0xE  }
0x53: {  	_ =	swait.ge [sflag:s15], $0x4000;
	s3 =	sshll.u32 @!p1 s1, $0x6;
	s6 =	sshll.u32 @!p1 s1, $0x7  }
0x54: {  	s2 =	sand.u32 @!p1 $0x3C000, s2;
	s8 =	sand.u32 @!p1 $0x70, s1;
	s1 =	sshll.u32 @!p1 s1, $0xB  }
0x55: {  	[sflag:s15] =	ssyncset.done $0x0;
	s3 =	sand.u32 @!p1 $0xFFFE000, s3;
	s6 =	sand.u32 @!p1 $0x780, s6  }
0x56: {  	s2 =	sadd.s32 @!p1 s5, s2;
	s1 =	sand.u32 @!p1 $0xFFFF8000, s1;
	[sflag:s15] =	ssyncadd.s32 $0xFFFFC000  }
0x57: {  	s12 =	sshll.u32 @!p1 s6, $0x2;
	s2 =	sadd.s32 @!p1 s8, s2;
	s8 =	sadd.s32 @!p1 $0x1E00, s13  }
0x58: {  	s13 =	sadd.s32 @!p1 $0x1, s11;
	s1 =	sadd.s32 @!p1 s9, s1;
	s2 =	sadd.s32 @!p1 s3, s2  }
0x59: {  	s3 =	simm.s32 @!p1 $0x80;
	s2 =	sadd.s32 @!p1 s12, s2;
	s12 =	simm.s32 @!p1 $0x400  }
0x5a: {  	[tilespmem:s8], [sflag:s13] =	stream.strided.gather @!p1 [hbm4b:s2+s3], $0x200, s12, s3, $0x38;
	[tilespmem:$0x1A200] =	vst v63  }
0x5b: {  	s2 =	sshll.u32 @!p1 s11, $0xE;
	s3 =	sshll.u32 @!p1 s6, $0x4;
	s6 =	sadd.s32 @!p1 $0x5, s11  }
0x5c: {  	s2 =	sor.u32 @!p1 $0x12200, s2;
	s1 =	sadd.s32 @!p1 s3, s1;
	s3 =	simm.s32 @!p1 $0x0  }
0x5d: {  	[tilespmem:s2], [sflag:s6] =	stream.linear.gather @!p1 [hbm4b:s1+s3], $0x4000, $0x38;
	[tilespmem:$0x1A200] =	vst v63  }
0x5e: {  	p2 =	slt.u32 @!p1 s0, $0x2;
	s29 =	sadd.s32 $0x3, s26;
	s1 =	simm.s32 $0x1  }
0x5f: {  	s0 =	sshll.u32 s26, $0x9;
	p1 =	por p1, !p2;
	s1 =	simm.s32 @!p0 $0x0  }
0x60: {  	s23 =	sand.u32 $0x180, s21;
	_ =	swait.ge @p1 [sflag:s29], $0x8000;
	s18 =	sshll.u32 s1, $0xE  }
0x61: {  	s3 =	sshll.u32 s1, $0xF;
	s1 =	sor.u32 $0x12300, s18;
	s18 =	sadd.s32 $0x1E00, s0  }
0x62: {  	s6 =	sand.u32 $0x70, s21;
	[sflag:s29] =	ssyncset.done @p1 $0x0;
	s8 =	sadd.s32 s23, s18  }
0x63: {  	s24 =	simm.s32 $0x8;
	[sflag:s29] =	ssyncadd.s32 @p1 $0xFFFF8000;
	s6 =	sadd.s32 s6, s8  }
0x64: {  	s25 =	sand.u32 $0x180, s24;
	v3 =	vld [tilespmem:s6+$0x0]  }
0x65: {  	s11 =	sand.u32 $0x78, s24;
	s13 =	sadd.s32 s25, s18  }
0x66: {  	s14 =	sadd.s32 s11, s13  }
0x67: {  	v2 =	vld [tilespmem:s14+$0x0];
	_ =	sdelay $0x1  }
0x68: {  	v4 =	vperm.xlane v3, v23  }
0x69: {  	v1 =	vperm.xlane v3, v25;
	v5 =	vperm.xlane v3, v24  }
0x6a: {  	v7 =	vperm.xlane v3, v42;
	v0 =	vperm.xlane v3, v61  }
0x6b: {  	v8 =	vperm.xlane v2, v24;
	v13 =	vperm.xlane v3, v22  }
0x6c: {  	v16 =	vperm.xlane v2, v22;
	v46 =	vperm.xlane v3, v43  }
0x6d: {  	v48 =	vperm.xlane v2, v42;
	v9 =	vmul.f32 v5, v28  }
0x6e: {  	v10 =	vmul.f32 v5, v63;
	v11 =	vmul.f32 v5, v54  }
0x6f: {  	v12 =	vmul.f32 v4, v53;
	v14 =	vmul.f32 v8, v62  }
0x70: {  	v15 =	vmul.f32 v7, v57;
	v17 =	vmul.f32 v7, v27  }
0x71: {  	v18 =	vmul.f32 v8, v53;
	v44 =	vmul.f32 v7, v19  }
0x72: {  	v45 =	vmul.f32 v7, v34;
	v7 =	vmul.f32 v7, v55  }
0x73: {  	v47 =	vmul.f32 v8, v63;
	v39 =	vmul.f32 v5, v62  }
0x74: {  	v49 =	vmul.f32 v46, v38;
	v50 =	vmul.f32 v48, v55  }
0x75: {  	v40 =	vmul.f32 v48, v27;
	v52 =	vmul.f32 v48, v19  }
0x76: {  	v5 =	vmul.f32 v5, v53;
	v9 =	vadd.f32 v9, v56;
	v10 =	vadd.f32 v10, v60  }
0x77: {  	v58 =	vmul.f32 v48, v34;
	v11 =	vadd.f32 v11, v21;
	v14 =	vadd.f32 v14, v35  }
0x78: {  	v33 =	vmul.f32 v13, v30;
	v47 =	vadd.f32 v47, v60;
	v5 =	vadd.f32 v5, v20  }
0x79: {  	v48 =	vmul.f32 v48, v57;
	v12 =	vadd.f32 v12, v20;
	v18 =	vadd.f32 v18, v20  }
0x7a: {  	v9 =	vadd.f32 v17, v9;
	v17 =	vmul.f32 v8, v28;
	v11 =	vadd.f32 v45, v11  }
0x7b: {  	v7 =	vadd.f32 v7, v10;
	v10 =	vperm.xlane v2, v43;
	v45 =	vadd.f32 v39, v35  }
0x7c: {  	v8 =	vmul.f32 v8, v54;
	v47 =	vadd.f32 v50, v47;
	v43 =	vmul.f32 v16, v29  }
0x7d: {  	v14 =	vadd.f32 v52, v14;
	v52 =	vmul.f32 v16, v51;
	v5 =	vadd.f32 v15, v5  }
0x7e: {  	v39 =	vld [tilespmem:$0x1FE40];
	v15 =	vmul.f32 v13, v51;
	v18 =	vadd.f32 v48, v18;
	v17 =	vadd.f32 v17, v56  }
0x7f: {  	v11 =	vadd.f32 v49, v11;
	v41 =	vmul.f32 v10, v59;
	v8 =	vadd.f32 v8, v21  }
0x80: {  	v37 =	vld [tilespmem:$0x1FE30];
	v44 =	vadd.f32 v44, v45;
	v32 =	vmul.f32 v10, v36;
	v17 =	vadd.f32 v40, v17  }
0x81: {  	v42 =	vmul.f32 v10, v31;
	v47 =	vadd.f32 v41, v47;
	v45 =	vadd.f32 v58, v8  }
0x82: {  	v8 =	vmul.f32 v46, v31;
	v14 =	vadd.f32 v32, v14;
	v58 =	vmul.f32 v46, v59  }
0x83: {  	v11 =	vadd.f32 v33, v11;
	v33 =	vperm.xlane v3, v26;
	v40 =	vmul.f32 v16, v39  }
0x84: {  	v32 =	vmul.f32 v13, v39;
	v17 =	vadd.f32 v42, v17;
	v42 =	vmul.f32 v46, v36  }
0x85: {  	v8 =	vadd.f32 v8, v9;
	v9 =	vmul.f32 v13, v29;
	v46 =	vmul.f32 v46, v37  }
0x86: {  	v7 =	vadd.f32 v58, v7;
	v50 =	vadd.f32 v52, v14;
	v52 =	vmul.f32 v1, v55  }
0x87: {  	s31 =	sadd.s32 s7, s19;
	s19 =	simm.s32 $0x0;
	v58 =	vmul.f32 v10, v37;
	v17 =	vadd.f32 v40, v17;
	v44 =	vadd.f32 v42, v44;
	v42 =	vld [tilespmem:$0x1FE50]  }
0x88: {  	s21 =	sand.u32 $0xF800, s3;
	s6 =	sand.u32 $0x200, s19;
	v5 =	vadd.f32 v46, v5;
	v40 =	vmul.f32 v4, v63;
	v7 =	vadd.f32 v9, v7  }
0x89: {  	s6 =	sor.u32 s6, s21;
	v9 =	vmul.f32 v33, v36;
	v14 =	vadd.f32 v15, v44;
	v15 =	vmul.f32 v4, v28  }
0x8a: {  	[tilespmem:s6+$0x2240] =	vst v11;
	v11 =	vmul.f32 v10, v38;
	v10 =	vmul.f32 v33, v38;
	v44 =	vadd.f32 v32, v8  }
0x8b: {  	v8 =	vmul.f32 v4, v62;
	v3 =	vadd.f32 v15, v56;
	v15 =	vmul.f32 v1, v27  }
0x8c: {  	v18 =	vadd.f32 v58, v18;
	v32 =	vmul.f32 v33, v37;
	v13 =	vmul.f32 v13, v42  }
0x8d: {  	v4 =	vmul.f32 v4, v54;
	v3 =	vadd.f32 v15, v3;
	v15 =	vmul.f32 v33, v31  }
0x8e: {  	v8 =	vadd.f32 v8, v35;
	v13 =	vadd.f32 v13, v5;
	v5 =	vmul.f32 v1, v19  }
0x8f: {  	[tilespmem:s6+$0x2220] =	vst v7;
	v11 =	vadd.f32 v11, v45;
	v3 =	vadd.f32 v15, v3;
	v15 =	vmul.f32 v1, v57  }
0x90: {  	s15 =	simm.s32 $0x100;
	s23 =	sadd.s32 $0x200, s3;
	v7 =	vperm.xlane v2, v25;
	[tilespmem:s6+$0x2210] =	vst v14;
	v14 =	vadd.f32 v4, v21;
	v5 =	vadd.f32 v5, v8  }
0x91: {  	s24 =	sand.u32 $0x300, s15;
	s8 =	sand.u32 $0xF800, s23;
	v12 =	vadd.f32 v15, v12;
	v15 =	vmul.f32 v16, v30;
	v16 =	vmul.f32 v16, v42  }
0x92: {  	s12 =	sor.u32 s24, s8;
	v4 =	vperm.xlane v2, v26;
	v5 =	vadd.f32 v9, v5;
	v9 =	vmul.f32 v0, v39  }
0x93: {  	[tilespmem:s12+$0x2200] =	vst v17;
	v1 =	vmul.f32 v1, v34;
	v8 =	vadd.f32 v40, v60;
	v16 =	vadd.f32 v16, v18  }
0x94: {  	[tilespmem:s6+$0x2200] =	vst v44;
	v3 =	vadd.f32 v9, v3;
	v9 =	vmul.f32 v33, v59;
	v33 =	vperm.xlane v2, v23  }
0x95: {  	[tilespmem:s6+$0x2230] =	vst v13;
	v40 =	vmul.f32 v7, v19;
	v18 =	vmul.f32 v7, v27;
	v15 =	vadd.f32 v15, v11  }
0x96: {  	v44 =	vld [tilespmem:s1+$0xFFFFFF00];
	v8 =	vadd.f32 v52, v8;
	[tilespmem:s12+$0x2230] =	vst v16;
	v16 =	vmul.f32 v4, v31;
	v13 =	vmul.f32 v33, v28  }
0x97: {  	v47 =	vadd.f32 v43, v47;
	[tilespmem:s12+$0x2240] =	vst v15;
	v15 =	vperm.xlane v2, v61;
	v17 =	vmul.f32 v33, v54  }
0x98: {  	v9 =	vadd.f32 v9, v8;
	v49 =	vmul.f32 v33, v62;
	v13 =	vadd.f32 v13, v56  }
0x99: {  	p1 =	por $0x0, $0x0;
	s8 =	simm.s32 $0x1;
	v41 =	vmovc v29;
	v8 =	vadd.f32 v32, v12;
	v11 =	vmul.f32 v33, v53;
	v17 =	vadd.f32 v17, v21  }
0x9a: {  	s2 =	sshll.u32 s26, $0x7;
	s8 =	simm.s32 @!p1 $0x0;
	[tilespmem:s12+$0x2220] =	vst v47;
	v58 =	vadd.f32 v49, v35;
	v52 =	vadd.f32 v18, v13;
	v18 =	vmul.f32 v7, v34  }
0x9b: {  	s11 =	simm.s32 $0x10;
	s19 =	simm.s32 $0x0;
	s25 =	sshll.u32 s8, $0x9;
	v12 =	vmul.f32 v0, v29;
	v46 =	vmul.f32 v33, v63;
	[tilespmem:s6+$0x2270] =	vst v44;
	v13 =	vadd.f32 v11, v20  }
0x9c: {  	s21 =	sadd.s32 $0x200, s1;
	p1 =	por !p1, !p1;
	s13 =	sadd.s32 s25, s3;
	[tilespmem:s12+$0x2210] =	vst v50;
	v44 =	vld [tilespmem:s1+$0xFFFFFF10];
	v2 =	vadd.f32 v40, v58;
	v11 =	vadd.f32 v18, v17;
	v18 =	vmul.f32 v4, v36  }
0x9d: {  	s8 =	simm.s32 $0x300;
	s23 =	sor.u32 $0x400, s13;
	v43 =	vmovc v30;
	s6 =	sadd.s32 $0x400, s3;
	v45 =	vld [tilespmem:s1+$0x0];
	v17 =	vadd.f32 v16, v52;
	v16 =	vadd.f32 v46, v60;
	v46 =	vmul.f32 v0, v51  }
.LBB2_3:
0x9e: {  	_ =	sdelay $0x1  }
0x9f: {  	s14 =	sadd.s32 $0x8, s11;
	v1 =	vadd.f32 v1, v14  }
0xa0: {  	s25 =	sand.u32 $0x180, s14;
	v46 =	vadd.f32 v46, v5;
	[tilespmem:s23+$0x2200] =	vst v44  }
0xa1: {  	v5 =	vmul.f32 v0, v42;
	s14 =	sand.u32 $0x78, s14;
	v0 =	vmul.f32 v0, v43;
	s25 =	sadd.s32 s25, s18;
	v1 =	vadd.f32 v10, v1;
	[tilespmem:s12+$0x2270] =	vst v45;
	v44 =	vld [tilespmem:s1+$0xFFFFFF18]  }
0xa2: {  	s24 =	sand.u32 $0x180, s11;
	v9 =	vadd.f32 v12, v9;
	s14 =	sadd.s32 s14, s25;
	v12 =	vld [tilespmem:s1+$0x10]  }
0xa3: {  	s24 =	sadd.s32 s24, s18;
	s23 =	sand.u32 $0x70, s11;
	v0 =	vadd.f32 v0, v1;
	v1 =	vld [tilespmem:s14+$0x0]  }
0xa4: {  	v32 =	vmul.f32 v4, v37;
	v2 =	vadd.f32 v18, v2;
	v18 =	vmul.f32 v15, v39;
	s23 =	sadd.s32 s23, s24  }
0xa5: {  	v14 =	vmul.f32 v15, v41;
	v8 =	vadd.f32 v5, v8;
	v10 =	vmul.f32 v15, v51;
	v5 =	vld [tilespmem:s23+$0x0]  }
0xa6: {  	s13 =	sor.u32 $0x408, s13;
	s25 =	sadd.s32 $0xFFFFFF80, s15;
	v17 =	vadd.f32 v18, v17;
	v18 =	vmul.f32 v4, v38;
	v45 =	vmul.f32 v15, v43;
	s24 =	sadd.s32 $0x100, s3  }
0xa7: {  	v15 =	vmul.f32 v15, v42;
	v10 =	vadd.f32 v10, v2;
	v2 =	vmul.f32 v7, v55;
	s23 =	sand.u32 $0xF800, s24;
	s24 =	sand.u32 $0x280, s25;
	[tilespmem:s13+$0x2200] =	vst v44  }
0xa8: {  	v58 =	vimm.s32 $0x1;
	v7 =	vmul.f32 v7, v57;
	s13 =	sor.u32 s24, s23;
	v47 =	vperm.xlane v1, v24;
	[tilespmem:s12+$0x2600] =	vst v12  }
0xa9: {  	v52 =	vperm.xlane v1, v22;
	[tilespmem:s13+$0x2240] =	vst v0;
	v0 =	vadd.f32 v2, v16;
	v16 =	vmul.f32 v4, v59  }
0xaa: {  	v7 =	vadd.f32 v7, v13;
	[tilespmem:s13+$0x2210] =	vst v46;
	v4 =	vperm.xlane v5, v23;
	v2 =	vperm.xlane v5, v25  }
0xab: {  	v11 =	vadd.f32 v18, v11;
	[tilespmem:s13+$0x2230] =	vst v8;
	v13 =	vperm.xlane v5, v24;
	v46 =	vperm.xlane v5, v58  }
0xac: {  	[tilespmem:s13+$0x2200] =	vst v3;
	v8 =	vadd.f32 v32, v7;
	v49 =	vperm.xlane v5, v22;
	v50 =	vmul.f32 v47, v62  }
0xad: {  	[tilespmem:s13+$0x2220] =	vst v9;
	v18 =	vld [tilespmem:s1+$0x18];
	v16 =	vadd.f32 v16, v0;
	v0 =	vperm.xlane v5, v61;
	v9 =	vmul.f32 v13, v28  }
0xae: {  	v6 =	vimm.s32 $0x2;
	v33 =	vld [tilespmem:s1+$0xFFFFFF80];
	v3 =	vmul.f32 v2, v57;
	v12 =	vmul.f32 v13, v63  }
0xaf: {  	v40 =	vmovc v51;
	v15 =	vadd.f32 v15, v8;
	v48 =	vmul.f32 v13, v54;
	v8 =	vmul.f32 v4, v53  }
0xb0: {  	v29 =	vmovc v53;
	v11 =	vadd.f32 v45, v11;
	v51 =	vmul.f32 v46, v57;
	v53 =	vmul.f32 v46, v27  }
0xb1: {  	v30 =	vmovc v54;
	s25 =	sadd.s32 $0x300, s3;
	s23 =	sadd.s32 $0x80, s15;
	v54 =	vmul.f32 v47, v29;
	v44 =	vmul.f32 v46, v19;
	v50 =	vadd.f32 v50, v35  }
0xb2: {  	s14 =	sand.u32 $0x7FFFF800, s25;
	s24 =	sand.u32 $0x380, s23;
	v45 =	vmul.f32 v49, v41;
	v9 =	vadd.f32 v9, v56;
	v12 =	vadd.f32 v12, v60;
	[tilespmem:s12+$0x2608] =	vst v18  }
0xb3: {  	s25 =	sor.u32 s24, s14;
	v7 =	vmul.f32 v0, v39;
	v48 =	vadd.f32 v48, v21;
	v14 =	vadd.f32 v14, v16;
	[tilespmem:s13+$0x2270] =	vst v33  }
0xb4: {  	v16 =	vadd.f32 v54, v20;
	v8 =	vadd.f32 v8, v20;
	v18 =	vperm.xlane v5, v6;
	[tilespmem:s25+$0x2200] =	vst v17  }
0xb5: {  	v33 =	vmov v55;
	v55 =	vmul.f32 v46, v34;
	[tilespmem:s25+$0x2210] =	vst v10;
	v10 =	vmul.f32 v13, v62  }
0xb6: {  	v9 =	vadd.f32 v53, v9;
	[tilespmem:s25+$0x2230] =	vst v15;
	v15 =	vperm.xlane v1, v6;
	v13 =	vmul.f32 v13, v29  }
0xb7: {  	[tilespmem:s25+$0x2240] =	vst v11;
	v53 =	vmul.f32 v46, v33;
	v11 =	vmul.f32 v18, v38;
	v17 =	vadd.f32 v55, v48  }
0xb8: {  	v32 =	vmovc v56;
	v56 =	vld [tilespmem:s1+$0xFFFFFF90];
	v55 =	vmul.f32 v47, v28;
	v48 =	vmul.f32 v47, v63;
	v10 =	vadd.f32 v10, v35  }
0xb9: {  	v54 =	vmul.f32 v15, v37;
	v47 =	vmul.f32 v47, v30;
	v13 =	vadd.f32 v13, v20  }
0xba: {  	v12 =	vadd.f32 v53, v12;
	v46 =	vadd.f32 v55, v32;
	v55 =	vperm.xlane v1, v58  }
0xbb: {  	v53 =	vmul.f32 v52, v41;
	v11 =	vadd.f32 v11, v17;
	v10 =	vadd.f32 v44, v10  }
0xbc: {  	v6 =	vmovc v60;
	v44 =	vadd.f32 v48, v60;
	v58 =	vmul.f32 v52, v43;
	v17 =	vmul.f32 v55, v27  }
0xbd: {  	v60 =	vmul.f32 v15, v38;
	v13 =	vadd.f32 v51, v13;
	[tilespmem:s13+$0x2600] =	vst v56;
	v48 =	vmul.f32 v55, v33  }
0xbe: {  	[tilespmem:s25+$0x2220] =	vst v14;
	v51 =	vmul.f32 v4, v63;
	v56 =	vld [tilespmem:s1+$0xFFFFFF98];
	v14 =	vadd.f32 v17, v46;
	v17 =	vmul.f32 v55, v57  }
0xbf: {  	v44 =	vadd.f32 v48, v44;
	v48 =	vmul.f32 v15, v59;
	v59 =	vmul.f32 v15, v31  }
0xc0: {  	v47 =	vadd.f32 v47, v21;
	v46 =	vmul.f32 v55, v34;
	v55 =	vmul.f32 v55, v19  }
0xc1: {  	v15 =	vmul.f32 v15, v36;
	v44 =	vadd.f32 v48, v44;
	v14 =	vadd.f32 v59, v14  }
0xc2: {  	v57 =	vld [tilespmem:s1+$0x80];
	v48 =	vmul.f32 v52, v39;
	v50 =	vadd.f32 v55, v50;
	v55 =	vmul.f32 v18, v31  }
0xc3: {  	v59 =	vld [tilespmem:$0x1FF00];
	v46 =	vadd.f32 v46, v47;
	[tilespmem:s13+$0x2608] =	vst v56;
	v56 =	vmul.f32 v52, v42;
	v52 =	vmul.f32 v52, v40  }
0xc4: {  	v44 =	vadd.f32 v53, v44;
	v53 =	vmul.f32 v49, v43;
	v15 =	vadd.f32 v15, v50  }
0xc5: {  	v50 =	vmul.f32 v18, v36;
	v48 =	vadd.f32 v48, v14;
	v14 =	vmul.f32 v18, v37  }
0xc6: {  	v9 =	vadd.f32 v55, v9;
	v11 =	vadd.f32 v53, v11;
	v53 =	vmul.f32 v49, v40  }
0xc7: {  	v10 =	vadd.f32 v50, v10;
	v13 =	vadd.f32 v14, v13;
	v14 =	vmul.f32 v49, v42  }
0xc8: {  	s14 =	sadd.s32 $0xFFFFFF00, s8;
	[tilespmem:s25+$0x2270] =	vst v57;
	v15 =	vadd.f32 v52, v15;
	v57 =	vmul.f32 v18, v59;
	v18 =	vmul.f32 v49, v39  }
0xc9: {  	s23 =	sand.u32 $0xF800, s6;
	s13 =	sand.u32 $0x200, s14;
	v47 =	vld [tilespmem:s1+$0x90];
	v52 =	vmul.f32 v4, v62;
	v10 =	vadd.f32 v53, v10;
	v13 =	vadd.f32 v14, v13  }
0xca: {  	s13 =	sor.u32 s13, s23;
	v14 =	vperm.xlane v5, v26;
	v9 =	vadd.f32 v18, v9;
	v18 =	vmul.f32 v4, v28  }
0xcb: {  	v5 =	vmul.f32 v2, v19;
	v49 =	vadd.f32 v52, v35;
	[tilespmem:s13+$0x2240] =	vst v11;
	v11 =	vadd.f32 v51, v6  }
0xcc: {  	v50 =	vmul.f32 v2, v27;
	v12 =	vadd.f32 v57, v12;
	v18 =	vadd.f32 v18, v32  }
0xcd: {  	v51 =	vmul.f32 v2, v33;
	v52 =	vmul.f32 v14, v31;
	v5 =	vadd.f32 v5, v49  }
0xce: {  	[tilespmem:s25+$0x2600] =	vst v47;
	v12 =	vadd.f32 v45, v12;
	v45 =	vmul.f32 v14, v36;
	v18 =	vadd.f32 v50, v18  }
0xcf: {  	v8 =	vadd.f32 v3, v8;
	v4 =	vmul.f32 v4, v30;
	[tilespmem:s13+$0x2210] =	vst v10;
	v11 =	vadd.f32 v51, v11;
	v47 =	vld [tilespmem:s1+$0x98]  }
0xd0: {  	v10 =	vmul.f32 v14, v38;
	[tilespmem:s13+$0x2220] =	vst v12;
	v5 =	vadd.f32 v45, v5;
	v12 =	vadd.f32 v52, v18  }
0xd1: {  	[tilespmem:s13+$0x2230] =	vst v13;
	v18 =	vmul.f32 v14, v37;
	v52 =	vmul.f32 v14, v59;
	v14 =	vadd.f32 v4, v21  }
0xd2: {  	[tilespmem:s13+$0x2200] =	vst v9;
	v3 =	vadd.f32 v7, v12;
	v7 =	vadd.f32 v17, v16  }
0xd3: {  	s24 =	sadd.s32 $0x200, s6;
	v55 =	vmovc v33;
	v4 =	vperm.xlane v1, v26;
	v9 =	vadd.f32 v52, v11;
	v11 =	vld [tilespmem:s21+$0xFFFFFF00];
	v16 =	vadd.f32 v60, v46  }
0xd4: {  	s12 =	sand.u32 $0xF800, s24;
	[tilespmem:s25+$0x2608] =	vst v47;
	v8 =	vadd.f32 v18, v8;
	s25 =	sand.u32 $0x300, s8;
	v12 =	vmul.f32 v0, v41;
	v17 =	vperm.xlane v1, v23  }
0xd5: {  	v53 =	vmovc v29;
	v46 =	vmul.f32 v4, v31;
	s12 =	sor.u32 s25, s12;
	v13 =	vadd.f32 v54, v7;
	v16 =	vadd.f32 v58, v16  }
0xd6: {  	v51 =	vmovc v40;
	v60 =	vmov v6;
	v7 =	vperm.xlane v1, v25;
	[tilespmem:s12+$0x2210] =	vst v15;
	v15 =	vmul.f32 v17, v28  }
0xd7: {  	s19 =	sadd.s32 $0x2, s19;
	v18 =	vmul.f32 v17, v29;
	v13 =	vadd.f32 v56, v13;
	[tilespmem:s12+$0x2240] =	vst v16;
	v16 =	vmul.f32 v17, v62  }
0xd8: {  	p2 =	slt.u32 s19, $0x3E;
	v58 =	vmul.f32 v17, v63;
	[tilespmem:s13+$0x2270] =	vst v11;
	v11 =	vadd.f32 v15, v32;
	v15 =	vmul.f32 v7, v27  }
.Ltmp0:
0xd9: {  	v47 =	vmul.f32 v7, v19;
	s13 =	simm.s32 $0x1;
	[tilespmem:s12+$0x2230] =	vst v13;
	v13 =	vmul.f32 v17, v30;
	v52 =	vadd.f32 v16, v35;
	(pc) =	sbr.rel @p2 .LBB2_3-.Ltmp0, $4  }
0xda: {  	s11 =	sadd.s32 $0x10, s11;
	s3 =	smov.u32 s6;
	v54 =	vmovc v30;
	v49 =	vmul.f32 v7, v34;
	s13 =	simm.s32 @!p1 $0x0;
	v16 =	vadd.f32 v58, v6;
	v50 =	vadd.f32 v15, v11  }
0xdb: {  	s15 =	smov.u32 s8;
	s6 =	sadd.s32 $0x400, s6;
	v57 =	vld [tilespmem:$0x1FEE0];
	[tilespmem:s12+$0x2200] =	vst v48;
	s13 =	sshll.u32 s13, $0x9;
	v15 =	vperm.xlane v1, v61;
	v1 =	vmul.f32 v2, v34;
	v48 =	vadd.f32 v13, v21  }
0xdc: {  	s1 =	smov.u32 s21;
	s8 =	sadd.s32 $0x200, s8;
	[tilespmem:s12+$0x2220] =	vst v44;
	v44 =	vld [tilespmem:s21+$0xFFFFFF10];
	v13 =	vadd.f32 v18, v20;
	v18 =	vmul.f32 v4, v36;
	s13 =	sadd.s32 s13, s3;
	v2 =	vadd.f32 v47, v52  }
0xdd: {  	v56 =	vmovc v32;
	p1 =	por !p1, !p1;
	v45 =	vld [tilespmem:s21+$0x0];
	s21 =	sadd.s32 $0x200, s21;
	v17 =	vadd.f32 v46, v50;
	s23 =	sor.u32 $0x400, s13;
	v46 =	vmul.f32 v0, v40;
	v11 =	vadd.f32 v49, v48  }
0xde: {  	_ =	sdelay $0x2  }
0xdf: {  	[tilespmem:s23+$0x2200] =	vst v44  }
0xe0: {  	v44 =	vld [tilespmem:s1+$0xFFFFFF18];
	[tilespmem:s12+$0x2270] =	vst v45  }
0xe1: {  	v45 =	vld [tilespmem:s1+$0x10]  }
0xe2: {  	v1 =	vadd.f32 v1, v14;
	_ =	sdelay $0x1  }
0xe3: {  	s6 =	sadd.s32 $0x100, s3;
	s8 =	sadd.s32 $0xFFFFFF80, s15;
	s11 =	sor.u32 $0x408, s13;
	v1 =	vadd.f32 v10, v1;
	v10 =	vmul.f32 v0, v43  }
0xe4: {  	v5 =	vadd.f32 v46, v5;
	s6 =	sand.u32 $0xF800, s6;
	s8 =	sand.u32 $0x280, s8;
	v0 =	vmul.f32 v0, v42;
	[tilespmem:s11+$0x2200] =	vst v44  }
0xe5: {  	s6 =	sor.u32 s8, s6;
	v1 =	vadd.f32 v10, v1;
	[tilespmem:s12+$0x2600] =	vst v45  }
0xe6: {  	v9 =	vadd.f32 v12, v9;
	v0 =	vadd.f32 v0, v8;
	[tilespmem:s6+$0x2210] =	vst v5;
	v5 =	vmul.f32 v7, v57;
	v8 =	vld [tilespmem:s1+$0x18]  }
0xe7: {  	v2 =	vadd.f32 v18, v2;
	v12 =	vmul.f32 v15, v39;
	v10 =	vmul.f32 v15, v51;
	[tilespmem:s6+$0x2240] =	vst v1  }
0xe8: {  	v1 =	vmul.f32 v7, v55;
	v7 =	vmul.f32 v4, v37;
	[tilespmem:s6+$0x2230] =	vst v0;
	v0 =	vadd.f32 v5, v13  }
0xe9: {  	s14 =	sadd.s32 $0x300, s3;
	s15 =	sadd.s32 $0x80, s15;
	v12 =	vadd.f32 v12, v17;
	[tilespmem:s6+$0x2200] =	vst v3;
	v3 =	vmul.f32 v4, v59;
	v13 =	vmul.f32 v4, v38  }
0xea: {  	s3 =	sand.u32 $0x7FFFF800, s14;
	s8 =	sand.u32 $0x380, s15;
	[tilespmem:s6+$0x2220] =	vst v9;
	v5 =	vmul.f32 v15, v42;
	v1 =	vadd.f32 v1, v16;
	v0 =	vadd.f32 v7, v0  }
0xeb: {  	s3 =	sor.u32 s8, s3;
	v2 =	vadd.f32 v10, v2;
	v4 =	vmul.f32 v15, v43;
	v7 =	vadd.f32 v13, v11;
	[tilespmem:s12+$0x2608] =	vst v8  }
0xec: {  	v1 =	vadd.f32 v3, v1;
	v8 =	vmul.f32 v15, v41;
	v0 =	vadd.f32 v5, v0;
	[tilespmem:s3+$0x2200] =	vst v12  }
0xed: {  	v3 =	vadd.f32 v4, v7;
	[tilespmem:s3+$0x2210] =	vst v2  }
0xee: {  	[tilespmem:s3+$0x2230] =	vst v0;
	v0 =	vadd.f32 v8, v1  }
0xef: {  	[tilespmem:s3+$0x2240] =	vst v3  }
0xf0: {  	v1 =	vld [tilespmem:s1+$0xFFFFFF80];
	[tilespmem:s3+$0x2220] =	vst v0  }
0xf1: {  	v0 =	vld [tilespmem:s1+$0x80];
	_ =	sdelay $0x3  }
0xf2: {  	[tilespmem:s6+$0x2270] =	vst v1  }
0xf3: {  	v1 =	vld [tilespmem:s1+$0xFFFFFF90];
	[tilespmem:s3+$0x2270] =	vst v0  }
0xf4: {  	v0 =	vld [tilespmem:s1+$0x90];
	_ =	sdelay $0x3  }
0xf5: {  	[tilespmem:s6+$0x2600] =	vst v1  }
0xf6: {  	v1 =	vld [tilespmem:s1+$0xFFFFFF98];
	[tilespmem:s3+$0x2600] =	vst v0  }
0xf7: {  	v0 =	vld [tilespmem:s1+$0x98];
	_ =	sdelay $0x3  }
0xf8: {  	[tilespmem:s6+$0x2608] =	vst v1  }
0xf9: {  	[tilespmem:s3+$0x2608] =	vst v0;
	v0 =	vmov s0  }
0xfa: {  	[tilespmem:$0x1FE10] =	vst v0  }
0xfb: {  	v0 =	vmov s2;
	v19 =	vld [tilespmem:$0x1FE10]  }
0xfc: {  	s18 =	simm.s32 $0x0;
	[tilespmem:$0x1FE20] =	vst v0;
	v0 =	vlaneseq.u32  }
0xfd: {  	v0 =	vor.u32 s18, v0  }
0xfe: {  	v1 =	vshll.u32 v0, $0x2  }
0xff: {  	v1 =	vand.u32 $0x1FC, v1  }
0x100: {  	v2 =	vor.u32 v19, v1  }
0x101: {  	v1 =	vor.u32 $0x1, v2;
	_ =	sdelay $0x4  }
0x102: {  	v1 =	vld.idx.msk [tilespmem:v1+s20+$0x0], $0xffff;
	_ =	sdelay $0x4  }
0x103: {  	v1 =	vmul.f32 $2.880000000e+02, v1;
	_ =	sdelay $0x1  }
0x104: {  	v1 =	vtrunc.f32 v1  }
0x105: {  	v1 =	vcvt.f32.s32 v1;
	_ =	sdelay $0x1  }
0x106: {  	vm0 =	vgt.s32 v1, $0x0  }
0x107: {  	v31 =	vld [tilespmem:$0x1FE20];
	v1 =	vnsel vm0, $0x0, v1  }
0x108: {  	v1 =	vmin.u32 v1, $0x11F  }
0x109: {  	v23 =	vld [tilespmem:$0x1FF60];
	v1 =	vmul.u32 $0x18, v1  }
0x10a: {  	v25 =	vld [tilespmem:$0x1FF70]  }
0x10b: {  	v12 =	vld [tilespmem:$0x1FFD0]  }
0x10c: {  	v21 =	vld [tilespmem:$0x1FF80];
	v0 =	vadd.s32 v31, v0  }
0x10d: {  	v22 =	vld [tilespmem:$0x1FF90];
	v0 =	vshll.u32 v0, $0x8  }
0x10e: {  	v26 =	vld [tilespmem:$0x1FFA0];
	v3 =	vor.u32 $0x2, v2;
	v44 =	vand.u32 $0x7FFFF800, v0  }
0x10f: {  	v0 =	vor.u32 $0x3, v2;
	v5 =	vor.u32 v23, v44;
	v4 =	vld.idx.msk [tilespmem:v1+s16+$0x0], $0xffff  }
0x110: {  	v57 =	vld [tilespmem:$0x1FFB0];
	v7 =	vor.u32 $0x1, v1  }
0x111: {  	v20 =	vld [tilespmem:$0x1FFC0]  }
0x112: {  	v41 =	vld [tilespmem:$0x1FFE0]  }
0x113: {  	v3 =	vld.idx.msk [tilespmem:v3+s20+$0x0], $0xffff  }
0x114: {  	v2 =	vld.idx.msk [tilespmem:v0+s20+$0x0], $0xffff;
	[tilespmem:v5+s22+$0x0] =	vst.idx.msk $0xffff, v4  }
0x115: {  	s19 =	simm.s32 $0x10;
	v8 =	vlaneseq.u32;
	v4 =	vor.u32 v25, v44;
	v0 =	vld.idx.msk [tilespmem:v7+s16+$0x0], $0xffff  }
0x116: {  	v5 =	vor.u32 $0x2, v1;
	v7 =	vor.u32 s19, v8  }
0x117: {  	v8 =	vshll.u32 v7, $0x2  }
0x118: {  	v8 =	vand.u32 $0x1FC, v8  }
0x119: {  	v8 =	vor.u32 v19, v8  }
0x11a: {  	[tilespmem:v4+s22+$0x0] =	vst.idx.msk $0xffff, v0;
	v0 =	vor.u32 $0x1, v8  }
0x11b: {  	v4 =	vld.idx.msk [tilespmem:v5+s16+$0x0], $0xffff;
	v5 =	vor.u32 v12, v44  }
0x11c: {  	v9 =	vor.u32 $0x3, v1;
	_ =	sdelay $0x2  }
0x11d: {  	v0 =	vld.idx.msk [tilespmem:v0+s20+$0x0], $0xffff  }
0x11e: {  	[tilespmem:v5+s22+$0x0] =	vst.idx.msk $0xffff, v4  }
0x11f: {  	v5 =	vor.u32 v21, v44;
	v4 =	vld.idx.msk [tilespmem:v9+s16+$0x0], $0xffff  }
0x120: {  	v9 =	vor.u32 $0x4, v1;
	_ =	sdelay $0x1  }
0x121: {  	v0 =	vmul.f32 $2.880000000e+02, v0;
	_ =	sdelay $0x1  }
0x122: {  	[tilespmem:v5+s22+$0x0] =	vst.idx.msk $0xffff, v4;
	v0 =	vtrunc.f32 v0  }
0x123: {  	v5 =	vor.u32 v22, v44;
	v4 =	vld.idx.msk [tilespmem:v9+s16+$0x0], $0xffff;
	v0 =	vcvt.f32.s32 v0  }
0x124: {  	v9 =	vor.u32 $0x5, v1  }
0x125: {  	vm11 =	vgt.s32 v0, $0x0  }
0x126: {  	v0 =	vnsel vm11, $0x0, v0  }
0x127: {  	v0 =	vmin.u32 v0, $0x11F  }
0x128: {  	[tilespmem:v5+s22+$0x0] =	vst.idx.msk $0xffff, v4;
	v48 =	vmul.u32 $0x18, v0  }
0x129: {  	v4 =	vor.u32 v26, v44;
	v0 =	vld.idx.msk [tilespmem:v9+s16+$0x0], $0xffff  }
0x12a: {  	v5 =	vor.u32 $0x6, v1  }
0x12b: {  	v7 =	vadd.s32 v31, v7  }
0x12c: {  	v7 =	vshll.u32 v7, $0x8  }
0x12d: {  	v45 =	vand.u32 $0x7FFFF800, v7;
	v7 =	vor.u32 $0x3, v8  }
0x12e: {  	v9 =	vor.u32 $0x2, v8;
	v8 =	vld.idx.msk [tilespmem:v48+s16+$0x0], $0xffff;
	[tilespmem:v4+s22+$0x0] =	vst.idx.msk $0xffff, v0;
	v0 =	vor.u32 v23, v45  }
0x12f: {  	v10 =	vor.u32 v57, v44;
	v4 =	vld.idx.msk [tilespmem:v5+s16+$0x0], $0xffff;
	_ =	sdelay $0x2  }
0x130: {  	v53 =	vld.idx.msk [tilespmem:v7+s20+$0x0], $0xffff  }
0x131: {  	v51 =	vld.idx.msk [tilespmem:v9+s20+$0x0], $0xffff;
	[tilespmem:v0+s22+$0x0] =	vst.idx.msk $0xffff, v8  }
0x132: {  	v5 =	vor.u32 $0x1, v48;
	[tilespmem:v10+s22+$0x0] =	vst.idx.msk $0xffff, v4  }
0x133: {  	v11 =	vor.u32 $0x7, v1;
	v27 =	vld [tilespmem:$0x1FFF0];
	_ =	sdelay $0x3  }
0x134: {  	s21 =	simm.s32 $0x20;
	v13 =	vlaneseq.u32;
	v0 =	vld.idx.msk [tilespmem:v5+s16+$0x0], $0xffff;
	v4 =	vor.u32 v25, v45  }
0x135: {  	v9 =	vor.u32 s21, v13;
	v8 =	vor.u32 $0x2, v48;
	v5 =	vld.idx.msk [tilespmem:v11+s16+$0x0], $0xffff;
	v7 =	vor.u32 v27, v44  }
0x136: {  	v10 =	vadd.s32 $0x8, v1;
	v11 =	vshll.u32 v9, $0x2  }
0x137: {  	v11 =	vand.u32 $0x1FC, v11  }
0x138: {  	v11 =	vor.u32 v19, v11  }
0x139: {  	[tilespmem:v4+s22+$0x0] =	vst.idx.msk $0xffff, v0;
	v0 =	vor.u32 $0x1, v11  }
0x13a: {  	v4 =	vld.idx.msk [tilespmem:v8+s16+$0x0], $0xffff;
	[tilespmem:v7+s22+$0x0] =	vst.idx.msk $0xffff, v5;
	v5 =	vor.u32 v12, v45  }
0x13b: {  	v8 =	vor.u32 $0x3, v48;
	v7 =	vld.idx.msk [tilespmem:v10+s16+$0x0], $0xffff;
	v10 =	vor.u32 v20, v44  }
0x13c: {  	v15 =	vmov v12;
	v12 =	vadd.s32 $0x9, v1;
	_ =	sdelay $0x1  }
0x13d: {  	v0 =	vld.idx.msk [tilespmem:v0+s20+$0x0], $0xffff  }
0x13e: {  	[tilespmem:v5+s22+$0x0] =	vst.idx.msk $0xffff, v4  }
0x13f: {  	v34 =	vor.u32 $0x59, v41;
	v5 =	vor.u32 v21, v45;
	v4 =	vld.idx.msk [tilespmem:v8+s16+$0x0], $0xffff;
	[tilespmem:v10+s22+$0x0] =	vst.idx.msk $0xffff, v7  }
0x140: {  	v8 =	vor.u32 $0x4, v48;
	v10 =	vor.u32 v34, v44;
	v7 =	vld.idx.msk [tilespmem:v12+s16+$0x0], $0xffff  }
0x141: {  	v12 =	vadd.s32 $0xA, v1  }
0x142: {  	v0 =	vmul.f32 $2.880000000e+02, v0;
	_ =	sdelay $0x1  }
0x143: {  	v0 =	vtrunc.f32 v0;
	[tilespmem:v5+s22+$0x0] =	vst.idx.msk $0xffff, v4  }
0x144: {  	v38 =	vor.u32 $0x5A, v41;
	v0 =	vcvt.f32.s32 v0;
	v5 =	vor.u32 v22, v45;
	v4 =	vld.idx.msk [tilespmem:v8+s16+$0x0], $0xffff;
	[tilespmem:v10+s22+$0x0] =	vst.idx.msk $0xffff, v7  }
0x145: {  	v8 =	vor.u32 $0x5, v48;
	v10 =	vor.u32 v38, v44;
	v7 =	vld.idx.msk [tilespmem:v12+s16+$0x0], $0xffff  }
0x146: {  	vm12 =	vgt.s32 v0, $0x0;
	v12 =	vadd.s32 $0xB, v1  }
0x147: {  	v0 =	vnsel vm12, $0x0, v0  }
0x148: {  	v0 =	vmin.u32 v0, $0x11F  }
0x149: {  	v49 =	vmul.u32 $0x18, v0;
	[tilespmem:v5+s22+$0x0] =	vst.idx.msk $0xffff, v4  }
0x14a: {  	v28 =	vor.u32 $0x5B, v41;
	v4 =	vor.u32 v26, v45;
	v0 =	vld.idx.msk [tilespmem:v8+s16+$0x0], $0xffff;
	[tilespmem:v10+s22+$0x0] =	vst.idx.msk $0xffff, v7  }
0x14b: {  	v7 =	vor.u32 v28, v44;
	v8 =	vor.u32 $0x6, v48;
	v5 =	vld.idx.msk [tilespmem:v12+s16+$0x0], $0xffff  }
0x14c: {  	v9 =	vadd.s32 v31, v9;
	v10 =	vadd.s32 $0xC, v1  }
0x14d: {  	v9 =	vshll.u32 v9, $0x8;
	v12 =	vor.u32 $0x2, v11  }
0x14e: {  	v46 =	vand.u32 $0x7FFFF800, v9  }
0x14f: {  	v9 =	vor.u32 $0x3, v11;
	v11 =	vld.idx.msk [tilespmem:v49+s16+$0x0], $0xffff;
	[tilespmem:v4+s22+$0x0] =	vst.idx.msk $0xffff, v0;
	v0 =	vor.u32 v23, v46  }
0x150: {  	v62 =	vor.u32 $0x5C, v41;
	v4 =	vld.idx.msk [tilespmem:v8+s16+$0x0], $0xffff;
	[tilespmem:v7+s22+$0x0] =	vst.idx.msk $0xffff, v5;
	v5 =	vor.u32 $0x1, v49;
	v7 =	vor.u32 v57, v45  }
0x151: {  	v13 =	vor.u32 v62, v44;
	v8 =	vld.idx.msk [tilespmem:v10+s16+$0x0], $0xffff;
	v10 =	vor.u32 $0x7, v48  }
0x152: {  	v54 =	vld.idx.msk [tilespmem:v12+s20+$0x0], $0xffff;
	v12 =	vadd.s32 $0xD, v1;
	_ =	sdelay $0x1  }
0x153: {  	v55 =	vld.idx.msk [tilespmem:v9+s20+$0x0], $0xffff;
	[tilespmem:v0+s22+$0x0] =	vst.idx.msk $0xffff, v11  }
0x154: {  	v14 =	vlaneseq.u32;
	s23 =	simm.s32 $0x30;
	v63 =	vor.u32 $0x5D, v41;
	v0 =	vld.idx.msk [tilespmem:v5+s16+$0x0], $0xffff;
	[tilespmem:v7+s22+$0x0] =	vst.idx.msk $0xffff, v4;
	v4 =	vor.u32 v25, v46  }
0x155: {  	v9 =	vor.u32 s23, v14;
	v5 =	vor.u32 v27, v45;
	v7 =	vld.idx.msk [tilespmem:v10+s16+$0x0], $0xffff;
	[tilespmem:v13+s22+$0x0] =	vst.idx.msk $0xffff, v8;
	v8 =	vor.u32 $0x2, v49  }
0x156: {  	v11 =	vor.u32 v63, v44;
	v13 =	vshll.u32 v9, $0x2;
	v10 =	vld.idx.msk [tilespmem:v12+s16+$0x0], $0xffff;
	v12 =	vadd.s32 $0x8, v48  }
0x157: {  	v13 =	vand.u32 $0x1FC, v13  }
0x158: {  	v14 =	vadd.s32 $0xE, v1;
	v13 =	vor.u32 v19, v13  }
0x159: {  	[tilespmem:v4+s22+$0x0] =	vst.idx.msk $0xffff, v0;
	v0 =	vor.u32 $0x1, v13  }
0x15a: {  	[tilespmem:v5+s22+$0x0] =	vst.idx.msk $0xffff, v7;
	v4 =	vld.idx.msk [tilespmem:v8+s16+$0x0], $0xffff;
	v5 =	vor.u32 v15, v46  }
0x15b: {  	v8 =	vor.u32 $0x3, v49;
	[tilespmem:v11+s22+$0x0] =	vst.idx.msk $0xffff, v10;
	v7 =	vld.idx.msk [tilespmem:v12+s16+$0x0], $0xffff;
	v10 =	vor.u32 v20, v45  }
0x15c: {  	v58 =	vor.u32 $0x5E, v41;
	v12 =	vadd.s32 $0x9, v48  }
0x15d: {  	v11 =	vld.idx.msk [tilespmem:v14+s16+$0x0], $0xffff;
	v14 =	vor.u32 v58, v44  }
0x15e: {  	v18 =	vmov v15;
	v15 =	vadd.s32 $0xF, v1;
	v0 =	vld.idx.msk [tilespmem:v0+s20+$0x0], $0xffff  }
0x15f: {  	[tilespmem:v5+s22+$0x0] =	vst.idx.msk $0xffff, v4  }
0x160: {  	v5 =	vor.u32 v21, v46;
	v4 =	vld.idx.msk [tilespmem:v8+s16+$0x0], $0xffff;
	[tilespmem:v10+s22+$0x0] =	vst.idx.msk $0xffff, v7  }
0x161: {  	v8 =	vor.u32 $0x4, v49;
	v10 =	vor.u32 v34, v45;
	v7 =	vld.idx.msk [tilespmem:v12+s16+$0x0], $0xffff  }
0x162: {  	v35 =	vor.u32 $0x5F, v41;
	[tilespmem:v14+s22+$0x0] =	vst.idx.msk $0xffff, v11;
	v12 =	vadd.s32 $0xA, v48  }
0x163: {  	v14 =	vor.u32 v35, v44;
	v11 =	vld.idx.msk [tilespmem:v15+s16+$0x0], $0xffff;
	v0 =	vmul.f32 $2.880000000e+02, v0  }
0x164: {  	v15 =	vadd.s32 $0x10, v1  }
0x165: {  	[tilespmem:v5+s22+$0x0] =	vst.idx.msk $0xffff, v4;
	v0 =	vtrunc.f32 v0  }
0x166: {  	v5 =	vor.u32 v22, v46;
	v4 =	vld.idx.msk [tilespmem:v8+s16+$0x0], $0xffff;
	[tilespmem:v10+s22+$0x0] =	vst.idx.msk $0xffff, v7;
	v0 =	vcvt.f32.s32 v0  }
0x167: {  	v8 =	vor.u32 $0x5, v49;
	v10 =	vor.u32 v38, v45;
	v7 =	vld.idx.msk [tilespmem:v12+s16+$0x0], $0xffff  }
0x168: {  	v36 =	vor.u32 $0x60, v41;
	[tilespmem:v14+s22+$0x0] =	vst.idx.msk $0xffff, v11;
	v12 =	vadd.s32 $0xB, v48;
	vm13 =	vgt.s32 v0, $0x0  }
0x169: {  	v14 =	vor.u32 v36, v44;
	v11 =	vld.idx.msk [tilespmem:v15+s16+$0x0], $0xffff;
	v0 =	vnsel vm13, $0x0, v0  }
0x16a: {  	v15 =	vadd.s32 $0x11, v1;
	v0 =	vmin.u32 v0, $0x11F  }
0x16b: {  	[tilespmem:v5+s22+$0x0] =	vst.idx.msk $0xffff, v4;
	v56 =	vmul.u32 $0x18, v0  }
0x16c: {  	v4 =	vor.u32 v26, v46;
	v0 =	vld.idx.msk [tilespmem:v8+s16+$0x0], $0xffff;
	[tilespmem:v10+s22+$0x0] =	vst.idx.msk $0xffff, v7  }
0x16d: {  	v7 =	vor.u32 v28, v45;
	v8 =	vor.u32 $0x6, v49;
	v5 =	vld.idx.msk [tilespmem:v12+s16+$0x0], $0xffff  }
0x16e: {  	v50 =	vor.u32 $0x61, v41;
	v9 =	vadd.s32 v31, v9;
	v16 =	vor.u32 $0x2, v13;
	[tilespmem:v14+s22+$0x0] =	vst.idx.msk $0xffff, v11  }
0x16f: {  	v9 =	vshll.u32 v9, $0x8;
	v10 =	vor.u32 v50, v44;
	v12 =	vadd.s32 $0xC, v48;
	v11 =	vld.idx.msk [tilespmem:v15+s16+$0x0], $0xffff  }
0x170: {  	v47 =	vand.u32 $0x7FFFF800, v9;
	v14 =	vadd.s32 $0x12, v1  }
0x171: {  	v9 =	vor.u32 $0x3, v13;
	v13 =	vld.idx.msk [tilespmem:v56+s16+$0x0], $0xffff;
	[tilespmem:v4+s22+$0x0] =	vst.idx.msk $0xffff, v0;
	v0 =	vor.u32 v23, v47  }
0x172: {  	v4 =	vld.idx.msk [tilespmem:v8+s16+$0x0], $0xffff;
	[tilespmem:v7+s22+$0x0] =	vst.idx.msk $0xffff, v5;
	v5 =	vor.u32 $0x1, v56;
	v7 =	vor.u32 v57, v46  }
0x173: {  	v59 =	vld.idx.msk [tilespmem:v16+s20+$0x0], $0xffff  }
0x174: {  	v37 =	vor.u32 $0x62, v41;
	v8 =	vld.idx.msk [tilespmem:v12+s16+$0x0], $0xffff;
	[tilespmem:v10+s22+$0x0] =	vst.idx.msk $0xffff, v11;
	v10 =	vor.u32 $0x7, v49;
	v11 =	vor.u32 v62, v45  }
0x175: {  	v15 =	vor.u32 v37, v44;
	v12 =	vld.idx.msk [tilespmem:v14+s16+$0x0], $0xffff;
	v14 =	vadd.s32 $0xD, v48  }
0x176: {  	v60 =	vld.idx.msk [tilespmem:v9+s20+$0x0], $0xffff;
	v9 =	vadd.s32 $0x13, v1;
	[tilespmem:v0+s22+$0x0] =	vst.idx.msk $0xffff, v13  }
0x177: {  	v0 =	vld.idx.msk [tilespmem:v5+s16+$0x0], $0xffff;
	[tilespmem:v7+s22+$0x0] =	vst.idx.msk $0xffff, v4;
	v4 =	vor.u32 v25, v47;
	_ =	sdelay $0x1  }
0x178: {  	v17 =	vlaneseq.u32;
	v7 =	vor.u32 $0x2, v56;
	v5 =	vld.idx.msk [tilespmem:v10+s16+$0x0], $0xffff;
	[tilespmem:v11+s22+$0x0] =	vst.idx.msk $0xffff, v8;
	v8 =	vor.u32 v27, v46  }
0x179: {  	s24 =	simm.s32 $0x40;
	v61 =	vor.u32 $0x63, v41;
	v10 =	vor.u32 v63, v45;
	v13 =	vld.idx.msk [tilespmem:v14+s16+$0x0], $0xffff;
	[tilespmem:v15+s22+$0x0] =	vst.idx.msk $0xffff, v12;
	v12 =	vadd.s32 $0x8, v49  }
0x17a: {  	v16 =	vadd.s32 $0xE, v48;
	v11 =	vor.u32 s24, v17;
	v15 =	vor.u32 v61, v44;
	v9 =	vld.idx.msk [tilespmem:v9+s16+$0x0], $0xffff  }
0x17b: {  	v14 =	vshll.u32 v11, $0x2;
	[tilespmem:v4+s22+$0x0] =	vst.idx.msk $0xffff, v0;
	v0 =	vadd.s32 $0x14, v1  }
0x17c: {  	v14 =	vand.u32 $0x1FC, v14  }
0x17d: {  	v17 =	vor.u32 v18, v47;
	v4 =	vor.u32 v19, v14;
	v7 =	vld.idx.msk [tilespmem:v7+s16+$0x0], $0xffff;
	[tilespmem:v8+s22+$0x0] =	vst.idx.msk $0xffff, v5  }
0x17e: {  	v5 =	vor.u32 $0x3, v56;
	[tilespmem:v10+s22+$0x0] =	vst.idx.msk $0xffff, v13;
	v8 =	vld.idx.msk [tilespmem:v12+s16+$0x0], $0xffff;
	v10 =	vor.u32 v20, v46  }
0x17f: {  	v14 =	vor.u32 $0x1, v4;
	v13 =	vor.u32 v58, v45;
	[tilespmem:v15+s22+$0x0] =	vst.idx.msk $0xffff, v9;
	v9 =	vld.idx.msk [tilespmem:v16+s16+$0x0], $0xffff;
	v16 =	vor.u32 $0x64, v41  }
0x180: {  	v12 =	vadd.s32 $0x9, v49;
	v0 =	vld.idx.msk [tilespmem:v0+s16+$0x0], $0xffff;
	[tilespmem:$0x1FD80] =	vst v16;
	v16 =	vor.u32 v16, v44  }
0x181: {  	v15 =	vadd.s32 $0xF, v48  }
0x182: {  	v18 =	vadd.s32 $0x15, v1;
	[tilespmem:v17+s22+$0x0] =	vst.idx.msk $0xffff, v7  }
0x183: {  	v7 =	vor.u32 v21, v47;
	v5 =	vld.idx.msk [tilespmem:v5+s16+$0x0], $0xffff;
	[tilespmem:v10+s22+$0x0] =	vst.idx.msk $0xffff, v8  }
0x184: {  	v14 =	vld.idx.msk [tilespmem:v14+s20+$0x0], $0xffff;
	v8 =	vor.u32 $0x4, v56;
	[tilespmem:v13+s22+$0x0] =	vst.idx.msk $0xffff, v9  }
0x185: {  	v10 =	vld.idx.msk [tilespmem:v12+s16+$0x0], $0xffff;
	v9 =	vor.u32 v34, v46;
	[tilespmem:v16+s22+$0x0] =	vst.idx.msk $0xffff, v0  }
0x186: {  	v17 =	vor.u32 $0x65, v41;
	v12 =	vld.idx.msk [tilespmem:v15+s16+$0x0], $0xffff;
	[tilespmem:$0x1FD90] =	vst v35  }
0x187: {  	v13 =	vor.u32 v35, v45;
	v15 =	vld.idx.msk [tilespmem:v18+s16+$0x0], $0xffff;
	[tilespmem:$0x1FDA0] =	vst v17  }
0x188: {  	v0 =	vadd.s32 $0xA, v49;
	v17 =	vor.u32 v17, v44;
	[tilespmem:v7+s22+$0x0] =	vst.idx.msk $0xffff, v5  }
0x189: {  	v16 =	vadd.s32 $0x10, v48;
	v14 =	vmul.f32 $2.880000000e+02, v14;
	v7 =	vld.idx.msk [tilespmem:v8+s16+$0x0], $0xffff;
	[tilespmem:$0x1FDB0] =	vst v50  }
0x18a: {  	v52 =	vor.u32 $0x66, v41;
	v18 =	vadd.s32 $0x16, v1;
	[tilespmem:v9+s22+$0x0] =	vst.idx.msk $0xffff, v10  }
0x18b: {  	v5 =	vadd.s32 v31, v11;
	v11 =	vtrunc.f32 v14;
	[tilespmem:$0x1FDC0] =	vst v52  }
0x18c: {  	v14 =	vor.u32 v38, v46;
	v11 =	vcvt.f32.s32 v11;
	v10 =	vor.u32 v22, v47;
	[tilespmem:v13+s22+$0x0] =	vst.idx.msk $0xffff, v12  }
0x18d: {  	v3 =	vtrunc.f32 v3;
	v8 =	vor.u32 v50, v45;
	v0 =	vld.idx.msk [tilespmem:v0+s16+$0x0], $0xffff;
	v12 =	vor.u32 $0x5, v56;
	[tilespmem:v17+s22+$0x0] =	vst.idx.msk $0xffff, v15  }
0x18e: {  	v50 =	vadd.s32 $0xB, v49;
	vm14 =	vgt.s32 v11, $0x0;
	v15 =	vor.u32 v36, v45;
	v16 =	vld.idx.msk [tilespmem:v16+s16+$0x0], $0xffff;
	[tilespmem:$0x1FDD0] =	vst v36  }
0x18f: {  	v9 =	vor.u32 v52, v44;
	v52 =	vadd.s32 $0x11, v48;
	v11 =	vnsel vm14, $0x0, v11;
	v18 =	vld.idx.msk [tilespmem:v18+s16+$0x0], $0xffff  }
0x190: {  	v3 =	vcvt.f32.s32 v3;
	v1 =	vadd.s32 $0x17, v1;
	v11 =	vmin.u32 v11, $0x11F  }
0x191: {  	v2 =	vtrunc.f32 v2;
	v17 =	vor.u32 $0x2, v4;
	v13 =	vmul.u32 $0x18, v11;
	[tilespmem:v10+s22+$0x0] =	vst.idx.msk $0xffff, v7  }
0x192: {  	v43 =	vor.u32 $0x67, v41;
	v2 =	vcvt.f32.s32 v2;
	v7 =	vld.idx.msk [tilespmem:v12+s16+$0x0], $0xffff;
	[tilespmem:v14+s22+$0x0] =	vst.idx.msk $0xffff, v0;
	v0 =	vor.u32 v26, v47  }
0x193: {  	vm15 =	vgt.s32 v3, $0x0;
	v10 =	vor.u32 v28, v46;
	v12 =	vor.u32 $0x6, v56;
	v11 =	vld.idx.msk [tilespmem:v50+s16+$0x0], $0xffff;
	[tilespmem:v15+s22+$0x0] =	vst.idx.msk $0xffff, v16  }
0x194: {  	vm1 =	vgt.s32 v2, $0x0;
	v3 =	vadd.s32 $0xC, v49;
	v5 =	vshll.u32 v5, $0x8;
	v2 =	vld.idx.msk [tilespmem:v52+s16+$0x0], $0xffff;
	[tilespmem:v9+s22+$0x0] =	vst.idx.msk $0xffff, v18  }
0x195: {  	v4 =	vor.u32 $0x3, v4;
	v14 =	vsel vm1, $0x1, v24;
	v9 =	vsel vm15, $0x2, v24;
	v15 =	vld.idx.msk [tilespmem:v1+s16+$0x0], $0xffff;
	[tilespmem:$0x1FDE0] =	vst v43  }
0x196: {  	v16 =	vadd.s32 $0x12, v48;
	v9 =	vor.u32 v14, v9;
	v14 =	vor.u32 v43, v44;
	v1 =	vld.idx.msk [tilespmem:v17+s20+$0x0], $0xffff  }
0x197: {  	v50 =	vand.u32 $0x7FFFF800, v5;
	v52 =	vshll.u32 v9, $0x3;
	v5 =	vld.idx.msk [tilespmem:v13+s16+$0x0], $0xffff;
	[tilespmem:v0+s22+$0x0] =	vst.idx.msk $0xffff, v7  }
0x198: {  	v0 =	vor.u32 v23, v50;
	v7 =	vld.idx.msk [tilespmem:v12+s16+$0x0], $0xffff;
	[tilespmem:v10+s22+$0x0] =	vst.idx.msk $0xffff, v11  }
0x199: {  	v9 =	vor.u32 $0x1, v13;
	v10 =	vor.u32 v57, v47;
	v3 =	vld.idx.msk [tilespmem:v3+s16+$0x0], $0xffff  }
0x19a: {  	v11 =	vor.u32 v62, v46;
	[tilespmem:v8+s22+$0x0] =	vst.idx.msk $0xffff, v2;
	v8 =	vor.u32 $0x7, v56;
	v2 =	vld.idx.msk [tilespmem:v4+s20+$0x0], $0xffff  }
0x19b: {  	v17 =	vor.u32 $0x68, v41;
	v12 =	vld.idx.msk [tilespmem:v16+s16+$0x0], $0xffff;
	v16 =	vadd.s32 $0xD, v49;
	[tilespmem:v14+s22+$0x0] =	vst.idx.msk $0xffff, v15;
	v14 =	vor.u32 v37, v45  }
0x19c: {  	v15 =	vadd.s32 $0x13, v48;
	v4 =	vld.idx.msk [tilespmem:v52+s17+$0x0], $0xffff;
	[tilespmem:$0x1FDF0] =	vst v17;
	v17 =	vor.u32 v17, v44  }
0x19d: {  	[tilespmem:v0+s22+$0x0] =	vst.idx.msk $0xffff, v5;
	v0 =	vor.u32 $0x1, v52  }
0x19e: {  	v5 =	vld.idx.msk [tilespmem:v9+s16+$0x0], $0xffff;
	[tilespmem:v10+s22+$0x0] =	vst.idx.msk $0xffff, v7;
	v7 =	vor.u32 v25, v50  }
0x19f: {  	v8 =	vld.idx.msk [tilespmem:v8+s16+$0x0], $0xffff;
	[tilespmem:v11+s22+$0x0] =	vst.idx.msk $0xffff, v3;
	v3 =	vor.u32 v27, v47  }
0x1a0: {  	v11 =	vor.u32 v63, v46;
	v9 =	vld.idx.msk [tilespmem:v16+s16+$0x0], $0xffff;
	[tilespmem:v14+s22+$0x0] =	vst.idx.msk $0xffff, v12  }
0x1a1: {  	v15 =	vld.idx.msk [tilespmem:v15+s16+$0x0], $0xffff;
	[tilespmem:v17+s22+$0x0] =	vst.idx.msk $0xffff, v4;
	v4 =	vor.u32 $0x69, v41  }
0x1a2: {  	v18 =	vor.u32 v61, v45;
	v43 =	vmov v61;
	v61 =	vld.idx.msk [tilespmem:v0+s17+$0x0], $0xffff;
	[tilespmem:$0x1FE00] =	vst v4  }
0x1a3: {  	v10 =	vor.u32 $0x2, v13;
	[tilespmem:v7+s22+$0x0] =	vst.idx.msk $0xffff, v5  }
0x1a4: {  	v14 =	vadd.s32 $0x8, v56;
	[tilespmem:v3+s22+$0x0] =	vst.idx.msk $0xffff, v8  }
0x1a5: {  	s25 =	simm.s32 $0x50;
	v42 =	vmovc v34;
	v34 =	vmovc v27;
	v27 =	vmov v57;
	v57 =	vadd.s32 $0xE, v49;
	v12 =	vlaneseq.u32;
	[tilespmem:v11+s22+$0x0] =	vst.idx.msk $0xffff, v9  }
0x1a6: {  	v35 =	vmovc v37;
	v36 =	vmovc v63;
	v63 =	vadd.s32 $0x14, v48;
	v12 =	vor.u32 s25, v12;
	v37 =	vor.u32 v4, v44;
	v3 =	vld [tilespmem:$0x1FFD0]  }
0x1a7: {  	v0 =	vshll.u32 v12, $0x2  }
0x1a8: {  	v39 =	vmovc v62;
	v31 =	vmov v38;
	v38 =	vmov v28;
	v0 =	vand.u32 $0x1FC, v0;
	v16 =	vld.idx.msk [tilespmem:v10+s16+$0x0], $0xffff  }
0x1a9: {  	v28 =	vmovc v20;
	v4 =	vor.u32 $0x2, v52;
	v8 =	vor.u32 v19, v0;
	v10 =	vld.idx.msk [tilespmem:v14+s16+$0x0], $0xffff;
	v14 =	vor.u32 v20, v47  }
0x1aa: {  	v0 =	vor.u32 $0x1, v8;
	v9 =	vor.u32 v58, v46;
	[tilespmem:v18+s22+$0x0] =	vst.idx.msk $0xffff, v15;
	v7 =	vld.idx.msk [tilespmem:v57+s16+$0x0], $0xffff;
	v18 =	vor.u32 $0x3, v13  }
0x1ab: {  	s0 =	simm.s32 $0x60;
	v15 =	vadd.s32 $0x9, v56;
	[tilespmem:v37+s22+$0x0] =	vst.idx.msk $0xffff, v61;
	v37 =	vmov v58;
	v5 =	vld.idx.msk [tilespmem:v63+s16+$0x0], $0xffff;
	v17 =	vor.u32 v3, v50  }
.LBB2_5:
0x1ac: {  	v3 =	vld [tilespmem:$0x1FD80];
	_ =	sdelay $0x3  }
0x1ad: {  	v4 =	vld.idx.msk [tilespmem:v4+s17+$0x0], $0xffff  }
0x1ae: {  	v62 =	vadd.s32 $0xF, v49;
	v0 =	vld.idx.msk [tilespmem:v0+s20+$0x0], $0xffff;
	v63 =	vor.u32 v3, v45  }
0x1af: {  	v11 =	vor.u32 $0x6A, v41;
	v58 =	vadd.s32 $0x15, v48;
	v20 =	vld [tilespmem:$0x1FE20];
	[tilespmem:v17+s22+$0x0] =	vst.idx.msk $0xffff, v16  }
0x1b0: {  	v19 =	vor.u32 v11, v44;
	v17 =	vld.idx.msk [tilespmem:v18+s16+$0x0], $0xffff  }
0x1b1: {  	[tilespmem:v14+s22+$0x0] =	vst.idx.msk $0xffff, v10;
	v18 =	vld [tilespmem:$0x1FD90]  }
0x1b2: {  	v14 =	vld.idx.msk [tilespmem:v15+s16+$0x0], $0xffff;
	[tilespmem:v9+s22+$0x0] =	vst.idx.msk $0xffff, v7  }
0x1b3: {  	v15 =	vld.idx.msk [tilespmem:v62+s16+$0x0], $0xffff;
	[tilespmem:v63+s22+$0x0] =	vst.idx.msk $0xffff, v5  }
0x1b4: {  	v58 =	vld.idx.msk [tilespmem:v58+s16+$0x0], $0xffff  }
0x1b5: {  	[tilespmem:v19+s22+$0x0] =	vst.idx.msk $0xffff, v4;
	v19 =	vld [tilespmem:$0x1FDA0]  }
0x1b6: {  	v16 =	vor.u32 $0x3, v52;
	v10 =	vor.u32 v21, v50  }
0x1b7: {  	v7 =	vor.u32 $0x4, v13;
	v9 =	vor.u32 v42, v47  }
0x1b8: {  	v18 =	vor.u32 v18, v46;
	v5 =	vadd.s32 $0xA, v56  }
0x1b9: {  	v3 =	vor.u32 $0x6B, v41;
	v0 =	vmul.f32 $2.880000000e+02, v0  }
0x1ba: {  	v21 =	vld [tilespmem:$0x1FDD0];
	v12 =	vadd.s32 v20, v12;
	v4 =	vadd.s32 $0x10, v49;
	v19 =	vor.u32 v19, v45  }
0x1bb: {  	v62 =	vadd.s32 $0x16, v48;
	v0 =	vtrunc.f32 v0;
	v63 =	vor.u32 v3, v44;
	v16 =	vld.idx.msk [tilespmem:v16+s17+$0x0], $0xffff;
	[tilespmem:v10+s22+$0x0] =	vst.idx.msk $0xffff, v17  }
0x1bc: {  	v20 =	vor.u32 v22, v50;
	v0 =	vcvt.f32.s32 v0;
	v10 =	vor.u32 $0x4, v52;
	v7 =	vld.idx.msk [tilespmem:v7+s16+$0x0], $0xffff;
	[tilespmem:v9+s22+$0x0] =	vst.idx.msk $0xffff, v14  }
0x1bd: {  	v5 =	vld.idx.msk [tilespmem:v5+s16+$0x0], $0xffff;
	[tilespmem:v18+s22+$0x0] =	vst.idx.msk $0xffff, v15;
	v15 =	vor.u32 $0x5, v13;
	v18 =	vor.u32 v31, v47  }
0x1be: {  	vm0 =	vgt.s32 v0, $0x0;
	v14 =	vld [tilespmem:$0x1FDC0]  }
0x1bf: {  	v61 =	vor.u32 $0x6C, v41;
	v22 =	vadd.s32 $0x17, v48;
	v48 =	vmovc v49;
	v0 =	vnsel vm0, $0x0, v0;
	v4 =	vld.idx.msk [tilespmem:v4+s16+$0x0], $0xffff;
	[tilespmem:v19+s22+$0x0] =	vst.idx.msk $0xffff, v58  }
0x1c0: {  	v0 =	vmin.u32 v0, $0x11F;
	v19 =	vadd.s32 $0xB, v56;
	v58 =	vor.u32 v21, v46;
	v62 =	vld.idx.msk [tilespmem:v62+s16+$0x0], $0xffff;
	[tilespmem:v63+s22+$0x0] =	vst.idx.msk $0xffff, v16  }
0x1c1: {  	v21 =	vtrunc.f32 v51;
	v63 =	vadd.s32 $0x11, v49;
	v49 =	vmovc v56;
	v10 =	vld.idx.msk [tilespmem:v10+s17+$0x0], $0xffff;
	[tilespmem:v20+s22+$0x0] =	vst.idx.msk $0xffff, v7;
	v7 =	vtrunc.f32 v53  }
0x1c2: {  	v56 =	vmovc v13;
	v13 =	vmul.u32 $0x18, v0;
	v0 =	vld.idx.msk [tilespmem:v15+s16+$0x0], $0xffff;
	[tilespmem:v18+s22+$0x0] =	vst.idx.msk $0xffff, v5;
	v5 =	vcvt.f32.s32 v21;
	v7 =	vcvt.f32.s32 v7  }
0x1c3: {  	v17 =	vor.u32 v61, v44  }
0x1c4: {  	v14 =	vor.u32 v14, v45;
	vm15 =	vgt.s32 v5, $0x0;
	vm1 =	vgt.s32 v7, $0x0  }
0x1c5: {  	v9 =	vld [tilespmem:$0x1FDB0];
	v51 =	vmovc v54;
	v54 =	vmovc v59;
	v59 =	vmov v1;
	v1 =	vsel vm15, $0x2, v24;
	v7 =	vsel vm1, $0x1, v24  }
0x1c6: {  	v20 =	vor.u32 $0x5, v52;
	v7 =	vor.u32 v7, v1;
	v1 =	vld [tilespmem:$0x1FDE0];
	_ =	sdelay $0x1  }
0x1c7: {  	v16 =	vor.u32 $0x2, v8;
	v15 =	vor.u32 v26, v50;
	v18 =	vld.idx.msk [tilespmem:v19+s16+$0x0], $0xffff;
	[tilespmem:v58+s22+$0x0] =	vst.idx.msk $0xffff, v4  }
0x1c8: {  	v19 =	vor.u32 v38, v47;
	v4 =	vor.u32 $0x6, v56;
	v21 =	vld.idx.msk [tilespmem:v63+s16+$0x0], $0xffff;
	[tilespmem:v14+s22+$0x0] =	vst.idx.msk $0xffff, v62  }
0x1c9: {  	v9 =	vor.u32 v9, v46;
	v5 =	vadd.s32 $0xC, v49;
	v14 =	vld.idx.msk [tilespmem:v22+s16+$0x0], $0xffff;
	[tilespmem:v17+s22+$0x0] =	vst.idx.msk $0xffff, v10  }
0x1ca: {  	v10 =	vadd.s32 $0x12, v48;
	v20 =	vld.idx.msk [tilespmem:v20+s17+$0x0], $0xffff;
	v17 =	vor.u32 v1, v45  }
0x1cb: {  	v57 =	vor.u32 $0x6D, v41;
	v7 =	vshll.u32 v7, $0x3;
	v22 =	vld.idx.msk [tilespmem:v13+s16+$0x0], $0xffff  }
0x1cc: {  	v1 =	vld.idx.msk [tilespmem:v16+s20+$0x0], $0xffff;
	v16 =	vor.u32 v57, v44;
	[tilespmem:v15+s22+$0x0] =	vst.idx.msk $0xffff, v0  }
0x1cd: {  	v4 =	vld.idx.msk [tilespmem:v4+s16+$0x0], $0xffff;
	[tilespmem:v19+s22+$0x0] =	vst.idx.msk $0xffff, v18  }
0x1ce: {  	v5 =	vld.idx.msk [tilespmem:v5+s16+$0x0], $0xffff;
	[tilespmem:v9+s22+$0x0] =	vst.idx.msk $0xffff, v21  }
0x1cf: {  	v10 =	vld.idx.msk [tilespmem:v10+s16+$0x0], $0xffff;
	[tilespmem:v17+s22+$0x0] =	vst.idx.msk $0xffff, v14  }
0x1d0: {  	v12 =	vshll.u32 v12, $0x8;
	v19 =	vld.idx.msk [tilespmem:v7+s17+$0x0], $0xffff  }
0x1d1: {  	v58 =	vand.u32 $0x7FFFF800, v12;
	v0 =	vor.u32 $0x6, v52;
	[tilespmem:v16+s22+$0x0] =	vst.idx.msk $0xffff, v20;
	v20 =	vld [tilespmem:$0x1FDF0]  }
0x1d2: {  	v53 =	vmovc v55;
	v55 =	vmovc v60;
	v60 =	vmov v2;
	v2 =	vor.u32 $0x3, v8;
	v8 =	vor.u32 v23, v58  }
0x1d3: {  	v12 =	vor.u32 $0x1, v13;
	v15 =	vor.u32 v27, v50  }
0x1d4: {  	v18 =	vor.u32 v39, v47;
	v9 =	vor.u32 $0x7, v56  }
0x1d5: {  	v14 =	vadd.s32 $0xD, v49;
	v17 =	vor.u32 v35, v46  }
0x1d6: {  	v62 =	vor.u32 $0x6E, v41;
	v16 =	vadd.s32 $0x13, v48;
	v0 =	vld.idx.msk [tilespmem:v0+s17+$0x0], $0xffff;
	v20 =	vor.u32 v20, v45  }
0x1d7: {  	v21 =	vor.u32 v62, v44;
	v2 =	vld.idx.msk [tilespmem:v2+s20+$0x0], $0xffff;
	[tilespmem:v8+s22+$0x0] =	vst.idx.msk $0xffff, v22;
	v8 =	vor.u32 $0x1, v7  }
0x1d8: {  	v22 =	vld.idx.msk [tilespmem:v12+s16+$0x0], $0xffff;
	[tilespmem:v15+s22+$0x0] =	vst.idx.msk $0xffff, v4  }
0x1d9: {  	v9 =	vld.idx.msk [tilespmem:v9+s16+$0x0], $0xffff;
	[tilespmem:v18+s22+$0x0] =	vst.idx.msk $0xffff, v5  }
0x1da: {  	v14 =	vld.idx.msk [tilespmem:v14+s16+$0x0], $0xffff;
	[tilespmem:v17+s22+$0x0] =	vst.idx.msk $0xffff, v10  }
0x1db: {  	v4 =	vor.u32 $0x7, v52;
	v52 =	vmov v7;
	v7 =	vor.u32 v25, v58;
	v18 =	vld.idx.msk [tilespmem:v16+s16+$0x0], $0xffff;
	[tilespmem:v20+s22+$0x0] =	vst.idx.msk $0xffff, v19  }
0x1dc: {  	v5 =	vor.u32 v34, v50;
	v23 =	vld.idx.msk [tilespmem:v8+s17+$0x0], $0xffff;
	[tilespmem:v21+s22+$0x0] =	vst.idx.msk $0xffff, v0;
	v0 =	vlaneseq.u32  }
0x1dd: {  	v15 =	vor.u32 v36, v47;
	v10 =	vor.u32 $0x2, v13;
	v12 =	vor.u32 s0, v0;
	v0 =	vld [tilespmem:$0x1FE00]  }
0x1de: {  	v19 =	vadd.s32 $0x8, v56;
	v20 =	vor.u32 v43, v46  }
0x1df: {  	v21 =	vadd.s32 $0xE, v49  }
0x1e0: {  	v25 =	vld.idx.msk [tilespmem:v4+s17+$0x0], $0xffff;
	[tilespmem:v7+s22+$0x0] =	vst.idx.msk $0xffff, v22  }
0x1e1: {  	[tilespmem:v5+s22+$0x0] =	vst.idx.msk $0xffff, v9;
	v5 =	vld [tilespmem:$0x1FE10]  }
0x1e2: {  	v16 =	vld.idx.msk [tilespmem:v10+s16+$0x0], $0xffff;
	[tilespmem:v15+s22+$0x0] =	vst.idx.msk $0xffff, v14;
	v24 =	vor.u32 v0, v45  }
0x1e3: {  	v22 =	vadd.s32 $0x14, v48;
	v10 =	vld.idx.msk [tilespmem:v19+s16+$0x0], $0xffff;
	[tilespmem:v20+s22+$0x0] =	vst.idx.msk $0xffff, v18  }
0x1e4: {  	v63 =	vor.u32 $0x6F, v41;
	v7 =	vld.idx.msk [tilespmem:v21+s16+$0x0], $0xffff  }
0x1e5: {  	v26 =	vor.u32 v63, v44;
	v44 =	vmov v45;
	v21 =	vld [tilespmem:$0x1FF80]  }
0x1e6: {  	p1 =	sne.s32 s0, $0x70;
	v0 =	vshll.u32 v12, $0x2;
	v45 =	vmovc v46;
	v46 =	vmovc v47;
	v47 =	vmov v50;
	v50 =	vmov v58;
	v58 =	vld [tilespmem:$0x1FFD0]  }
.Ltmp1:
0x1e7: {  	v0 =	vand.u32 $0x1FC, v0;
	[tilespmem:v24+s22+$0x0] =	vst.idx.msk $0xffff, v23;
	v23 =	vld [tilespmem:$0x1FF60];
	(pc) =	sbr.rel @p1 .LBB2_5-.Ltmp1, $4  }
0x1e8: {  	v8 =	vor.u32 v5, v0;
	v5 =	vld.idx.msk [tilespmem:v22+s16+$0x0], $0xffff  }
0x1e9: {  	v4 =	vor.u32 $0x2, v52;
	v15 =	vadd.s32 $0x9, v56;
	v22 =	vld [tilespmem:$0x1FF90]  }
0x1ea: {  	v18 =	vor.u32 $0x3, v13;
	v14 =	vor.u32 v28, v47;
	v9 =	vor.u32 v37, v46;
	[tilespmem:v26+s22+$0x0] =	vst.idx.msk $0xffff, v25;
	v26 =	vld [tilespmem:$0x1FFA0]  }
0x1eb: {  	s0 =	sadd.s32 $0x10, s0;
	v0 =	vor.u32 $0x1, v8;
	v17 =	vor.u32 v58, v50;
	v24 =	vimm.s32 $0x0;
	v25 =	vld [tilespmem:$0x1FF70]  }
0x1ec: {  	_ =	sdelay $0x3  }
0x1ed: {  	v0 =	vld.idx.msk [tilespmem:v0+s20+$0x0], $0xffff;
	_ =	sdelay $0x4  }
0x1ee: {  	v0 =	vmul.f32 $2.880000000e+02, v0;
	_ =	sdelay $0x1  }
0x1ef: {  	v0 =	vtrunc.f32 v0  }
0x1f0: {  	v0 =	vcvt.f32.s32 v0;
	_ =	sdelay $0x1  }
0x1f1: {  	v41 =	vld [tilespmem:$0x1FE20];
	vm0 =	vgt.s32 v0, $0x0  }
0x1f2: {  	v0 =	vnsel vm0, $0x0, v0  }
0x1f3: {  	v0 =	vmin.u32 v0, $0x11F  }
0x1f4: {  	v20 =	vmul.u32 $0x18, v0;
	_ =	sdelay $0x1  }
0x1f5: {  	v0 =	vadd.s32 v41, v12;
	v41 =	vor.u32 $0x2, v8  }
0x1f6: {  	[tilespmem:$0x1FD40] =	vst v41  }
0x1f7: {  	v41 =	vld [tilespmem:$0x1FD40];
	_ =	sdelay $0x1  }
0x1f8: {  	v12 =	vor.u32 $0x3, v8;
	v8 =	vld.idx.msk [tilespmem:v20+s16+$0x0], $0xffff;
	_ =	sdelay $0x4  }
0x1f9: {  	[tilespmem:$0x1FD50] =	vst v8  }
0x1fa: {  	v8 =	vld.idx.msk [tilespmem:v41+s20+$0x0], $0xffff;
	_ =	sdelay $0x4  }
0x1fb: {  	[tilespmem:$0x1FD60] =	vst v8  }
0x1fc: {  	v12 =	vld.idx.msk [tilespmem:v12+s20+$0x0], $0xffff;
	_ =	sdelay $0x2  }
0x1fd: {  	v0 =	vshll.u32 v0, $0x8  }
0x1fe: {  	v19 =	vand.u32 $0x7FFFF800, v0  }
0x1ff: {  	v23 =	vor.u32 v23, v19;
	[tilespmem:$0x1FD70] =	vst v12;
	v12 =	vld [tilespmem:$0x1FD50]  }
0x200: {  	v0 =	vor.u32 $0x1, v20;
	_ =	sdelay $0x3  }
0x201: {  	[tilespmem:v23+s22+$0x0] =	vst.idx.msk $0xffff, v12  }
0x202: {  	v8 =	vor.u32 v25, v19;
	v0 =	vld.idx.msk [tilespmem:v0+s16+$0x0], $0xffff  }
0x203: {  	v41 =	vor.u32 $0x2, v20;
	_ =	sdelay $0x3  }
0x204: {  	[tilespmem:v8+s22+$0x0] =	vst.idx.msk $0xffff, v0  }
0x205: {  	v0 =	vld.idx.msk [tilespmem:v41+s16+$0x0], $0xffff;
	v41 =	vor.u32 v58, v19  }
0x206: {  	v58 =	vor.u32 $0x3, v20;
	_ =	sdelay $0x2  }
0x207: {  	[tilespmem:v17+s22+$0x0] =	vst.idx.msk $0xffff, v16  }
0x208: {  	v17 =	vor.u32 v21, v50;
	v16 =	vld.idx.msk [tilespmem:v18+s16+$0x0], $0xffff;
	[tilespmem:v41+s22+$0x0] =	vst.idx.msk $0xffff, v0  }
0x209: {  	v18 =	vor.u32 $0x4, v13;
	v41 =	vor.u32 v21, v19;
	v0 =	vld.idx.msk [tilespmem:v58+s16+$0x0], $0xffff  }
0x20a: {  	v58 =	vor.u32 $0x4, v20;
	_ =	sdelay $0x2  }
0x20b: {  	[tilespmem:v17+s22+$0x0] =	vst.idx.msk $0xffff, v16  }
0x20c: {  	v17 =	vor.u32 v22, v50;
	v16 =	vld.idx.msk [tilespmem:v18+s16+$0x0], $0xffff;
	[tilespmem:v41+s22+$0x0] =	vst.idx.msk $0xffff, v0  }
0x20d: {  	v18 =	vor.u32 $0x5, v13;
	v41 =	vor.u32 v22, v19;
	v0 =	vld.idx.msk [tilespmem:v58+s16+$0x0], $0xffff  }
0x20e: {  	v58 =	vor.u32 $0x5, v20;
	_ =	sdelay $0x2  }
0x20f: {  	[tilespmem:v17+s22+$0x0] =	vst.idx.msk $0xffff, v16  }
0x210: {  	v17 =	vor.u32 v26, v50;
	v16 =	vld.idx.msk [tilespmem:v18+s16+$0x0], $0xffff;
	[tilespmem:v41+s22+$0x0] =	vst.idx.msk $0xffff, v0  }
0x211: {  	v18 =	vor.u32 $0x6, v13;
	v41 =	vor.u32 v26, v19;
	v0 =	vld.idx.msk [tilespmem:v58+s16+$0x0], $0xffff  }
0x212: {  	v58 =	vor.u32 $0x6, v20;
	_ =	sdelay $0x2  }
0x213: {  	[tilespmem:v17+s22+$0x0] =	vst.idx.msk $0xffff, v16  }
0x214: {  	v17 =	vor.u32 v27, v50;
	v16 =	vld.idx.msk [tilespmem:v18+s16+$0x0], $0xffff;
	[tilespmem:v41+s22+$0x0] =	vst.idx.msk $0xffff, v0  }
0x215: {  	v18 =	vor.u32 $0x7, v13;
	v41 =	vor.u32 v27, v19;
	v0 =	vld.idx.msk [tilespmem:v58+s16+$0x0], $0xffff  }
0x216: {  	v58 =	vor.u32 $0x7, v20;
	_ =	sdelay $0x2  }
0x217: {  	[tilespmem:v17+s22+$0x0] =	vst.idx.msk $0xffff, v16  }
0x218: {  	v17 =	vor.u32 v34, v50;
	v16 =	vld.idx.msk [tilespmem:v18+s16+$0x0], $0xffff;
	[tilespmem:v41+s22+$0x0] =	vst.idx.msk $0xffff, v0  }
0x219: {  	v34 =	vor.u32 v34, v19;
	v18 =	vadd.s32 $0x8, v13;
	v0 =	vld.idx.msk [tilespmem:v58+s16+$0x0], $0xffff  }
0x21a: {  	v41 =	vadd.s32 $0x8, v20;
	_ =	sdelay $0x2  }
0x21b: {  	[tilespmem:v17+s22+$0x0] =	vst.idx.msk $0xffff, v16  }
0x21c: {  	v17 =	vor.u32 v28, v50;
	v16 =	vld.idx.msk [tilespmem:v18+s16+$0x0], $0xffff;
	[tilespmem:v34+s22+$0x0] =	vst.idx.msk $0xffff, v0  }
0x21d: {  	v8 =	vor.u32 v28, v19;
	v18 =	vadd.s32 $0x9, v13;
	v0 =	vld.idx.msk [tilespmem:v41+s16+$0x0], $0xffff  }
0x21e: {  	v58 =	vadd.s32 $0x9, v20;
	_ =	sdelay $0x1  }
0x21f: {  	[tilespmem:v14+s22+$0x0] =	vst.idx.msk $0xffff, v10  }
0x220: {  	v14 =	vor.u32 v42, v47;
	v10 =	vld.idx.msk [tilespmem:v15+s16+$0x0], $0xffff;
	[tilespmem:v17+s22+$0x0] =	vst.idx.msk $0xffff, v16  }
0x221: {  	v17 =	vor.u32 v42, v50;
	v16 =	vld.idx.msk [tilespmem:v18+s16+$0x0], $0xffff;
	v41 =	vadd.s32 $0xA, v56;
	[tilespmem:v8+s22+$0x0] =	vst.idx.msk $0xffff, v0  }
0x222: {  	v0 =	vadd.s32 $0xA, v13;
	v8 =	vld.idx.msk [tilespmem:v58+s16+$0x0], $0xffff;
	v58 =	vor.u32 v42, v19  }
0x223: {  	v18 =	vadd.s32 $0xA, v20;
	_ =	sdelay $0x1  }
0x224: {  	[tilespmem:v14+s22+$0x0] =	vst.idx.msk $0xffff, v10  }
0x225: {  	[tilespmem:v17+s22+$0x0] =	vst.idx.msk $0xffff, v16;
	v10 =	vld.idx.msk [tilespmem:v41+s16+$0x0], $0xffff;
	v41 =	vor.u32 v31, v47  }
0x226: {  	v16 =	vor.u32 v31, v50;
	v42 =	vadd.s32 $0xB, v56;
	v0 =	vld.idx.msk [tilespmem:v0+s16+$0x0], $0xffff;
	[tilespmem:v58+s22+$0x0] =	vst.idx.msk $0xffff, v8  }
0x227: {  	v17 =	vor.u32 v31, v19;
	v58 =	vadd.s32 $0xB, v13;
	v12 =	vld.idx.msk [tilespmem:v18+s16+$0x0], $0xffff  }
0x228: {  	v18 =	vadd.s32 $0xB, v20;
	_ =	sdelay $0x1  }
0x229: {  	[tilespmem:v41+s22+$0x0] =	vst.idx.msk $0xffff, v10  }
0x22a: {  	v14 =	vor.u32 v38, v47;
	v10 =	vld.idx.msk [tilespmem:v42+s16+$0x0], $0xffff;
	[tilespmem:v16+s22+$0x0] =	vst.idx.msk $0xffff, v0  }
0x22b: {  	v41 =	vadd.s32 $0xC, v56;
	v42 =	vor.u32 v38, v50;
	v8 =	vld.idx.msk [tilespmem:v58+s16+$0x0], $0xffff;
	[tilespmem:v17+s22+$0x0] =	vst.idx.msk $0xffff, v12  }
0x22c: {  	v58 =	vadd.s32 $0xC, v13;
	v17 =	vor.u32 v38, v19;
	v16 =	vld.idx.msk [tilespmem:v18+s16+$0x0], $0xffff  }
0x22d: {  	v18 =	vadd.s32 $0xC, v20;
	_ =	sdelay $0x1  }
0x22e: {  	[tilespmem:v14+s22+$0x0] =	vst.idx.msk $0xffff, v10  }
0x22f: {  	v0 =	vld.idx.msk [tilespmem:v41+s16+$0x0], $0xffff;
	v41 =	vor.u32 v39, v47;
	[tilespmem:v42+s22+$0x0] =	vst.idx.msk $0xffff, v8  }
0x230: {  	v42 =	vadd.s32 $0xD, v56;
	v12 =	vld.idx.msk [tilespmem:v58+s16+$0x0], $0xffff;
	v58 =	vor.u32 v39, v50;
	[tilespmem:v17+s22+$0x0] =	vst.idx.msk $0xffff, v16  }
0x231: {  	v38 =	vadd.s32 $0xD, v13;
	v17 =	vor.u32 v39, v19;
	v16 =	vld.idx.msk [tilespmem:v18+s16+$0x0], $0xffff  }
0x232: {  	v18 =	vadd.s32 $0xD, v20;
	_ =	sdelay $0x1  }
0x233: {  	[tilespmem:v41+s22+$0x0] =	vst.idx.msk $0xffff, v0  }
0x234: {  	v41 =	vor.u32 v36, v47;
	v0 =	vld.idx.msk [tilespmem:v42+s16+$0x0], $0xffff;
	[tilespmem:v58+s22+$0x0] =	vst.idx.msk $0xffff, v12  }
0x235: {  	v58 =	vor.u32 v36, v50;
	v12 =	vld.idx.msk [tilespmem:v38+s16+$0x0], $0xffff;
	[tilespmem:v17+s22+$0x0] =	vst.idx.msk $0xffff, v16  }
0x236: {  	v42 =	vadd.s32 $0xE, v56;
	v17 =	vor.u32 v36, v19;
	v16 =	vld.idx.msk [tilespmem:v18+s16+$0x0], $0xffff;
	_ =	sdelay $0x1  }
0x237: {  	[tilespmem:v9+s22+$0x0] =	vst.idx.msk $0xffff, v7  }
0x238: {  	[tilespmem:v41+s22+$0x0] =	vst.idx.msk $0xffff, v0  }
0x239: {  	v38 =	vadd.s32 $0xE, v13;
	[tilespmem:v58+s22+$0x0] =	vst.idx.msk $0xffff, v12  }
0x23a: {  	v18 =	vadd.s32 $0xE, v20;
	v8 =	vld.idx.msk [tilespmem:v42+s16+$0x0], $0xffff;
	[tilespmem:v17+s22+$0x0] =	vst.idx.msk $0xffff, v16  }
0x23b: {  	v39 =	vadd.s32 $0xF, v49;
	v42 =	vld [tilespmem:$0x1FD90];
	_ =	sdelay $0x1  }
0x23c: {  	v10 =	vor.u32 v37, v47  }
0x23d: {  	v15 =	vor.u32 v37, v50;
	v14 =	vld.idx.msk [tilespmem:v38+s16+$0x0], $0xffff  }
0x23e: {  	v17 =	vld.idx.msk [tilespmem:v18+s16+$0x0], $0xffff;
	v18 =	vor.u32 v37, v19  }
0x23f: {  	v0 =	vld.idx.msk [tilespmem:v39+s16+$0x0], $0xffff;
	v58 =	vor.u32 v42, v46;
	_ =	sdelay $0x1  }
0x240: {  	[tilespmem:v10+s22+$0x0] =	vst.idx.msk $0xffff, v8  }
0x241: {  	v12 =	vadd.s32 $0xF, v56;
	[tilespmem:v15+s22+$0x0] =	vst.idx.msk $0xffff, v14  }
0x242: {  	v16 =	vadd.s32 $0xF, v13;
	[tilespmem:v18+s22+$0x0] =	vst.idx.msk $0xffff, v17  }
0x243: {  	v41 =	vadd.s32 $0xF, v20;
	[tilespmem:v58+s22+$0x0] =	vst.idx.msk $0xffff, v0  }
0x244: {  	v34 =	vmov v19;
	v36 =	vadd.s32 $0x10, v49;
	v18 =	vor.u32 v42, v19;
	v19 =	vld [tilespmem:$0x1FDD0];
	_ =	sdelay $0x1  }
0x245: {  	v10 =	vld.idx.msk [tilespmem:v12+s16+$0x0], $0xffff;
	v38 =	vor.u32 v42, v47  }
0x246: {  	v15 =	vld.idx.msk [tilespmem:v16+s16+$0x0], $0xffff;
	v16 =	vor.u32 v42, v50  }
0x247: {  	v39 =	vadd.s32 $0x10, v56;
	v7 =	vld.idx.msk [tilespmem:v41+s16+$0x0], $0xffff  }
0x248: {  	v41 =	vadd.s32 $0x10, v20;
	v8 =	vld.idx.msk [tilespmem:v36+s16+$0x0], $0xffff;
	v42 =	vor.u32 v19, v46;
	_ =	sdelay $0x1  }
0x249: {  	v17 =	vadd.s32 $0x10, v13;
	[tilespmem:v38+s22+$0x0] =	vst.idx.msk $0xffff, v10  }
0x24a: {  	[tilespmem:v16+s22+$0x0] =	vst.idx.msk $0xffff, v15  }
0x24b: {  	[tilespmem:v18+s22+$0x0] =	vst.idx.msk $0xffff, v7;
	v12 =	vld.idx.msk [tilespmem:v39+s16+$0x0], $0xffff  }
0x24c: {  	v0 =	vld.idx.msk [tilespmem:v41+s16+$0x0], $0xffff;
	[tilespmem:v42+s22+$0x0] =	vst.idx.msk $0xffff, v8  }
0x24d: {  	v10 =	vadd.s32 $0x11, v49;
	v58 =	vor.u32 v19, v47;
	v41 =	vld [tilespmem:$0x1FDB0]  }
0x24e: {  	v15 =	vadd.s32 $0x11, v56;
	v16 =	vld.idx.msk [tilespmem:v17+s16+$0x0], $0xffff;
	v17 =	vor.u32 v19, v50  }
0x24f: {  	v7 =	vadd.s32 $0x11, v13  }
0x250: {  	v18 =	vor.u32 v19, v34  }
0x251: {  	v8 =	vadd.s32 $0x11, v20  }
0x252: {  	v10 =	vld.idx.msk [tilespmem:v10+s16+$0x0], $0xffff;
	[tilespmem:v58+s22+$0x0] =	vst.idx.msk $0xffff, v12;
	v42 =	vor.u32 v41, v46  }
0x253: {  	v58 =	vadd.s32 $0x12, v49;
	[tilespmem:v17+s22+$0x0] =	vst.idx.msk $0xffff, v16;
	v15 =	vld.idx.msk [tilespmem:v15+s16+$0x0], $0xffff;
	v36 =	vor.u32 v41, v47  }
0x254: {  	v16 =	vadd.s32 $0x12, v56;
	v7 =	vld.idx.msk [tilespmem:v7+s16+$0x0], $0xffff;
	v17 =	vor.u32 v41, v50  }
0x255: {  	v19 =	vadd.s32 $0x12, v13;
	[tilespmem:v18+s22+$0x0] =	vst.idx.msk $0xffff, v0  }
0x256: {  	v8 =	vld.idx.msk [tilespmem:v8+s16+$0x0], $0xffff;
	v37 =	vor.u32 v41, v34  }
0x257: {  	v38 =	vadd.s32 $0x12, v20;
	[tilespmem:v42+s22+$0x0] =	vst.idx.msk $0xffff, v10  }
0x258: {  	v39 =	vor.u32 v35, v46;
	[tilespmem:v36+s22+$0x0] =	vst.idx.msk $0xffff, v15;
	v10 =	vld.idx.msk [tilespmem:v58+s16+$0x0], $0xffff  }
0x259: {  	v41 =	vadd.s32 $0x13, v49;
	[tilespmem:v17+s22+$0x0] =	vst.idx.msk $0xffff, v7;
	v15 =	vld.idx.msk [tilespmem:v16+s16+$0x0], $0xffff  }
0x25a: {  	v16 =	vor.u32 v35, v47;
	v17 =	vld.idx.msk [tilespmem:v19+s16+$0x0], $0xffff  }
0x25b: {  	v18 =	vor.u32 v35, v50;
	v42 =	vadd.s32 $0x13, v56;
	v31 =	vld [tilespmem:$0x1FD80];
	[tilespmem:v37+s22+$0x0] =	vst.idx.msk $0xffff, v8  }
0x25c: {  	v25 =	vmov v20;
	v21 =	vor.u32 v35, v34;
	v20 =	vadd.s32 $0x13, v13;
	v9 =	vld.idx.msk [tilespmem:v38+s16+$0x0], $0xffff  }
0x25d: {  	v22 =	vtrunc.f32 v53;
	v53 =	vadd.s32 $0x13, v25;
	v28 =	vld [tilespmem:$0x1FDA0];
	[tilespmem:v39+s22+$0x0] =	vst.idx.msk $0xffff, v10  }
0x25e: {  	v51 =	vtrunc.f32 v51;
	v23 =	vor.u32 v43, v46;
	v22 =	vcvt.f32.s32 v22;
	v14 =	vld.idx.msk [tilespmem:v41+s16+$0x0], $0xffff  }
0x25f: {  	v0 =	vcvt.f32.s32 v51;
	[tilespmem:v16+s22+$0x0] =	vst.idx.msk $0xffff, v15  }
0x260: {  	vm1 =	vgt.s32 v22, $0x0;
	v58 =	vadd.s32 $0x14, v49;
	[tilespmem:v18+s22+$0x0] =	vst.idx.msk $0xffff, v17;
	v7 =	vld.idx.msk [tilespmem:v42+s16+$0x0], $0xffff;
	v41 =	vor.u32 v43, v47  }
0x261: {  	vm7 =	vgt.s32 v0, $0x0;
	v16 =	vadd.s32 $0x14, v56;
	v18 =	vor.u32 v43, v50;
	v17 =	vld.idx.msk [tilespmem:v20+s16+$0x0], $0xffff;
	[tilespmem:v21+s22+$0x0] =	vst.idx.msk $0xffff, v9  }
0x262: {  	v22 =	vsel vm1, $0x1, v24;
	v20 =	vsel vm7, $0x2, v24;
	v42 =	vadd.s32 $0x14, v13;
	v10 =	vld.idx.msk [tilespmem:v53+s16+$0x0], $0xffff  }
0x263: {  	v20 =	vor.u32 v22, v20;
	v22 =	vor.u32 v43, v34;
	v36 =	vld [tilespmem:$0x1FDC0];
	[tilespmem:v23+s22+$0x0] =	vst.idx.msk $0xffff, v14  }
0x264: {  	v19 =	vor.u32 v31, v45;
	v23 =	vadd.s32 $0x14, v25;
	v35 =	vld [tilespmem:$0x1FDE0]  }
0x265: {  	v12 =	vadd.s32 $0x15, v48;
	v51 =	vimm.s32 $0x0;
	v53 =	vor.u32 v31, v46;
	v26 =	vld.idx.msk [tilespmem:v58+s16+$0x0], $0xffff;
	[tilespmem:v41+s22+$0x0] =	vst.idx.msk $0xffff, v7  }
0x266: {  	v38 =	vtrunc.f32 v54;
	v54 =	vadd.s32 $0x16, v49;
	[tilespmem:v18+s22+$0x0] =	vst.idx.msk $0xffff, v17;
	v18 =	vor.u32 v31, v47;
	v16 =	vld.idx.msk [tilespmem:v16+s16+$0x0], $0xffff  }
0x267: {  	v58 =	vadd.s32 $0x15, v49;
	v17 =	vtrunc.f32 v55;
	v41 =	vor.u32 v31, v50;
	v9 =	vld.idx.msk [tilespmem:v42+s16+$0x0], $0xffff  }
0x268: {  	v39 =	vcvt.f32.s32 v38;
	[tilespmem:v22+s22+$0x0] =	vst.idx.msk $0xffff, v10;
	v42 =	vcvt.f32.s32 v17;
	v17 =	vadd.s32 $0x15, v13  }
0x269: {  	v0 =	vshll.u32 v20, $0x3;
	[tilespmem:v19+s22+$0x0] =	vst.idx.msk $0xffff, v5;
	v19 =	vadd.s32 $0x15, v56;
	v22 =	vor.u32 v31, v34;
	v20 =	vld.idx.msk [tilespmem:v23+s16+$0x0], $0xffff  }
0x26a: {  	v8 =	vor.u32 v28, v45;
	v21 =	vadd.s32 $0x16, v48;
	v55 =	vadd.s32 $0x15, v25;
	[tilespmem:v53+s22+$0x0] =	vst.idx.msk $0xffff, v26;
	v53 =	vld.idx.msk [tilespmem:v12+s16+$0x0], $0xffff  }
0x26b: {  	vm8 =	vgt.s32 v39, $0x0;
	v43 =	vor.u32 v28, v46;
	vm9 =	vgt.s32 v42, $0x0;
	[tilespmem:v18+s22+$0x0] =	vst.idx.msk $0xffff, v16  }
0x26c: {  	v26 =	vtrunc.f32 v60;
	v15 =	vld.idx.msk [tilespmem:v58+s16+$0x0], $0xffff;
	v16 =	vsel vm8, $0x2, v51;
	v18 =	vsel vm9, $0x1, v51;
	[tilespmem:v41+s22+$0x0] =	vst.idx.msk $0xffff, v9  }
0x26d: {  	v16 =	vor.u32 v18, v16;
	v18 =	vcvt.f32.s32 v26;
	v17 =	vld.idx.msk [tilespmem:v17+s16+$0x0], $0xffff;
	v26 =	vor.u32 v28, v50  }
0x26e: {  	v23 =	vtrunc.f32 v59;
	v59 =	vadd.s32 $0x16, v13;
	v58 =	vld.idx.msk [tilespmem:v19+s16+$0x0], $0xffff;
	v19 =	vor.u32 v28, v47;
	[tilespmem:v22+s22+$0x0] =	vst.idx.msk $0xffff, v20  }
0x26f: {  	v38 =	vor.u32 v28, v34;
	v22 =	vadd.s32 $0x16, v56;
	[tilespmem:v8+s22+$0x0] =	vst.idx.msk $0xffff, v53;
	v60 =	vld.idx.msk [tilespmem:v55+s16+$0x0], $0xffff  }
0x270: {  	v24 =	vor.u32 v36, v45;
	v41 =	vadd.s32 $0x16, v25;
	v42 =	vld.idx.msk [tilespmem:v21+s16+$0x0], $0xffff  }
0x271: {  	v1 =	vtrunc.f32 v1;
	[tilespmem:v43+s22+$0x0] =	vst.idx.msk $0xffff, v15  }
0x272: {  	v1 =	vcvt.f32.s32 v1;
	v37 =	vadd.s32 $0x17, v48;
	v23 =	vcvt.f32.s32 v23;
	[tilespmem:v26+s22+$0x0] =	vst.idx.msk $0xffff, v17;
	v12 =	vld.idx.msk [tilespmem:v54+s16+$0x0], $0xffff  }
0x273: {  	v20 =	vor.u32 v36, v46;
	[tilespmem:v19+s22+$0x0] =	vst.idx.msk $0xffff, v58;
	v7 =	vld.idx.msk [tilespmem:v59+s16+$0x0], $0xffff  }
0x274: {  	vm12 =	vgt.s32 v1, $0x0;
	v48 =	vor.u32 v36, v50;
	vm10 =	vgt.s32 v23, $0x0;
	v21 =	vld.idx.msk [tilespmem:v22+s16+$0x0], $0xffff;
	[tilespmem:v38+s22+$0x0] =	vst.idx.msk $0xffff, v60  }
0x275: {  	v39 =	vsel vm10, $0x2, v51;
	vm11 =	vgt.s32 v18, $0x0;
	v19 =	vor.u32 v36, v47;
	v15 =	vld.idx.msk [tilespmem:v41+s16+$0x0], $0xffff;
	[tilespmem:v24+s22+$0x0] =	vst.idx.msk $0xffff, v42  }
0x276: {  	v1 =	vshll.u32 v16, $0x3;
	v16 =	vor.u32 v36, v34;
	v18 =	vsel vm11, $0x1, v51;
	v51 =	vld [tilespmem:$0x1FD60]  }
0x277: {  	v14 =	vor.u32 v35, v45;
	v17 =	vadd.s32 $0x17, v49;
	v54 =	vld.idx.msk [tilespmem:v37+s16+$0x0], $0xffff  }
0x278: {  	v22 =	vld [tilespmem:$0x1FD70];
	[tilespmem:v20+s22+$0x0] =	vst.idx.msk $0xffff, v12  }
0x279: {  	[tilespmem:v48+s22+$0x0] =	vst.idx.msk $0xffff, v7  }
0x27a: {  	v49 =	vadd.s32 $0x17, v13;
	[tilespmem:v19+s22+$0x0] =	vst.idx.msk $0xffff, v21  }
0x27b: {  	v2 =	vtrunc.f32 v2;
	v53 =	vadd.s32 $0x17, v25;
	v43 =	vadd.s32 $0x17, v56;
	[tilespmem:v16+s22+$0x0] =	vst.idx.msk $0xffff, v15  }
0x27c: {  	v5 =	vor.u32 v18, v39;
	v18 =	vor.u32 v35, v46;
	v17 =	vld.idx.msk [tilespmem:v17+s16+$0x0], $0xffff;
	[tilespmem:v14+s22+$0x0] =	vst.idx.msk $0xffff, v54  }
0x27d: {  	v56 =	vor.u32 v35, v50;
	v60 =	vor.u32 v35, v34;
	v20 =	vor.u32 v35, v47;
	v35 =	vld [tilespmem:$0x1FDF0]  }
0x27e: {  	v2 =	vcvt.f32.s32 v2  }
0x27f: {  	v10 =	vld.idx.msk [tilespmem:v49+s16+$0x0], $0xffff  }
0x280: {  	vm13 =	vgt.s32 v2, $0x0;
	v8 =	vld.idx.msk [tilespmem:v43+s16+$0x0], $0xffff  }
0x281: {  	v24 =	vimm.s32 $0x0;
	v2 =	vtrunc.f32 v51;
	v22 =	vtrunc.f32 v22;
	v9 =	vld.idx.msk [tilespmem:v53+s16+$0x0], $0xffff  }
0x282: {  	v23 =	vcvt.f32.s32 v2;
	v22 =	vcvt.f32.s32 v22;
	v12 =	vld.idx.msk [tilespmem:v0+s17+$0x0], $0xffff;
	[tilespmem:v18+s22+$0x0] =	vst.idx.msk $0xffff, v17;
	v41 =	vor.u32 v35, v45  }
0x283: {  	v55 =	vsel vm12, $0x2, v24;
	v19 =	vsel vm13, $0x1, v24;
	v17 =	vld.idx.msk [tilespmem:v1+s17+$0x0], $0xffff;
	v18 =	vor.u32 v35, v46  }
0x284: {  	v2 =	vshll.u32 v5, $0x3;
	[tilespmem:v56+s22+$0x0] =	vst.idx.msk $0xffff, v10;
	vm14 =	vgt.s32 v23, $0x0;
	vm15 =	vgt.s32 v22, $0x0  }
0x285: {  	v5 =	vor.u32 v19, v55;
	[tilespmem:v20+s22+$0x0] =	vst.idx.msk $0xffff, v8;
	v58 =	vsel vm14, $0x2, v24;
	v16 =	vsel vm15, $0x1, v24  }
0x286: {  	v7 =	vshll.u32 v5, $0x3;
	v59 =	vor.u32 v16, v58;
	[tilespmem:v60+s22+$0x0] =	vst.idx.msk $0xffff, v9  }
0x287: {  	v5 =	vshll.u32 v59, $0x3;
	[tilespmem:v41+s22+$0x0] =	vst.idx.msk $0xffff, v12  }
0x288: {  	[tilespmem:v18+s22+$0x0] =	vst.idx.msk $0xffff, v17  }
0x289: {  	v16 =	vor.u32 $0x1, v0;
	v51 =	vld [tilespmem:$0x1FE00]  }
0x28a: {  	v42 =	vor.u32 $0x1, v1;
	v19 =	vld.idx.msk [tilespmem:v2+s17+$0x0], $0xffff;
	v20 =	vor.u32 v35, v47  }
0x28b: {  	v43 =	vor.u32 $0x1, v2;
	v21 =	vor.u32 v35, v50;
	v13 =	vld.idx.msk [tilespmem:v7+s17+$0x0], $0xffff  }
0x28c: {  	v48 =	vor.u32 $0x1, v7;
	v22 =	vor.u32 v35, v34;
	v15 =	vld.idx.msk [tilespmem:v5+s17+$0x0], $0xffff  }
0x28d: {  	v49 =	vor.u32 $0x1, v5  }
0x28e: {  	v14 =	vld.idx.msk [tilespmem:v16+s17+$0x0], $0xffff;
	v16 =	vor.u32 v51, v45  }
0x28f: {  	v17 =	vor.u32 $0x2, v0;
	v8 =	vld.idx.msk [tilespmem:v42+s17+$0x0], $0xffff;
	[tilespmem:v20+s22+$0x0] =	vst.idx.msk $0xffff, v19;
	v18 =	vor.u32 v51, v46  }
0x290: {  	v19 =	vor.u32 $0x2, v1;
	[tilespmem:v21+s22+$0x0] =	vst.idx.msk $0xffff, v13;
	v10 =	vld.idx.msk [tilespmem:v43+s17+$0x0], $0xffff;
	v53 =	vor.u32 v51, v47  }
0x291: {  	v20 =	vor.u32 $0x2, v2;
	v9 =	vld.idx.msk [tilespmem:v48+s17+$0x0], $0xffff;
	[tilespmem:v22+s22+$0x0] =	vst.idx.msk $0xffff, v15;
	v54 =	vor.u32 v51, v50  }
0x292: {  	v21 =	vor.u32 $0x2, v7;
	v12 =	vld.idx.msk [tilespmem:v49+s17+$0x0], $0xffff;
	v22 =	vor.u32 v51, v34  }
0x293: {  	v4 =	vld.idx.msk [tilespmem:v4+s17+$0x0], $0xffff;
	v55 =	vor.u32 v11, v44;
	[tilespmem:v16+s22+$0x0] =	vst.idx.msk $0xffff, v14;
	v16 =	vor.u32 $0x2, v5  }
0x294: {  	v56 =	vor.u32 $0x3, v52;
	[tilespmem:v18+s22+$0x0] =	vst.idx.msk $0xffff, v8;
	v18 =	vor.u32 v11, v45;
	v17 =	vld.idx.msk [tilespmem:v17+s17+$0x0], $0xffff  }
0x295: {  	v58 =	vor.u32 $0x3, v0;
	[tilespmem:v53+s22+$0x0] =	vst.idx.msk $0xffff, v10;
	v59 =	vld.idx.msk [tilespmem:v19+s17+$0x0], $0xffff;
	v19 =	vor.u32 v11, v46  }
0x296: {  	v60 =	vor.u32 $0x3, v1;
	[tilespmem:v54+s22+$0x0] =	vst.idx.msk $0xffff, v9;
	v35 =	vld.idx.msk [tilespmem:v20+s17+$0x0], $0xffff;
	v20 =	vor.u32 v11, v47  }
0x297: {  	v36 =	vor.u32 $0x3, v2;
	[tilespmem:v22+s22+$0x0] =	vst.idx.msk $0xffff, v12;
	v22 =	vor.u32 v11, v50;
	v21 =	vld.idx.msk [tilespmem:v21+s17+$0x0], $0xffff  }
0x298: {  	v39 =	vor.u32 v11, v34;
	v37 =	vor.u32 $0x3, v7;
	[tilespmem:v55+s22+$0x0] =	vst.idx.msk $0xffff, v4;
	v38 =	vld.idx.msk [tilespmem:v16+s17+$0x0], $0xffff  }
0x299: {  	v8 =	vld.idx.msk [tilespmem:v56+s17+$0x0], $0xffff;
	v16 =	vor.u32 v3, v44;
	[tilespmem:v18+s22+$0x0] =	vst.idx.msk $0xffff, v17;
	v17 =	vor.u32 $0x3, v5  }
0x29a: {  	v41 =	vor.u32 $0x4, v52;
	[tilespmem:v19+s22+$0x0] =	vst.idx.msk $0xffff, v59;
	v18 =	vor.u32 v3, v45;
	v10 =	vld.idx.msk [tilespmem:v58+s17+$0x0], $0xffff  }
0x29b: {  	v42 =	vor.u32 $0x4, v0;
	[tilespmem:v20+s22+$0x0] =	vst.idx.msk $0xffff, v35;
	v19 =	vor.u32 v3, v46;
	v9 =	vld.idx.msk [tilespmem:v60+s17+$0x0], $0xffff  }
0x29c: {  	[tilespmem:v22+s22+$0x0] =	vst.idx.msk $0xffff, v21;
	v20 =	vor.u32 $0x4, v1;
	v21 =	vor.u32 v3, v47;
	v12 =	vld.idx.msk [tilespmem:v36+s17+$0x0], $0xffff  }
0x29d: {  	v43 =	vor.u32 $0x4, v2;
	v48 =	vor.u32 v3, v50;
	v4 =	vld.idx.msk [tilespmem:v37+s17+$0x0], $0xffff;
	[tilespmem:v39+s22+$0x0] =	vst.idx.msk $0xffff, v38  }
0x29e: {  	v49 =	vor.u32 $0x4, v7;
	v51 =	vor.u32 v3, v34;
	[tilespmem:v16+s22+$0x0] =	vst.idx.msk $0xffff, v8;
	v16 =	vld.idx.msk [tilespmem:v17+s17+$0x0], $0xffff  }
0x29f: {  	v53 =	vor.u32 v61, v44;
	v13 =	vld.idx.msk [tilespmem:v41+s17+$0x0], $0xffff;
	v17 =	vor.u32 $0x4, v5;
	[tilespmem:v18+s22+$0x0] =	vst.idx.msk $0xffff, v10  }
0x2a0: {  	v54 =	vor.u32 $0x5, v52;
	[tilespmem:v19+s22+$0x0] =	vst.idx.msk $0xffff, v9;
	v18 =	vor.u32 v61, v45;
	v15 =	vld.idx.msk [tilespmem:v42+s17+$0x0], $0xffff  }
0x2a1: {  	v55 =	vor.u32 $0x5, v0;
	[tilespmem:v21+s22+$0x0] =	vst.idx.msk $0xffff, v12;
	v19 =	vor.u32 v61, v46;
	v20 =	vld.idx.msk [tilespmem:v20+s17+$0x0], $0xffff  }
0x2a2: {  	v56 =	vor.u32 $0x5, v1;
	v58 =	vor.u32 v61, v47;
	[tilespmem:v48+s22+$0x0] =	vst.idx.msk $0xffff, v4;
	v11 =	vld.idx.msk [tilespmem:v43+s17+$0x0], $0xffff  }
0x2a3: {  	v59 =	vor.u32 $0x5, v2;
	v8 =	vld.idx.msk [tilespmem:v49+s17+$0x0], $0xffff;
	[tilespmem:v51+s22+$0x0] =	vst.idx.msk $0xffff, v16;
	v16 =	vor.u32 v61, v50  }
0x2a4: {  	v35 =	vor.u32 v61, v34;
	v60 =	vor.u32 $0x5, v7;
	[tilespmem:v53+s22+$0x0] =	vst.idx.msk $0xffff, v13;
	v17 =	vld.idx.msk [tilespmem:v17+s17+$0x0], $0xffff  }
0x2a5: {  	v36 =	vor.u32 v57, v44;
	v9 =	vld.idx.msk [tilespmem:v54+s17+$0x0], $0xffff;
	[tilespmem:v18+s22+$0x0] =	vst.idx.msk $0xffff, v15;
	v18 =	vor.u32 $0x5, v5  }
0x2a6: {  	[tilespmem:v19+s22+$0x0] =	vst.idx.msk $0xffff, v20;
	v19 =	vor.u32 $0x6, v52;
	v20 =	vor.u32 v57, v45;
	v12 =	vld.idx.msk [tilespmem:v55+s17+$0x0], $0xffff  }
0x2a7: {  	v37 =	vor.u32 $0x6, v0;
	v38 =	vor.u32 v57, v46;
	[tilespmem:v58+s22+$0x0] =	vst.idx.msk $0xffff, v11;
	v4 =	vld.idx.msk [tilespmem:v56+s17+$0x0], $0xffff  }
0x2a8: {  	v39 =	vor.u32 $0x6, v1;
	v3 =	vld.idx.msk [tilespmem:v59+s17+$0x0], $0xffff;
	[tilespmem:v16+s22+$0x0] =	vst.idx.msk $0xffff, v8;
	v16 =	vor.u32 v57, v47  }
0x2a9: {  	v41 =	vor.u32 $0x6, v2;
	[tilespmem:v35+s22+$0x0] =	vst.idx.msk $0xffff, v17;
	v10 =	vld.idx.msk [tilespmem:v60+s17+$0x0], $0xffff;
	v17 =	vor.u32 v57, v50  }
0x2aa: {  	v42 =	vor.u32 $0x6, v7;
	[tilespmem:v36+s22+$0x0] =	vst.idx.msk $0xffff, v9;
	v43 =	vld.idx.msk [tilespmem:v18+s17+$0x0], $0xffff;
	v18 =	vor.u32 v57, v34  }
0x2ab: {  	v48 =	vor.u32 v62, v44;
	v19 =	vld.idx.msk [tilespmem:v19+s17+$0x0], $0xffff;
	[tilespmem:v20+s22+$0x0] =	vst.idx.msk $0xffff, v12;
	v20 =	vor.u32 $0x6, v5  }
0x2ac: {  	v49 =	vor.u32 $0x7, v52;
	v51 =	vor.u32 v62, v45;
	[tilespmem:v38+s22+$0x0] =	vst.idx.msk $0xffff, v4;
	v11 =	vld.idx.msk [tilespmem:v37+s17+$0x0], $0xffff  }
0x2ad: {  	v0 =	vor.u32 $0x7, v0;
	v53 =	vor.u32 v62, v46;
	v52 =	vld.idx.msk [tilespmem:v39+s17+$0x0], $0xffff;
	[tilespmem:v16+s22+$0x0] =	vst.idx.msk $0xffff, v3  }
0x2ae: {  	v1 =	vor.u32 $0x7, v1;
	v55 =	vor.u32 v62, v47;
	[tilespmem:v17+s22+$0x0] =	vst.idx.msk $0xffff, v10;
	v54 =	vld.idx.msk [tilespmem:v41+s17+$0x0], $0xffff  }
0x2af: {  	v2 =	vor.u32 $0x7, v2;
	v56 =	vor.u32 v62, v50;
	[tilespmem:v18+s22+$0x0] =	vst.idx.msk $0xffff, v43;
	v9 =	vld.idx.msk [tilespmem:v42+s17+$0x0], $0xffff  }
0x2b0: {  	v7 =	vor.u32 $0x7, v7;
	v16 =	vor.u32 v62, v34;
	[tilespmem:v48+s22+$0x0] =	vst.idx.msk $0xffff, v19;
	v57 =	vld.idx.msk [tilespmem:v20+s17+$0x0], $0xffff  }
0x2b1: {  	v58 =	vor.u32 v63, v44;
	v5 =	vor.u32 $0x7, v5;
	v4 =	vld.idx.msk [tilespmem:v49+s17+$0x0], $0xffff;
	[tilespmem:v51+s22+$0x0] =	vst.idx.msk $0xffff, v11  }
0x2b2: {  	v59 =	vor.u32 v63, v45;
	[tilespmem:v53+s22+$0x0] =	vst.idx.msk $0xffff, v52;
	v0 =	vld.idx.msk [tilespmem:v0+s17+$0x0], $0xffff  }
0x2b3: {  	v60 =	vor.u32 v63, v46;
	v1 =	vld.idx.msk [tilespmem:v1+s17+$0x0], $0xffff;
	[tilespmem:v55+s22+$0x0] =	vst.idx.msk $0xffff, v54  }
0x2b4: {  	v61 =	vor.u32 v63, v47;
	[tilespmem:v56+s22+$0x0] =	vst.idx.msk $0xffff, v9;
	v2 =	vld.idx.msk [tilespmem:v2+s17+$0x0], $0xffff  }
0x2b5: {  	v62 =	vor.u32 v63, v50;
	[tilespmem:v16+s22+$0x0] =	vst.idx.msk $0xffff, v57;
	v7 =	vld.idx.msk [tilespmem:v7+s17+$0x0], $0xffff  }
0x2b6: {  	v63 =	vor.u32 v63, v34;
	[tilespmem:v58+s22+$0x0] =	vst.idx.msk $0xffff, v4;
	v5 =	vld.idx.msk [tilespmem:v5+s17+$0x0], $0xffff  }
0x2b7: {  	[tilespmem:v59+s22+$0x0] =	vst.idx.msk $0xffff, v0  }
0x2b8: {  	[tilespmem:v60+s22+$0x0] =	vst.idx.msk $0xffff, v1  }
0x2b9: {  	[tilespmem:v61+s22+$0x0] =	vst.idx.msk $0xffff, v2  }
0x2ba: {  	[tilespmem:v62+s22+$0x0] =	vst.idx.msk $0xffff, v7  }
0x2bb: {  	[tilespmem:v63+s22+$0x0] =	vst.idx.msk $0xffff, v5  }
0x2bc: {  	v28 =	vld [tilespmem:$0x1FE60]  }
0x2bd: {  	v62 =	vld [tilespmem:$0x1FE70]  }
0x2be: {  	v63 =	vld [tilespmem:$0x1FE80]  }
0x2bf: {  	v27 =	vld [tilespmem:$0x1FE90]  }
0x2c0: {  	v19 =	vld [tilespmem:$0x1FEA0]  }
0x2c1: {  	v31 =	vld [tilespmem:$0x1FEB0]  }
0x2c2: {  	v57 =	vld [tilespmem:$0x1FEE0]  }
0x2c3: {  	v34 =	vld [tilespmem:$0x1FEC0]  }
0x2c4: {  	s0 =	smul.u32 $0x600000, s30;
	s1 =	sshll.u32 s31, $0xF;
	v59 =	vld [tilespmem:$0x1FF00]  }
0x2c5: {  	s2 =	sand.u32 $0x7FF80000, s1;
	v36 =	vld [tilespmem:$0x1FED0]  }
0x2c6: {  	p1 =	sne.s32 s28, $0x60;
	s1 =	sand.u32 $0x78000, s1;
	s0 =	sadd.s32 s0, s2;
	v35 =	vld [tilespmem:$0x1FEF0]  }
.Ltmp2:
0x2c7: {  	s0 =	sor.u32 s1, s0;
	v20 =	vld [tilespmem:$0x1FF10];
	(pc) =	sbr.rel @p1 .LBB2_2-.Ltmp2, $4  }
0x2c8: {  	s31 =	sshll.u32 s26, $0xF;
	s0 =	sshrl.u32 s0, $0x3;
	v21 =	vld [tilespmem:$0x1FF20]  }
0x2c9: {  	s1 =	sor.u32 $0x2200, s31;
	s0 =	sadd.s32 s10, s0;
	v25 =	vimm.s32 $0x5;
	v26 =	vimm.s32 $0x6;
	v23 =	vimm.s32 $0x4;
	v38 =	vld [tilespmem:$0x1FF30]  }
0x2ca: {  	v22 =	vimm.s32 $0x3;
	v42 =	vimm.s32 $0x1;
	v43 =	vimm.s32 $0x2;
	v53 =	vmovc v29;
	v51 =	vmovc v40;
	[hbm4b:s0+s4] =	stream.linear.scatter [tilespmem:s1], [sflag:s29], $0x8000, $0x38;
	v29 =	vld [tilespmem:$0x1FF40]  }
0x2cb: {  	p0 =	por !p0, !p0;
	v54 =	vmovc v30;
	v55 =	vmovc v33;
	v56 =	vmov v32;
	v60 =	vmov v6;
	v61 =	vimm.s32 $0x7;
	s0 =	smov.u32 s28;
	v30 =	vld [tilespmem:$0x1FF50]  }
0x2cc: {  	s0 =	simm.s32 $0x3  }
0x2cd: {  	_ =	swait.ge [sflag:s0], $0x8000  }
0x2ce: {  	[sflag:s0] =	ssyncset.done $0x0  }
0x2cf: {  	s1 =	simm.s32 $0x4;
	[sflag:s0] =	ssyncadd.s32 $0xFFFF8000  }
0x2d0: {  	_ =	swait.ge [sflag:s1], $0x8000  }
0x2d1: {  	s2 =	rddreg [dreg:$0x9]  }
0x2d2: {  	s31 =	rddreg [dreg:$0x8];
	s2 =	sadd.s32 $0x1, s2  }
0x2d3: {  	p0 =	sne.s32 s2, s31  }
.Ltmp3:
0x2d4: {  	_ = 	snop;
	(pc) =	sbr.rel @p0 .LBB2_1-.Ltmp3, $3  }
0x2d5: {  	_ =	sdelay $0x1  }
0x2d6: {  	[sflag:s1] =	ssyncset.done $0x0  }
0x2d7: {  	[sflag:s1] =	ssyncadd.s32 $0xFFFF8000  }
0x2d8: {  	_ =	sfence.sel $0x180000  }
0x2d9: {  	[bflag:$0x0] =	sbarrier.arrive $0xFFFF  }
0x2da: {  	_ =	strace $0x90000047  }
0x2db: {  	s0 =	stileid.u32;
	[bflag:$0x2] =	sbarrier.arrive $0xFFFF  }
0x2dc: {  	p0 =	sne.s32 s0, $0x0;
	s0 =	rddreg [dreg:$0x3]  }
0x2dd: {  	s0 =	sadd.s32 @!p0 $0x100000, s0  }
0x2de: {  	[sflag:s0] =	ssyncadd.tile.s32 @!p0 $0x1;
	_ =	shalt  }
.Lfunc_end2:
_tile_overlayer_lowered:
.L_overlay_start_2:
0x2df: {  	(tag) =	ssettag $0x2  }
0x2e0: {  	s0 =	rddreg [dreg:$0x0];
	s2 =	stileid.u32  }
0x2e1: {  	s1 =	rddreg [dreg:$0x1];
	p0 =	sne.s32 s2, $0x0  }
0x2e2: {  	s3 =	rddreg [dreg:$0x2];
	[bflag:$0x3] =	sbarrier.arrive $0xFFFF;
	s2 =	simm.s32 @!p0 $0x1C07  }
0x2e3: {  	[timem:s3], [sflag:s2] =	dma.local @!p0 [hbm:s0], s1  }
0x2e4: {  	s0 =	simm.s32 @!p0 $0x7  }
0x2e5: {  	_ =	swait.ge @!p0 [sflag:s0], s1  }
0x2e6: {  	s1 =	ssub.s32 @!p0 $0x0, s1;
	[sflag:s0] =	ssyncset.done @!p0 $0x0  }
0x2e7: {  	[sflag:s0] =	ssyncadd.s32 @!p0 s1  }
0x2e8: {  	[bflag:$0x3] =	sbarrier.arrive $0xFFFF  }
0x2e9: {  	_ =	shalt  }

</sc_bundles>
